<compile_context>
chip_gen: v7x
topology: tpu7x:2x2x1
jax: 0.10.2.dev20260603
libtpu: 0.0.44.dev20260713+nightly
codegen_flags: <defaults>
</compile_context>

<pallas_src>
import functools

import jax
import jax.numpy as jnp
from jax import lax
from jax.experimental import pallas as pl
from jax.experimental.pallas import tpu as pltpu
from jax.experimental.pallas import tpu_sc as plsc

_C = 256
_KT = 8192


@functools.lru_cache(maxsize=None)
def _make_repack(B, V, D):
    H = B // 2
    nblk = H // _KT

    def body(a_ref, b_ref, w2_ref):
        ta = jnp.transpose(a_ref[...], (1, 0))
        tb = jnp.transpose(b_ref[...], (1, 0))
        w2_ref[...] = jnp.concatenate([ta, tb], axis=1)

    return pl.pallas_call(
        body,
        grid=(nblk,),
        in_specs=[
            pl.BlockSpec((D, _KT), lambda i: (0, i)),
            pl.BlockSpec((D, _KT), lambda i: (0, i + nblk)),
        ],
        out_specs=pl.BlockSpec((_KT, 2 * D), lambda i: (i, 0)),
        out_shape=jax.ShapeDtypeStruct((H, 2 * D), jnp.float32),
    )


@functools.lru_cache(maxsize=None)
def _make_lookup(B, V, D):
    info = plsc.get_sparse_core_info()
    num_workers = info.num_cores * info.num_subcores
    b_per_w = B // num_workers
    steps = b_per_w // _C
    assert steps % 2 == 0
    groups = steps // 2
    mesh = plsc.VectorSubcoreMesh(core_axis_name="c", subcore_axis_name="s")

    @functools.partial(
        pl.kernel,
        mesh=mesh,
        out_type=jax.ShapeDtypeStruct((D, B), jnp.float32),
        scratch_types=[
            pltpu.VMEM((b_per_w,), jnp.int32),
            pltpu.VMEM((_C,), jnp.int32),
            pltpu.VMEM((_C,), jnp.int32),
            pltpu.VMEM((_C, 2 * D), jnp.float32),
            pltpu.VMEM((_C, 2 * D), jnp.float32),
            pltpu.VMEM((D, _C), jnp.float32),
            pltpu.VMEM((D, _C), jnp.float32),
            pltpu.SemaphoreType.DMA,
            pltpu.SemaphoreType.DMA,
            pltpu.SemaphoreType.DMA,
            pltpu.SemaphoreType.DMA,
        ],
        compiler_params=pltpu.CompilerParams(
            use_tc_tiling_on_sc=True, needs_layout_passes=False
        ),
    )
    def lookup(idx_hbm, w2_hbm, outT_hbm, idx_v, i20, i21, g0, g1, s0, s1,
               gs0, gs1, ws0, ws1):
        wid = lax.axis_index("s") * info.num_cores + lax.axis_index("c")
        base = wid * b_per_w
        pltpu.sync_copy(idx_hbm.at[pl.ds(base, b_per_w)], idx_v)

        lanes = lax.iota(jnp.int32, 16)
        klanes = [lanes + 16 * kg for kg in range(_C // 16)]

        bufs = ((i20, g0, s0, gs0, ws0), (i21, g1, s1, gs1, ws1))

        H = B // 2

        def fire(t, i2, gbuf, gsem):
            def mk(i, carry):
                v = idx_v[pl.ds(t * _C + i * 16, 16)]
                ge = (v >= H).astype(jnp.int32)
                i2[pl.ds(i * 16, 16)] = v - ge * H
                return carry

            lax.fori_loop(0, _C // 16, mk, 0)
            return pltpu.async_copy(w2_hbm.at[i2], gbuf, gsem)

        def transpose(t, gbuf, slab):
            colbs = [
                (idx_v[pl.ds(t * _C + 16 * kg, 16)] >= H).astype(jnp.int32) * D
                for kg in range(_C // 16)
            ]

            def body(d, carry):
                rotv = (lanes + d) & 15
                for jg in range(D // 16):
                    jv = rotv + 16 * jg
                    for kg in range(_C // 16):
                        v = plsc.load_gather(gbuf,
                                             [klanes[kg], colbs[kg] + jv])
                        plsc.store_scatter(slab, [jv, klanes[kg]], v)
                return carry

            lax.fori_loop(0, 16, body, 0)

        def wb_descriptor(slab, t, wsem):
            c0 = pl.multiple_of(base + t * _C, 128)
            return pltpu.make_async_copy(
                slab, outT_hbm.at[:, pl.ds(c0, _C)], wsem
            )

        def gather_wait(gbuf, gsem):
            pltpu.make_async_copy(w2_hbm.at[i20], gbuf, gsem).wait()

        for b, (i2, gbuf, slab, gsem, wsem) in enumerate(bufs):
            fire(b, i2, gbuf, gsem)

        def group(g, carry):
            for b, (i2, gbuf, slab, gsem, wsem) in enumerate(bufs):
                t = g * 2 + b

                @pl.when(g > 0)
                def _(slab=slab, wsem=wsem, t=t):
                    wb_descriptor(slab, t - 2, wsem).wait()

                gather_wait(gbuf, gsem)
                transpose(t, gbuf, slab)
                wb_descriptor(slab, t, wsem).start()

                @pl.when(g + 1 < groups)
                def _(i2=i2, gbuf=gbuf, gsem=gsem, t=t):
                    fire(t + 2, i2, gbuf, gsem)

            return carry

        lax.fori_loop(0, groups, group, 0)
        for b, (i2, gbuf, slab, gsem, wsem) in enumerate(bufs):
            wb_descriptor(slab, (groups - 1) * 2 + b, wsem).wait()

    return lookup


def kernel(input, weights):
    B = input.shape[0]
    V, D = weights.shape
    wt = weights.T
    w2 = _make_repack(B, V, D)(wt, wt)
    outT = _make_lookup(B, V, D)(input, w2)
    return lax.stop_gradient(outT.T)

# --- scband reference (transcript-rebuilt; emitter-appended) ---
"""Pipeline reference for scband-sinusoidal-positional-embedding-47863115547233 (READ-ONLY COPY).

The authoritative reference and input builder live on the scoring server;
editing this copy changes nothing except your own understanding.
"""

import jax, jax.numpy as jnp
import numpy as np
import math

EMBEDDING_DIM = 64
INIT_SIZE = 1000000
N = 819200

def get_embedding(num_embeddings, embedding_dim):
    half_dim = embedding_dim // 2
    scale = math.log(10000) / (half_dim - 1)
    emb = jnp.exp(jnp.arange(half_dim, dtype=jnp.float32) * -scale)
    emb = jnp.arange(num_embeddings, dtype=jnp.float32)[:, None] * emb[None, :]
    emb = jnp.concatenate([jnp.sin(emb), jnp.cos(emb)], axis=1).reshape(num_embeddings, -1)
    if embedding_dim % 2 == 1:
        emb = jnp.concatenate([emb, jnp.zeros((num_embeddings, 1), dtype=jnp.float32)], axis=1)
    return emb

def setup_inputs(seed: int = 0) -> dict:
    key = jax.random.key(seed)
    inp = jax.random.randint(key, (N,), 0, N, dtype=jnp.int32)
    weights = get_embedding(INIT_SIZE, EMBEDDING_DIM)
    return {"input": inp, "weights": weights}

def reference(input, weights):
    # max_pos = input.shape[0] + 1 <= weights.shape[0], so no rebuild branch is taken.
    out = jnp.take(weights, input, axis=0)
    # torch forward runs under no_grad and returns .detach()
    return jax.lax.stop_gradient(out)

if __name__ == "__main__":
    import jax
    _d = setup_inputs()
    print(jax.jit(kernel)(*tuple(_d.values())))

</pallas_src>

<mosaic_0001>
#map = affine_map<(d0, d1) -> (0)>
#map1 = affine_map<(d0, d1) -> (0, 0)>
module attributes {stable_mosaic.version = 14 : i64} {
  func.func @lookup(%arg0: i32, %arg1: i32, %arg2: memref<819200xi32, #tpu.memory_space<hbm>>, %arg3: memref<409600x128xf32, #tpu.memory_space<hbm>>, %arg4: memref<64x819200xf32, #tpu.memory_space<hbm>>, %arg5: memref<25600xi32, #tpu.memory_space<vmem>>, %arg6: memref<256xi32, #tpu.memory_space<vmem>>, %arg7: memref<256xi32, #tpu.memory_space<vmem>>, %arg8: memref<256x128xf32, #tpu.memory_space<vmem>>, %arg9: memref<256x128xf32, #tpu.memory_space<vmem>>, %arg10: memref<64x256xf32, #tpu.memory_space<vmem>>, %arg11: memref<64x256xf32, #tpu.memory_space<vmem>>, %arg12: memref<!tpu.dma_semaphore, #tpu.memory_space<semaphore_mem>>, %arg13: memref<!tpu.dma_semaphore, #tpu.memory_space<semaphore_mem>>, %arg14: memref<!tpu.dma_semaphore, #tpu.memory_space<semaphore_mem>>, %arg15: memref<!tpu.dma_semaphore, #tpu.memory_space<semaphore_mem>>) attributes {dimension_semantics = [#tpu.dimension_semantics<core_parallel>, #tpu.dimension_semantics<subcore_parallel>], iteration_bounds = array<i64: 2, 16>, scalar_prefetch = 0 : i64, scratch_operands = 11 : i64, tpu.core_type = #tpu.core_type<sc_vector_subcore>, window_params = [{transform_indices = #map}, {transform_indices = #map1}, {transform_indices = #map1}]} {
    %mul3A = arith.constant 2 : i32
    %mul3A_0 = arith.muli %arg1, %mul3A : i32
    %add3A = arith.addi %mul3A_0, %arg0 : i32
    %mul3A_1 = arith.constant 25600 : i32
    %mul3A_2 = arith.muli %add3A, %mul3A_1 : i32
    "tpu.region"() ({
      %run_scoped3A = tpu.sem_alloc : memref<!tpu.dma_semaphore, #tpu.memory_space<semaphore_mem>>
      %dma_start3A_85 = tpu.memref_slice %arg2[%mul3A_2] : memref<819200xi32, #tpu.memory_space<hbm>> -> memref<25600xi32, #tpu.memory_space<hbm>>
      %dma_start3A_86 = tpu.memref_slice %arg2[%mul3A_2] : memref<819200xi32, #tpu.memory_space<hbm>> -> memref<25600xi32, #tpu.memory_space<hbm>>
      tpu.enqueue_dma source(%dma_start3A_86 : memref<25600xi32, #tpu.memory_space<hbm>>) target(%arg5 : memref<25600xi32, #tpu.memory_space<vmem>>) target_semaphore(%run_scoped3A : memref<!tpu.dma_semaphore, #tpu.memory_space<semaphore_mem>>)
      %dma_wait3A_87 = tpu.memref_slice %arg2[%mul3A_2] : memref<819200xi32, #tpu.memory_space<hbm>> -> memref<25600xi32, #tpu.memory_space<hbm>>
      %dma_wait3A_88 = tpu.memref_slice %arg2[%mul3A_2] : memref<819200xi32, #tpu.memory_space<hbm>> -> memref<25600xi32, #tpu.memory_space<hbm>>
      tpu.wait_dma2 semaphore(%run_scoped3A : memref<!tpu.dma_semaphore, #tpu.memory_space<semaphore_mem>>) src(%dma_wait3A_88 : memref<25600xi32, #tpu.memory_space<hbm>>) dst(%arg5 : memref<25600xi32, #tpu.memory_space<vmem>>)
      tpu.yield
    }) : () -> ()
    %iota3A = tpu.iota {dimensions = array<i32: 0>} : vector<16xi32>
    %add3A_3 = arith.constant 0 : i32
    %add3A_4 = vector.broadcast %add3A_3 : i32 to vector<16xi32>
    %add3A_5 = arith.addi %iota3A, %add3A_4 : vector<16xi32>
    %add3A_6 = arith.constant 16 : i32
    %add3A_7 = vector.broadcast %add3A_6 : i32 to vector<16xi32>
    %add3A_8 = arith.addi %iota3A, %add3A_7 : vector<16xi32>
    %add3A_9 = arith.constant 32 : i32
    %add3A_10 = vector.broadcast %add3A_9 : i32 to vector<16xi32>
    %add3A_11 = arith.addi %iota3A, %add3A_10 : vector<16xi32>
    %add3A_12 = arith.constant 48 : i32
    %add3A_13 = vector.broadcast %add3A_12 : i32 to vector<16xi32>
    %add3A_14 = arith.addi %iota3A, %add3A_13 : vector<16xi32>
    %add3A_15 = arith.constant 64 : i32
    %add3A_16 = vector.broadcast %add3A_15 : i32 to vector<16xi32>
    %add3A_17 = arith.addi %iota3A, %add3A_16 : vector<16xi32>
    %add3A_18 = arith.constant 80 : i32
    %add3A_19 = vector.broadcast %add3A_18 : i32 to vector<16xi32>
    %add3A_20 = arith.addi %iota3A, %add3A_19 : vector<16xi32>
    %add3A_21 = arith.constant 96 : i32
    %add3A_22 = vector.broadcast %add3A_21 : i32 to vector<16xi32>
    %add3A_23 = arith.addi %iota3A, %add3A_22 : vector<16xi32>
    %add3A_24 = arith.constant 112 : i32
    %add3A_25 = vector.broadcast %add3A_24 : i32 to vector<16xi32>
    %add3A_26 = arith.addi %iota3A, %add3A_25 : vector<16xi32>
    %add3A_27 = arith.constant 128 : i32
    %add3A_28 = vector.broadcast %add3A_27 : i32 to vector<16xi32>
    %add3A_29 = arith.addi %iota3A, %add3A_28 : vector<16xi32>
    %add3A_30 = arith.constant 144 : i32
    %add3A_31 = vector.broadcast %add3A_30 : i32 to vector<16xi32>
    %add3A_32 = arith.addi %iota3A, %add3A_31 : vector<16xi32>
    %add3A_33 = arith.constant 160 : i32
    %add3A_34 = vector.broadcast %add3A_33 : i32 to vector<16xi32>
    %add3A_35 = arith.addi %iota3A, %add3A_34 : vector<16xi32>
    %add3A_36 = arith.constant 176 : i32
    %add3A_37 = vector.broadcast %add3A_36 : i32 to vector<16xi32>
    %add3A_38 = arith.addi %iota3A, %add3A_37 : vector<16xi32>
    %add3A_39 = arith.constant 192 : i32
    %add3A_40 = vector.broadcast %add3A_39 : i32 to vector<16xi32>
    %add3A_41 = arith.addi %iota3A, %add3A_40 : vector<16xi32>
    %add3A_42 = arith.constant 208 : i32
    %add3A_43 = vector.broadcast %add3A_42 : i32 to vector<16xi32>
    %add3A_44 = arith.addi %iota3A, %add3A_43 : vector<16xi32>
    %add3A_45 = arith.constant 224 : i32
    %add3A_46 = vector.broadcast %add3A_45 : i32 to vector<16xi32>
    %add3A_47 = arith.addi %iota3A, %add3A_46 : vector<16xi32>
    %add3A_48 = arith.constant 240 : i32
    %add3A_49 = vector.broadcast %add3A_48 : i32 to vector<16xi32>
    %add3A_50 = arith.addi %iota3A, %add3A_49 : vector<16xi32>
    %scan3A = arith.constant 0 : i32
    %scan3A_51 = arith.constant 0 : i32
    %scan3A_52 = arith.constant 16 : i32
    %scan3A_53 = arith.addi %scan3A_51, %scan3A_52 : i32
    %scan3A_54 = arith.constant 1 : i32
    scf.for %scan3A_85 = %scan3A_51 to %scan3A_53 step %scan3A_54  : i32 {
      %mul3A_86 = arith.constant 16 : i32
      %mul3A_87 = arith.muli %scan3A_85, %mul3A_86 : i32
      %add3A_88 = arith.constant 0 : i32
      %add3A_89 = arith.addi %add3A_88, %mul3A_87 : i32
      %get3A = arith.index_cast %add3A_89 : i32 to index
      %get3A_90 = tpu.vector_load %arg5[%get3A] {strides = array<i32>} : memref<25600xi32, #tpu.memory_space<vmem>>, vector<16xi32>,
      %ge3A = arith.constant 409600 : i32
      %ge3A_91 = vector.broadcast %ge3A : i32 to vector<16xi32>
      %ge3A_92 = arith.cmpi sge, %get3A_90, %ge3A_91 : vector<16xi32>
      %convert_element_type3A = arith.extui %ge3A_92 : vector<16xi1> to vector<16xi32>
      %mul3A_93 = arith.constant 409600 : i32
      %mul3A_94 = vector.broadcast %mul3A_93 : i32 to vector<16xi32>
      %mul3A_95 = arith.muli %convert_element_type3A, %mul3A_94 : vector<16xi32>
      %sub3A = arith.subi %get3A_90, %mul3A_95 : vector<16xi32>
      %mul3A_96 = arith.constant 16 : i32
      %mul3A_97 = arith.muli %scan3A_85, %mul3A_96 : i32
      %swap3A = arith.index_cast %mul3A_97 : i32 to index
      %swap3A_98 = tpu.vector_load %arg6[%swap3A] {strides = array<i32>} : memref<256xi32, #tpu.memory_space<vmem>>, vector<16xi32>,
      tpu.vector_store %arg6[%swap3A], %sub3A {strides = array<i32>} : memref<256xi32, #tpu.memory_space<vmem>>, vector<16xi32>,
    }
    %scan3A_55 = arith.constant 16 : i32
    %dma_start3A = arith.constant 0 : i32
    %dma_start3A_56 = arith.constant 0 : i32
    %dma_start3A_57 = tpu.memref_slice %arg3[%dma_start3A, %dma_start3A_56] : memref<409600x128xf32, #tpu.memory_space<hbm>> -> memref<409600x128xf32, #tpu.memory_space<hbm>>
    tpu.enqueue_indirect_dma source(%dma_start3A_57 : memref<409600x128xf32, #tpu.memory_space<hbm>>) target(%arg8 : memref<256x128xf32, #tpu.memory_space<vmem>>) offsets(%arg6 : memref<256xi32, #tpu.memory_space<vmem>>) semaphore(%arg12 : memref<!tpu.dma_semaphore, #tpu.memory_space<semaphore_mem>>)
    %scan3A_58 = arith.constant 0 : i32
    %scan3A_59 = arith.constant 0 : i32
    %scan3A_60 = arith.constant 16 : i32
    %scan3A_61 = arith.addi %scan3A_59, %scan3A_60 : i32
    %scan3A_62 = arith.constant 1 : i32
    scf.for %scan3A_85 = %scan3A_59 to %scan3A_61 step %scan3A_62  : i32 {
      %mul3A_86 = arith.constant 16 : i32
      %mul3A_87 = arith.muli %scan3A_85, %mul3A_86 : i32
      %add3A_88 = arith.constant 256 : i32
      %add3A_89 = arith.addi %add3A_88, %mul3A_87 : i32
      %get3A = arith.index_cast %add3A_89 : i32 to index
      %get3A_90 = tpu.vector_load %arg5[%get3A] {strides = array<i32>} : memref<25600xi32, #tpu.memory_space<vmem>>, vector<16xi32>,
      %ge3A = arith.constant 409600 : i32
      %ge3A_91 = vector.broadcast %ge3A : i32 to vector<16xi32>
      %ge3A_92 = arith.cmpi sge, %get3A_90, %ge3A_91 : vector<16xi32>
      %convert_element_type3A = arith.extui %ge3A_92 : vector<16xi1> to vector<16xi32>
      %mul3A_93 = arith.constant 409600 : i32
      %mul3A_94 = vector.broadcast %mul3A_93 : i32 to vector<16xi32>
      %mul3A_95 = arith.muli %convert_element_type3A, %mul3A_94 : vector<16xi32>
      %sub3A = arith.subi %get3A_90, %mul3A_95 : vector<16xi32>
      %mul3A_96 = arith.constant 16 : i32
      %mul3A_97 = arith.muli %scan3A_85, %mul3A_96 : i32
      %swap3A = arith.index_cast %mul3A_97 : i32 to index
      %swap3A_98 = tpu.vector_load %arg7[%swap3A] {strides = array<i32>} : memref<256xi32, #tpu.memory_space<vmem>>, vector<16xi32>,
      tpu.vector_store %arg7[%swap3A], %sub3A {strides = array<i32>} : memref<256xi32, #tpu.memory_space<vmem>>, vector<16xi32>,
    }
    %scan3A_63 = arith.constant 16 : i32
    %dma_start3A_64 = arith.constant 0 : i32
    %dma_start3A_65 = arith.constant 0 : i32
    %dma_start3A_66 = tpu.memref_slice %arg3[%dma_start3A_64, %dma_start3A_65] : memref<409600x128xf32, #tpu.memory_space<hbm>> -> memref<409600x128xf32, #tpu.memory_space<hbm>>
    tpu.enqueue_indirect_dma source(%dma_start3A_66 : memref<409600x128xf32, #tpu.memory_space<hbm>>) target(%arg9 : memref<256x128xf32, #tpu.memory_space<vmem>>) offsets(%arg7 : memref<256xi32, #tpu.memory_space<vmem>>) semaphore(%arg13 : memref<!tpu.dma_semaphore, #tpu.memory_space<semaphore_mem>>)
    %scan3A_67 = arith.constant 0 : i32
    %scan3A_68 = arith.constant 0 : i32
    %scan3A_69 = arith.constant 50 : i32
    %scan3A_70 = arith.addi %scan3A_68, %scan3A_69 : i32
    %scan3A_71 = arith.constant 1 : i32
    scf.for %scan3A_85 = %scan3A_68 to %scan3A_70 step %scan3A_71  : i32 {
      %mul3A_86 = arith.constant 2 : i32
      %mul3A_87 = arith.muli %scan3A_85, %mul3A_86 : i32
      %add3A_88 = arith.constant 0 : i32
      %add3A_89 = arith.addi %mul3A_87, %add3A_88 : i32
      %gt3A = arith.constant 0 : i32
      %gt3A_90 = arith.cmpi sgt, %scan3A_85, %gt3A : i32
      %convert_element_type3A = arith.extui %gt3A_90 : i1 to i32
      %cond3A = arith.constant 0 : i32
      %cond3A_91 = arith.cmpi ne, %convert_element_type3A, %cond3A : i32
      scf.if %cond3A_91 {
        %sub3A = arith.constant 2 : i32
        %sub3A_562 = arith.subi %add3A_89, %sub3A : i32
        %mul3A_563 = arith.constant 256 : i32
        %mul3A_564 = arith.muli %sub3A_562, %mul3A_563 : i32
        %add3A_565 = arith.addi %mul3A_2, %mul3A_564 : i32
        %multiple_of3A_566 = tpu.assume_multiple %add3A_565, 128 : i32
        %dma_wait3A_567 = arith.constant 0 : i32
        %dma_wait3A_568 = tpu.memref_slice %arg4[%dma_wait3A_567, %multiple_of3A_566] : memref<64x819200xf32, #tpu.memory_space<hbm>> -> memref<64x256xf32, #tpu.memory_space<hbm>>
        %dma_wait3A_569 = arith.constant 0 : i32
        %dma_wait3A_570 = tpu.memref_slice %arg4[%dma_wait3A_569, %multiple_of3A_566] : memref<64x819200xf32, #tpu.memory_space<hbm>> -> memref<64x256xf32, #tpu.memory_space<hbm>>
        tpu.wait_dma2 semaphore(%arg14 : memref<!tpu.dma_semaphore, #tpu.memory_space<semaphore_mem>>) src(%arg10 : memref<64x256xf32, #tpu.memory_space<vmem>>) dst(%dma_wait3A_570 : memref<64x256xf32, #tpu.memory_space<hbm>>)
      } else {
      }
      %dma_wait3A_92 = arith.constant 0 : i32
      %dma_wait3A_93 = arith.constant 0 : i32
      %dma_wait3A_94 = tpu.memref_slice %arg3[%dma_wait3A_92, %dma_wait3A_93] : memref<409600x128xf32, #tpu.memory_space<hbm>> -> memref<409600x128xf32, #tpu.memory_space<hbm>>
      tpu.wait_indirect_dma semaphore(%arg12 : memref<!tpu.dma_semaphore, #tpu.memory_space<semaphore_mem>>) src(%dma_wait3A_94 : memref<409600x128xf32, #tpu.memory_space<hbm>>) dst(%arg8 : memref<256x128xf32, #tpu.memory_space<vmem>>)
      %mul3A_95 = arith.constant 256 : i32
      %mul3A_96 = arith.muli %add3A_89, %mul3A_95 : i32
      %add3A_97 = arith.constant 0 : i32
      %add3A_98 = arith.addi %mul3A_96, %add3A_97 : i32
      %get3A = arith.index_cast %add3A_98 : i32 to index
      %get3A_99 = tpu.vector_load %arg5[%get3A] {strides = array<i32>} : memref<25600xi32, #tpu.memory_space<vmem>>, vector<16xi32>,
      %ge3A = arith.constant 409600 : i32
      %ge3A_100 = vector.broadcast %ge3A : i32 to vector<16xi32>
      %ge3A_101 = arith.cmpi sge, %get3A_99, %ge3A_100 : vector<16xi32>
      %convert_element_type3A_102 = arith.extui %ge3A_101 : vector<16xi1> to vector<16xi32>
      %mul3A_103 = arith.constant 64 : i32
      %mul3A_104 = vector.broadcast %mul3A_103 : i32 to vector<16xi32>
      %mul3A_105 = arith.muli %convert_element_type3A_102, %mul3A_104 : vector<16xi32>
      %mul3A_106 = arith.constant 256 : i32
      %mul3A_107 = arith.muli %add3A_89, %mul3A_106 : i32
      %add3A_108 = arith.constant 16 : i32
      %add3A_109 = arith.addi %mul3A_107, %add3A_108 : i32
      %get3A_110 = arith.index_cast %add3A_109 : i32 to index
      %get3A_111 = tpu.vector_load %arg5[%get3A_110] {strides = array<i32>} : memref<25600xi32, #tpu.memory_space<vmem>>, vector<16xi32>,
      %ge3A_112 = arith.constant 409600 : i32
      %ge3A_113 = vector.broadcast %ge3A_112 : i32 to vector<16xi32>
      %ge3A_114 = arith.cmpi sge, %get3A_111, %ge3A_113 : vector<16xi32>
      %convert_element_type3A_115 = arith.extui %ge3A_114 : vector<16xi1> to vector<16xi32>
      %mul3A_116 = arith.constant 64 : i32
      %mul3A_117 = vector.broadcast %mul3A_116 : i32 to vector<16xi32>
      %mul3A_118 = arith.muli %convert_element_type3A_115, %mul3A_117 : vector<16xi32>
      %mul3A_119 = arith.constant 256 : i32
      %mul3A_120 = arith.muli %add3A_89, %mul3A_119 : i32
      %add3A_121 = arith.constant 32 : i32
      %add3A_122 = arith.addi %mul3A_120, %add3A_121 : i32
      %get3A_123 = arith.index_cast %add3A_122 : i32 to index
      %get3A_124 = tpu.vector_load %arg5[%get3A_123] {strides = array<i32>} : memref<25600xi32, #tpu.memory_space<vmem>>, vector<16xi32>,
      %ge3A_125 = arith.constant 409600 : i32
      %ge3A_126 = vector.broadcast %ge3A_125 : i32 to vector<16xi32>
      %ge3A_127 = arith.cmpi sge, %get3A_124, %ge3A_126 : vector<16xi32>
      %convert_element_type3A_128 = arith.extui %ge3A_127 : vector<16xi1> to vector<16xi32>
      %mul3A_129 = arith.constant 64 : i32
      %mul3A_130 = vector.broadcast %mul3A_129 : i32 to vector<16xi32>
      %mul3A_131 = arith.muli %convert_element_type3A_128, %mul3A_130 : vector<16xi32>
      %mul3A_132 = arith.constant 256 : i32
      %mul3A_133 = arith.muli %add3A_89, %mul3A_132 : i32
      %add3A_134 = arith.constant 48 : i32
      %add3A_135 = arith.addi %mul3A_133, %add3A_134 : i32
      %get3A_136 = arith.index_cast %add3A_135 : i32 to index
      %get3A_137 = tpu.vector_load %arg5[%get3A_136] {strides = array<i32>} : memref<25600xi32, #tpu.memory_space<vmem>>, vector<16xi32>,
      %ge3A_138 = arith.constant 409600 : i32
      %ge3A_139 = vector.broadcast %ge3A_138 : i32 to vector<16xi32>
      %ge3A_140 = arith.cmpi sge, %get3A_137, %ge3A_139 : vector<16xi32>
      %convert_element_type3A_141 = arith.extui %ge3A_140 : vector<16xi1> to vector<16xi32>
      %mul3A_142 = arith.constant 64 : i32
      %mul3A_143 = vector.broadcast %mul3A_142 : i32 to vector<16xi32>
      %mul3A_144 = arith.muli %convert_element_type3A_141, %mul3A_143 : vector<16xi32>
      %mul3A_145 = arith.constant 256 : i32
      %mul3A_146 = arith.muli %add3A_89, %mul3A_145 : i32
      %add3A_147 = arith.constant 64 : i32
      %add3A_148 = arith.addi %mul3A_146, %add3A_147 : i32
      %get3A_149 = arith.index_cast %add3A_148 : i32 to index
      %get3A_150 = tpu.vector_load %arg5[%get3A_149] {strides = array<i32>} : memref<25600xi32, #tpu.memory_space<vmem>>, vector<16xi32>,
      %ge3A_151 = arith.constant 409600 : i32
      %ge3A_152 = vector.broadcast %ge3A_151 : i32 to vector<16xi32>
      %ge3A_153 = arith.cmpi sge, %get3A_150, %ge3A_152 : vector<16xi32>
      %convert_element_type3A_154 = arith.extui %ge3A_153 : vector<16xi1> to vector<16xi32>
      %mul3A_155 = arith.constant 64 : i32
      %mul3A_156 = vector.broadcast %mul3A_155 : i32 to vector<16xi32>
      %mul3A_157 = arith.muli %convert_element_type3A_154, %mul3A_156 : vector<16xi32>
      %mul3A_158 = arith.constant 256 : i32
      %mul3A_159 = arith.muli %add3A_89, %mul3A_158 : i32
      %add3A_160 = arith.constant 80 : i32
      %add3A_161 = arith.addi %mul3A_159, %add3A_160 : i32
      %get3A_162 = arith.index_cast %add3A_161 : i32 to index
      %get3A_163 = tpu.vector_load %arg5[%get3A_162] {strides = array<i32>} : memref<25600xi32, #tpu.memory_space<vmem>>, vector<16xi32>,
      %ge3A_164 = arith.constant 409600 : i32
      %ge3A_165 = vector.broadcast %ge3A_164 : i32 to vector<16xi32>
      %ge3A_166 = arith.cmpi sge, %get3A_163, %ge3A_165 : vector<16xi32>
      %convert_element_type3A_167 = arith.extui %ge3A_166 : vector<16xi1> to vector<16xi32>
      %mul3A_168 = arith.constant 64 : i32
      %mul3A_169 = vector.broadcast %mul3A_168 : i32 to vector<16xi32>
      %mul3A_170 = arith.muli %convert_element_type3A_167, %mul3A_169 : vector<16xi32>
      %mul3A_171 = arith.constant 256 : i32
      %mul3A_172 = arith.muli %add3A_89, %mul3A_171 : i32
      %add3A_173 = arith.constant 96 : i32
      %add3A_174 = arith.addi %mul3A_172, %add3A_173 : i32
      %get3A_175 = arith.index_cast %add3A_174 : i32 to index
      %get3A_176 = tpu.vector_load %arg5[%get3A_175] {strides = array<i32>} : memref<25600xi32, #tpu.memory_space<vmem>>, vector<16xi32>,
      %ge3A_177 = arith.constant 409600 : i32
      %ge3A_178 = vector.broadcast %ge3A_177 : i32 to vector<16xi32>
      %ge3A_179 = arith.cmpi sge, %get3A_176, %ge3A_178 : vector<16xi32>
      %convert_element_type3A_180 = arith.extui %ge3A_179 : vector<16xi1> to vector<16xi32>
      %mul3A_181 = arith.constant 64 : i32
      %mul3A_182 = vector.broadcast %mul3A_181 : i32 to vector<16xi32>
      %mul3A_183 = arith.muli %convert_element_type3A_180, %mul3A_182 : vector<16xi32>
      %mul3A_184 = arith.constant 256 : i32
      %mul3A_185 = arith.muli %add3A_89, %mul3A_184 : i32
      %add3A_186 = arith.constant 112 : i32
      %add3A_187 = arith.addi %mul3A_185, %add3A_186 : i32
      %get3A_188 = arith.index_cast %add3A_187 : i32 to index
      %get3A_189 = tpu.vector_load %arg5[%get3A_188] {strides = array<i32>} : memref<25600xi32, #tpu.memory_space<vmem>>, vector<16xi32>,
      %ge3A_190 = arith.constant 409600 : i32
      %ge3A_191 = vector.broadcast %ge3A_190 : i32 to vector<16xi32>
      %ge3A_192 = arith.cmpi sge, %get3A_189, %ge3A_191 : vector<16xi32>
      %convert_element_type3A_193 = arith.extui %ge3A_192 : vector<16xi1> to vector<16xi32>
      %mul3A_194 = arith.constant 64 : i32
      %mul3A_195 = vector.broadcast %mul3A_194 : i32 to vector<16xi32>
      %mul3A_196 = arith.muli %convert_element_type3A_193, %mul3A_195 : vector<16xi32>
      %mul3A_197 = arith.constant 256 : i32
      %mul3A_198 = arith.muli %add3A_89, %mul3A_197 : i32
      %add3A_199 = arith.constant 128 : i32
      %add3A_200 = arith.addi %mul3A_198, %add3A_199 : i32
      %get3A_201 = arith.index_cast %add3A_200 : i32 to index
      %get3A_202 = tpu.vector_load %arg5[%get3A_201] {strides = array<i32>} : memref<25600xi32, #tpu.memory_space<vmem>>, vector<16xi32>,
      %ge3A_203 = arith.constant 409600 : i32
      %ge3A_204 = vector.broadcast %ge3A_203 : i32 to vector<16xi32>
      %ge3A_205 = arith.cmpi sge, %get3A_202, %ge3A_204 : vector<16xi32>
      %convert_element_type3A_206 = arith.extui %ge3A_205 : vector<16xi1> to vector<16xi32>
      %mul3A_207 = arith.constant 64 : i32
      %mul3A_208 = vector.broadcast %mul3A_207 : i32 to vector<16xi32>
      %mul3A_209 = arith.muli %convert_element_type3A_206, %mul3A_208 : vector<16xi32>
      %mul3A_210 = arith.constant 256 : i32
      %mul3A_211 = arith.muli %add3A_89, %mul3A_210 : i32
      %add3A_212 = arith.constant 144 : i32
      %add3A_213 = arith.addi %mul3A_211, %add3A_212 : i32
      %get3A_214 = arith.index_cast %add3A_213 : i32 to index
      %get3A_215 = tpu.vector_load %arg5[%get3A_214] {strides = array<i32>} : memref<25600xi32, #tpu.memory_space<vmem>>, vector<16xi32>,
      %ge3A_216 = arith.constant 409600 : i32
      %ge3A_217 = vector.broadcast %ge3A_216 : i32 to vector<16xi32>
      %ge3A_218 = arith.cmpi sge, %get3A_215, %ge3A_217 : vector<16xi32>
      %convert_element_type3A_219 = arith.extui %ge3A_218 : vector<16xi1> to vector<16xi32>
      %mul3A_220 = arith.constant 64 : i32
      %mul3A_221 = vector.broadcast %mul3A_220 : i32 to vector<16xi32>
      %mul3A_222 = arith.muli %convert_element_type3A_219, %mul3A_221 : vector<16xi32>
      %mul3A_223 = arith.constant 256 : i32
      %mul3A_224 = arith.muli %add3A_89, %mul3A_223 : i32
      %add3A_225 = arith.constant 160 : i32
      %add3A_226 = arith.addi %mul3A_224, %add3A_225 : i32
      %get3A_227 = arith.index_cast %add3A_226 : i32 to index
      %get3A_228 = tpu.vector_load %arg5[%get3A_227] {strides = array<i32>} : memref<25600xi32, #tpu.memory_space<vmem>>, vector<16xi32>,
      %ge3A_229 = arith.constant 409600 : i32
      %ge3A_230 = vector.broadcast %ge3A_229 : i32 to vector<16xi32>
      %ge3A_231 = arith.cmpi sge, %get3A_228, %ge3A_230 : vector<16xi32>
      %convert_element_type3A_232 = arith.extui %ge3A_231 : vector<16xi1> to vector<16xi32>
      %mul3A_233 = arith.constant 64 : i32
      %mul3A_234 = vector.broadcast %mul3A_233 : i32 to vector<16xi32>
      %mul3A_235 = arith.muli %convert_element_type3A_232, %mul3A_234 : vector<16xi32>
      %mul3A_236 = arith.constant 256 : i32
      %mul3A_237 = arith.muli %add3A_89, %mul3A_236 : i32
      %add3A_238 = arith.constant 176 : i32
      %add3A_239 = arith.addi %mul3A_237, %add3A_238 : i32
      %get3A_240 = arith.index_cast %add3A_239 : i32 to index
      %get3A_241 = tpu.vector_load %arg5[%get3A_240] {strides = array<i32>} : memref<25600xi32, #tpu.memory_space<vmem>>, vector<16xi32>,
      %ge3A_242 = arith.constant 409600 : i32
      %ge3A_243 = vector.broadcast %ge3A_242 : i32 to vector<16xi32>
      %ge3A_244 = arith.cmpi sge, %get3A_241, %ge3A_243 : vector<16xi32>
      %convert_element_type3A_245 = arith.extui %ge3A_244 : vector<16xi1> to vector<16xi32>
      %mul3A_246 = arith.constant 64 : i32
      %mul3A_247 = vector.broadcast %mul3A_246 : i32 to vector<16xi32>
      %mul3A_248 = arith.muli %convert_element_type3A_245, %mul3A_247 : vector<16xi32>
      %mul3A_249 = arith.constant 256 : i32
      %mul3A_250 = arith.muli %add3A_89, %mul3A_249 : i32
      %add3A_251 = arith.constant 192 : i32
      %add3A_252 = arith.addi %mul3A_250, %add3A_251 : i32
      %get3A_253 = arith.index_cast %add3A_252 : i32 to index
      %get3A_254 = tpu.vector_load %arg5[%get3A_253] {strides = array<i32>} : memref<25600xi32, #tpu.memory_space<vmem>>, vector<16xi32>,
      %ge3A_255 = arith.constant 409600 : i32
      %ge3A_256 = vector.broadcast %ge3A_255 : i32 to vector<16xi32>
      %ge3A_257 = arith.cmpi sge, %get3A_254, %ge3A_256 : vector<16xi32>
      %convert_element_type3A_258 = arith.extui %ge3A_257 : vector<16xi1> to vector<16xi32>
      %mul3A_259 = arith.constant 64 : i32
      %mul3A_260 = vector.broadcast %mul3A_259 : i32 to vector<16xi32>
      %mul3A_261 = arith.muli %convert_element_type3A_258, %mul3A_260 : vector<16xi32>
      %mul3A_262 = arith.constant 256 : i32
      %mul3A_263 = arith.muli %add3A_89, %mul3A_262 : i32
      %add3A_264 = arith.constant 208 : i32
      %add3A_265 = arith.addi %mul3A_263, %add3A_264 : i32
      %get3A_266 = arith.index_cast %add3A_265 : i32 to index
      %get3A_267 = tpu.vector_load %arg5[%get3A_266] {strides = array<i32>} : memref<25600xi32, #tpu.memory_space<vmem>>, vector<16xi32>,
      %ge3A_268 = arith.constant 409600 : i32
      %ge3A_269 = vector.broadcast %ge3A_268 : i32 to vector<16xi32>
      %ge3A_270 = arith.cmpi sge, %get3A_267, %ge3A_269 : vector<16xi32>
      %convert_element_type3A_271 = arith.extui %ge3A_270 : vector<16xi1> to vector<16xi32>
      %mul3A_272 = arith.constant 64 : i32
      %mul3A_273 = vector.broadcast %mul3A_272 : i32 to vector<16xi32>
      %mul3A_274 = arith.muli %convert_element_type3A_271, %mul3A_273 : vector<16xi32>
      %mul3A_275 = arith.constant 256 : i32
      %mul3A_276 = arith.muli %add3A_89, %mul3A_275 : i32
      %add3A_277 = arith.constant 224 : i32
      %add3A_278 = arith.addi %mul3A_276, %add3A_277 : i32
      %get3A_279 = arith.index_cast %add3A_278 : i32 to index
      %get3A_280 = tpu.vector_load %arg5[%get3A_279] {strides = array<i32>} : memref<25600xi32, #tpu.memory_space<vmem>>, vector<16xi32>,
      %ge3A_281 = arith.constant 409600 : i32
      %ge3A_282 = vector.broadcast %ge3A_281 : i32 to vector<16xi32>
      %ge3A_283 = arith.cmpi sge, %get3A_280, %ge3A_282 : vector<16xi32>
      %convert_element_type3A_284 = arith.extui %ge3A_283 : vector<16xi1> to vector<16xi32>
      %mul3A_285 = arith.constant 64 : i32
      %mul3A_286 = vector.broadcast %mul3A_285 : i32 to vector<16xi32>
      %mul3A_287 = arith.muli %convert_element_type3A_284, %mul3A_286 : vector<16xi32>
      %mul3A_288 = arith.constant 256 : i32
      %mul3A_289 = arith.muli %add3A_89, %mul3A_288 : i32
      %add3A_290 = arith.constant 240 : i32
      %add3A_291 = arith.addi %mul3A_289, %add3A_290 : i32
      %get3A_292 = arith.index_cast %add3A_291 : i32 to index
      %get3A_293 = tpu.vector_load %arg5[%get3A_292] {strides = array<i32>} : memref<25600xi32, #tpu.memory_space<vmem>>, vector<16xi32>,
      %ge3A_294 = arith.constant 409600 : i32
      %ge3A_295 = vector.broadcast %ge3A_294 : i32 to vector<16xi32>
      %ge3A_296 = arith.cmpi sge, %get3A_293, %ge3A_295 : vector<16xi32>
      %convert_element_type3A_297 = arith.extui %ge3A_296 : vector<16xi1> to vector<16xi32>
      %mul3A_298 = arith.constant 64 : i32
      %mul3A_299 = vector.broadcast %mul3A_298 : i32 to vector<16xi32>
      %mul3A_300 = arith.muli %convert_element_type3A_297, %mul3A_299 : vector<16xi32>
      %scan3A_301 = arith.constant 0 : i32
      %scan3A_302 = arith.constant 0 : i32
      %scan3A_303 = arith.constant 16 : i32
      %scan3A_304 = arith.addi %scan3A_302, %scan3A_303 : i32
      %scan3A_305 = arith.constant 1 : i32
      scf.for %scan3A_562 = %scan3A_302 to %scan3A_304 step %scan3A_305  : i32 {
        %add3A_563 = vector.broadcast %scan3A_562 : i32 to vector<16xi32>
        %add3A_564 = arith.addi %iota3A, %add3A_563 : vector<16xi32>
        %and3A = arith.constant 15 : i32
        %and3A_565 = vector.broadcast %and3A : i32 to vector<16xi32>
        %and3A_566 = arith.andi %add3A_564, %and3A_565 : vector<16xi32>
        %add3A_567 = arith.constant 0 : i32
        %add3A_568 = vector.broadcast %add3A_567 : i32 to vector<16xi32>
        %add3A_569 = arith.addi %and3A_566, %add3A_568 : vector<16xi32>
        %add3A_570 = arith.addi %mul3A_105, %add3A_569 : vector<16xi32>
        %gather3A = tpu.vector_load_idx %arg8[%add3A_5, %add3A_570] : memref<256x128xf32, #tpu.memory_space<vmem>>[vector<16xi32>, vector<16xi32>], vector<16xf32>,
        tpu.vector_store_idx %arg10[%add3A_569, %add3A_5], %gather3A : memref<64x256xf32, #tpu.memory_space<vmem>>[vector<16xi32>, vector<16xi32>], vector<16xf32>,
        %add3A_571 = arith.addi %mul3A_118, %add3A_569 : vector<16xi32>
        %gather3A_572 = tpu.vector_load_idx %arg8[%add3A_8, %add3A_571] : memref<256x128xf32, #tpu.memory_space<vmem>>[vector<16xi32>, vector<16xi32>], vector<16xf32>,
        tpu.vector_store_idx %arg10[%add3A_569, %add3A_8], %gather3A_572 : memref<64x256xf32, #tpu.memory_space<vmem>>[vector<16xi32>, vector<16xi32>], vector<16xf32>,
        %add3A_573 = arith.addi %mul3A_131, %add3A_569 : vector<16xi32>
        %gather3A_574 = tpu.vector_load_idx %arg8[%add3A_11, %add3A_573] : memref<256x128xf32, #tpu.memory_space<vmem>>[vector<16xi32>, vector<16xi32>], vector<16xf32>,
        tpu.vector_store_idx %arg10[%add3A_569, %add3A_11], %gather3A_574 : memref<64x256xf32, #tpu.memory_space<vmem>>[vector<16xi32>, vector<16xi32>], vector<16xf32>,
        %add3A_575 = arith.addi %mul3A_144, %add3A_569 : vector<16xi32>
        %gather3A_576 = tpu.vector_load_idx %arg8[%add3A_14, %add3A_575] : memref<256x128xf32, #tpu.memory_space<vmem>>[vector<16xi32>, vector<16xi32>], vector<16xf32>,
        tpu.vector_store_idx %arg10[%add3A_569, %add3A_14], %gather3A_576 : memref<64x256xf32, #tpu.memory_space<vmem>>[vector<16xi32>, vector<16xi32>], vector<16xf32>,
        %add3A_577 = arith.addi %mul3A_157, %add3A_569 : vector<16xi32>
        %gather3A_578 = tpu.vector_load_idx %arg8[%add3A_17, %add3A_577] : memref<256x128xf32, #tpu.memory_space<vmem>>[vector<16xi32>, vector<16xi32>], vector<16xf32>,
        tpu.vector_store_idx %arg10[%add3A_569, %add3A_17], %gather3A_578 : memref<64x256xf32, #tpu.memory_space<vmem>>[vector<16xi32>, vector<16xi32>], vector<16xf32>,
        %add3A_579 = arith.addi %mul3A_170, %add3A_569 : vector<16xi32>
        %gather3A_580 = tpu.vector_load_idx %arg8[%add3A_20, %add3A_579] : memref<256x128xf32, #tpu.memory_space<vmem>>[vector<16xi32>, vector<16xi32>], vector<16xf32>,
        tpu.vector_store_idx %arg10[%add3A_569, %add3A_20], %gather3A_580 : memref<64x256xf32, #tpu.memory_space<vmem>>[vector<16xi32>, vector<16xi32>], vector<16xf32>,
        %add3A_581 = arith.addi %mul3A_183, %add3A_569 : vector<16xi32>
        %gather3A_582 = tpu.vector_load_idx %arg8[%add3A_23, %add3A_581] : memref<256x128xf32, #tpu.memory_space<vmem>>[vector<16xi32>, vector<16xi32>], vector<16xf32>,
        tpu.vector_store_idx %arg10[%add3A_569, %add3A_23], %gather3A_582 : memref<64x256xf32, #tpu.memory_space<vmem>>[vector<16xi32>, vector<16xi32>], vector<16xf32>,
        %add3A_583 = arith.addi %mul3A_196, %add3A_569 : vector<16xi32>
        %gather3A_584 = tpu.vector_load_idx %arg8[%add3A_26, %add3A_583] : memref<256x128xf32, #tpu.memory_space<vmem>>[vector<16xi32>, vector<16xi32>], vector<16xf32>,
        tpu.vector_store_idx %arg10[%add3A_569, %add3A_26], %gather3A_584 : memref<64x256xf32, #tpu.memory_space<vmem>>[vector<16xi32>, vector<16xi32>], vector<16xf32>,
        %add3A_585 = arith.addi %mul3A_209, %add3A_569 : vector<16xi32>
        %gather3A_586 = tpu.vector_load_idx %arg8[%add3A_29, %add3A_585] : memref<256x128xf32, #tpu.memory_space<vmem>>[vector<16xi32>, vector<16xi32>], vector<16xf32>,
        tpu.vector_store_idx %arg10[%add3A_569, %add3A_29], %gather3A_586 : memref<64x256xf32, #tpu.memory_space<vmem>>[vector<16xi32>, vector<16xi32>], vector<16xf32>,
        %add3A_587 = arith.addi %mul3A_222, %add3A_569 : vector<16xi32>
        %gather3A_588 = tpu.vector_load_idx %arg8[%add3A_32, %add3A_587] : memref<256x128xf32, #tpu.memory_space<vmem>>[vector<16xi32>, vector<16xi32>], vector<16xf32>,
        tpu.vector_store_idx %arg10[%add3A_569, %add3A_32], %gather3A_588 : memref<64x256xf32, #tpu.memory_space<vmem>>[vector<16xi32>, vector<16xi32>], vector<16xf32>,
        %add3A_589 = arith.addi %mul3A_235, %add3A_569 : vector<16xi32>
        %gather3A_590 = tpu.vector_load_idx %arg8[%add3A_35, %add3A_589] : memref<256x128xf32, #tpu.memory_space<vmem>>[vector<16xi32>, vector<16xi32>], vector<16xf32>,
        tpu.vector_store_idx %arg10[%add3A_569, %add3A_35], %gather3A_590 : memref<64x256xf32, #tpu.memory_space<vmem>>[vector<16xi32>, vector<16xi32>], vector<16xf32>,
        %add3A_591 = arith.addi %mul3A_248, %add3A_569 : vector<16xi32>
        %gather3A_592 = tpu.vector_load_idx %arg8[%add3A_38, %add3A_591] : memref<256x128xf32, #tpu.memory_space<vmem>>[vector<16xi32>, vector<16xi32>], vector<16xf32>,
        tpu.vector_store_idx %arg10[%add3A_569, %add3A_38], %gather3A_592 : memref<64x256xf32, #tpu.memory_space<vmem>>[vector<16xi32>, vector<16xi32>], vector<16xf32>,
        %add3A_593 = arith.addi %mul3A_261, %add3A_569 : vector<16xi32>
        %gather3A_594 = tpu.vector_load_idx %arg8[%add3A_41, %add3A_593] : memref<256x128xf32, #tpu.memory_space<vmem>>[vector<16xi32>, vector<16xi32>], vector<16xf32>,
        tpu.vector_store_idx %arg10[%add3A_569, %add3A_41], %gather3A_594 : memref<64x256xf32, #tpu.memory_space<vmem>>[vector<16xi32>, vector<16xi32>], vector<16xf32>,
        %add3A_595 = arith.addi %mul3A_274, %add3A_569 : vector<16xi32>
        %gather3A_596 = tpu.vector_load_idx %arg8[%add3A_44, %add3A_595] : memref<256x128xf32, #tpu.memory_space<vmem>>[vector<16xi32>, vector<16xi32>], vector<16xf32>,
        tpu.vector_store_idx %arg10[%add3A_569, %add3A_44], %gather3A_596 : memref<64x256xf32, #tpu.memory_space<vmem>>[vector<16xi32>, vector<16xi32>], vector<16xf32>,
        %add3A_597 = arith.addi %mul3A_287, %add3A_569 : vector<16xi32>
        %gather3A_598 = tpu.vector_load_idx %arg8[%add3A_47, %add3A_597] : memref<256x128xf32, #tpu.memory_space<vmem>>[vector<16xi32>, vector<16xi32>], vector<16xf32>,
        tpu.vector_store_idx %arg10[%add3A_569, %add3A_47], %gather3A_598 : memref<64x256xf32, #tpu.memory_space<vmem>>[vector<16xi32>, vector<16xi32>], vector<16xf32>,
        %add3A_599 = arith.addi %mul3A_300, %add3A_569 : vector<16xi32>
        %gather3A_600 = tpu.vector_load_idx %arg8[%add3A_50, %add3A_599] : memref<256x128xf32, #tpu.memory_space<vmem>>[vector<16xi32>, vector<16xi32>], vector<16xf32>,
        tpu.vector_store_idx %arg10[%add3A_569, %add3A_50], %gather3A_600 : memref<64x256xf32, #tpu.memory_space<vmem>>[vector<16xi32>, vector<16xi32>], vector<16xf32>,
        %add3A_601 = arith.constant 16 : i32
        %add3A_602 = vector.broadcast %add3A_601 : i32 to vector<16xi32>
        %add3A_603 = arith.addi %and3A_566, %add3A_602 : vector<16xi32>
        %add3A_604 = arith.addi %mul3A_105, %add3A_603 : vector<16xi32>
        %gather3A_605 = tpu.vector_load_idx %arg8[%add3A_5, %add3A_604] : memref<256x128xf32, #tpu.memory_space<vmem>>[vector<16xi32>, vector<16xi32>], vector<16xf32>,
        tpu.vector_store_idx %arg10[%add3A_603, %add3A_5], %gather3A_605 : memref<64x256xf32, #tpu.memory_space<vmem>>[vector<16xi32>, vector<16xi32>], vector<16xf32>,
        %add3A_606 = arith.addi %mul3A_118, %add3A_603 : vector<16xi32>
        %gather3A_607 = tpu.vector_load_idx %arg8[%add3A_8, %add3A_606] : memref<256x128xf32, #tpu.memory_space<vmem>>[vector<16xi32>, vector<16xi32>], vector<16xf32>,
        tpu.vector_store_idx %arg10[%add3A_603, %add3A_8], %gather3A_607 : memref<64x256xf32, #tpu.memory_space<vmem>>[vector<16xi32>, vector<16xi32>], vector<16xf32>,
        %add3A_608 = arith.addi %mul3A_131, %add3A_603 : vector<16xi32>
        %gather3A_609 = tpu.vector_load_idx %arg8[%add3A_11, %add3A_608] : memref<256x128xf32, #tpu.memory_space<vmem>>[vector<16xi32>, vector<16xi32>], vector<16xf32>,
        tpu.vector_store_idx %arg10[%add3A_603, %add3A_11], %gather3A_609 : memref<64x256xf32, #tpu.memory_space<vmem>>[vector<16xi32>, vector<16xi32>], vector<16xf32>,
        %add3A_610 = arith.addi %mul3A_144, %add3A_603 : vector<16xi32>
        %gather3A_611 = tpu.vector_load_idx %arg8[%add3A_14, %add3A_610] : memref<256x128xf32, #tpu.memory_space<vmem>>[vector<16xi32>, vector<16xi32>], vector<16xf32>,
        tpu.vector_store_idx %arg10[%add3A_603, %add3A_14], %gather3A_611 : memref<64x256xf32, #tpu.memory_space<vmem>>[vector<16xi32>, vector<16xi32>], vector<16xf32>,
        %add3A_612 = arith.addi %mul3A_157, %add3A_603 : vector<16xi32>
        %gather3A_613 = tpu.vector_load_idx %arg8[%add3A_17, %add3A_612] : memref<256x128xf32, #tpu.memory_space<vmem>>[vector<16xi32>, vector<16xi32>], vector<16xf32>,
        tpu.vector_store_idx %arg10[%add3A_603, %add3A_17], %gather3A_613 : memref<64x256xf32, #tpu.memory_space<vmem>>[vector<16xi32>, vector<16xi32>], vector<16xf32>,
        %add3A_614 = arith.addi %mul3A_170, %add3A_603 : vector<16xi32>
        %gather3A_615 = tpu.vector_load_idx %arg8[%add3A_20, %add3A_614] : memref<256x128xf32, #tpu.memory_space<vmem>>[vector<16xi32>, vector<16xi32>], vector<16xf32>,
        tpu.vector_store_idx %arg10[%add3A_603, %add3A_20], %gather3A_615 : memref<64x256xf32, #tpu.memory_space<vmem>>[vector<16xi32>, vector<16xi32>], vector<16xf32>,
        %add3A_616 = arith.addi %mul3A_183, %add3A_603 : vector<16xi32>
        %gather3A_617 = tpu.vector_load_idx %arg8[%add3A_23, %add3A_616] : memref<256x128xf32, #tpu.memory_space<vmem>>[vector<16xi32>, vector<16xi32>], vector<16xf32>,
        tpu.vector_store_idx %arg10[%add3A_603, %add3A_23], %gather3A_617 : memref<64x256xf32, #tpu.memory_space<vmem>>[vector<16xi32>, vector<16xi32>], vector<16xf32>,
        %add3A_618 = arith.addi %mul3A_196, %add3A_603 : vector<16xi32>
        %gather3A_619 = tpu.vector_load_idx %arg8[%add3A_26, %add3A_618] : memref<256x128xf32, #tpu.memory_space<vmem>>[vector<16xi32>, vector<16xi32>], vector<16xf32>,
        tpu.vector_store_idx %arg10[%add3A_603, %add3A_26], %gather3A_619 : memref<64x256xf32, #tpu.memory_space<vmem>>[vector<16xi32>, vector<16xi32>], vector<16xf32>,
        %add3A_620 = arith.addi %mul3A_209, %add3A_603 : vector<16xi32>
        %gather3A_621 = tpu.vector_load_idx %arg8[%add3A_29, %add3A_620] : memref<256x128xf32, #tpu.memory_space<vmem>>[vector<16xi32>, vector<16xi32>], vector<16xf32>,
        tpu.vector_store_idx %arg10[%add3A_603, %add3A_29], %gather3A_621 : memref<64x256xf32, #tpu.memory_space<vmem>>[vector<16xi32>, vector<16xi32>], vector<16xf32>,
        %add3A_622 = arith.addi %mul3A_222, %add3A_603 : vector<16xi32>
        %gather3A_623 = tpu.vector_load_idx %arg8[%add3A_32, %add3A_622] : memref<256x128xf32, #tpu.memory_space<vmem>>[vector<16xi32>, vector<16xi32>], vector<16xf32>,
        tpu.vector_store_idx %arg10[%add3A_603, %add3A_32], %gather3A_623 : memref<64x256xf32, #tpu.memory_space<vmem>>[vector<16xi32>, vector<16xi32>], vector<16xf32>,
        %add3A_624 = arith.addi %mul3A_235, %add3A_603 : vector<16xi32>
        %gather3A_625 = tpu.vector_load_idx %arg8[%add3A_35, %add3A_624] : memref<256x128xf32, #tpu.memory_space<vmem>>[vector<16xi32>, vector<16xi32>], vector<16xf32>,
        tpu.vector_store_idx %arg10[%add3A_603, %add3A_35], %gather3A_625 : memref<64x256xf32, #tpu.memory_space<vmem>>[vector<16xi32>, vector<16xi32>], vector<16xf32>,
        %add3A_626 = arith.addi %mul3A_248, %add3A_603 : vector<16xi32>
        %gather3A_627 = tpu.vector_load_idx %arg8[%add3A_38, %add3A_626] : memref<256x128xf32, #tpu.memory_space<vmem>>[vector<16xi32>, vector<16xi32>], vector<16xf32>,
        tpu.vector_store_idx %arg10[%add3A_603, %add3A_38], %gather3A_627 : memref<64x256xf32, #tpu.memory_space<vmem>>[vector<16xi32>, vector<16xi32>], vector<16xf32>,
        %add3A_628 = arith.addi %mul3A_261, %add3A_603 : vector<16xi32>
        %gather3A_629 = tpu.vector_load_idx %arg8[%add3A_41, %add3A_628] : memref<256x128xf32, #tpu.memory_space<vmem>>[vector<16xi32>, vector<16xi32>], vector<16xf32>,
        tpu.vector_store_idx %arg10[%add3A_603, %add3A_41], %gather3A_629 : memref<64x256xf32, #tpu.memory_space<vmem>>[vector<16xi32>, vector<16xi32>], vector<16xf32>,
        %add3A_630 = arith.addi %mul3A_274, %add3A_603 : vector<16xi32>
        %gather3A_631 = tpu.vector_load_idx %arg8[%add3A_44, %add3A_630] : memref<256x128xf32, #tpu.memory_space<vmem>>[vector<16xi32>, vector<16xi32>], vector<16xf32>,
        tpu.vector_store_idx %arg10[%add3A_603, %add3A_44], %gather3A_631 : memref<64x256xf32, #tpu.memory_space<vmem>>[vector<16xi32>, vector<16xi32>], vector<16xf32>,
        %add3A_632 = arith.addi %mul3A_287, %add3A_603 : vector<16xi32>
        %gather3A_633 = tpu.vector_load_idx %arg8[%add3A_47, %add3A_632] : memref<256x128xf32, #tpu.memory_space<vmem>>[vector<16xi32>, vector<16xi32>], vector<16xf32>,
        tpu.vector_store_idx %arg10[%add3A_603, %add3A_47], %gather3A_633 : memref<64x256xf32, #tpu.memory_space<vmem>>[vector<16xi32>, vector<16xi32>], vector<16xf32>,
        %add3A_634 = arith.addi %mul3A_300, %add3A_603 : vector<16xi32>
        %gather3A_635 = tpu.vector_load_idx %arg8[%add3A_50, %add3A_634] : memref<256x128xf32, #tpu.memory_space<vmem>>[vector<16xi32>, vector<16xi32>], vector<16xf32>,
        tpu.vector_store_idx %arg10[%add3A_603, %add3A_50], %gather3A_635 : memref<64x256xf32, #tpu.memory_space<vmem>>[vector<16xi32>, vector<16xi32>], vector<16xf32>,
        %add3A_636 = arith.constant 32 : i32
        %add3A_637 = vector.broadcast %add3A_636 : i32 to vector<16xi32>
        %add3A_638 = arith.addi %and3A_566, %add3A_637 : vector<16xi32>
        %add3A_639 = arith.addi %mul3A_105, %add3A_638 : vector<16xi32>
        %gather3A_640 = tpu.vector_load_idx %arg8[%add3A_5, %add3A_639] : memref<256x128xf32, #tpu.memory_space<vmem>>[vector<16xi32>, vector<16xi32>], vector<16xf32>,
        tpu.vector_store_idx %arg10[%add3A_638, %add3A_5], %gather3A_640 : memref<64x256xf32, #tpu.memory_space<vmem>>[vector<16xi32>, vector<16xi32>], vector<16xf32>,
        %add3A_641 = arith.addi %mul3A_118, %add3A_638 : vector<16xi32>
        %gather3A_642 = tpu.vector_load_idx %arg8[%add3A_8, %add3A_641] : memref<256x128xf32, #tpu.memory_space<vmem>>[vector<16xi32>, vector<16xi32>], vector<16xf32>,
        tpu.vector_store_idx %arg10[%add3A_638, %add3A_8], %gather3A_642 : memref<64x256xf32, #tpu.memory_space<vmem>>[vector<16xi32>, vector<16xi32>], vector<16xf32>,
        %add3A_643 = arith.addi %mul3A_131, %add3A_638 : vector<16xi32>
        %gather3A_644 = tpu.vector_load_idx %arg8[%add3A_11, %add3A_643] : memref<256x128xf32, #tpu.memory_space<vmem>>[vector<16xi32>, vector<16xi32>], vector<16xf32>,
        tpu.vector_store_idx %arg10[%add3A_638, %add3A_11], %gather3A_644 : memref<64x256xf32, #tpu.memory_space<vmem>>[vector<16xi32>, vector<16xi32>], vector<16xf32>,
        %add3A_645 = arith.addi %mul3A_144, %add3A_638 : vector<16xi32>
        %gather3A_646 = tpu.vector_load_idx %arg8[%add3A_14, %add3A_645] : memref<256x128xf32, #tpu.memory_space<vmem>>[vector<16xi32>, vector<16xi32>], vector<16xf32>,
        tpu.vector_store_idx %arg10[%add3A_638, %add3A_14], %gather3A_646 : memref<64x256xf32, #tpu.memory_space<vmem>>[vector<16xi32>, vector<16xi32>], vector<16xf32>,
        %add3A_647 = arith.addi %mul3A_157, %add3A_638 : vector<16xi32>
        %gather3A_648 = tpu.vector_load_idx %arg8[%add3A_17, %add3A_647] : memref<256x128xf32, #tpu.memory_space<vmem>>[vector<16xi32>, vector<16xi32>], vector<16xf32>,
        tpu.vector_store_idx %arg10[%add3A_638, %add3A_17], %gather3A_648 : memref<64x256xf32, #tpu.memory_space<vmem>>[vector<16xi32>, vector<16xi32>], vector<16xf32>,
        %add3A_649 = arith.addi %mul3A_170, %add3A_638 : vector<16xi32>
        %gather3A_650 = tpu.vector_load_idx %arg8[%add3A_20, %add3A_649] : memref<256x128xf32, #tpu.memory_space<vmem>>[vector<16xi32>, vector<16xi32>], vector<16xf32>,
        tpu.vector_store_idx %arg10[%add3A_638, %add3A_20], %gather3A_650 : memref<64x256xf32, #tpu.memory_space<vmem>>[vector<16xi32>, vector<16xi32>], vector<16xf32>,
        %add3A_651 = arith.addi %mul3A_183, %add3A_638 : vector<16xi32>
        %gather3A_652 = tpu.vector_load_idx %arg8[%add3A_23, %add3A_651] : memref<256x128xf32, #tpu.memory_space<vmem>>[vector<16xi32>, vector<16xi32>], vector<16xf32>,
        tpu.vector_store_idx %arg10[%add3A_638, %add3A_23], %gather3A_652 : memref<64x256xf32, #tpu.memory_space<vmem>>[vector<16xi32>, vector<16xi32>], vector<16xf32>,
        %add3A_653 = arith.addi %mul3A_196, %add3A_638 : vector<16xi32>
        %gather3A_654 = tpu.vector_load_idx %arg8[%add3A_26, %add3A_653] : memref<256x128xf32, #tpu.memory_space<vmem>>[vector<16xi32>, vector<16xi32>], vector<16xf32>,
        tpu.vector_store_idx %arg10[%add3A_638, %add3A_26], %gather3A_654 : memref<64x256xf32, #tpu.memory_space<vmem>>[vector<16xi32>, vector<16xi32>], vector<16xf32>,
        %add3A_655 = arith.addi %mul3A_209, %add3A_638 : vector<16xi32>
        %gather3A_656 = tpu.vector_load_idx %arg8[%add3A_29, %add3A_655] : memref<256x128xf32, #tpu.memory_space<vmem>>[vector<16xi32>, vector<16xi32>], vector<16xf32>,
        tpu.vector_store_idx %arg10[%add3A_638, %add3A_29], %gather3A_656 : memref<64x256xf32, #tpu.memory_space<vmem>>[vector<16xi32>, vector<16xi32>], vector<16xf32>,
        %add3A_657 = arith.addi %mul3A_222, %add3A_638 : vector<16xi32>
        %gather3A_658 = tpu.vector_load_idx %arg8[%add3A_32, %add3A_657] : memref<256x128xf32, #tpu.memory_space<vmem>>[vector<16xi32>, vector<16xi32>], vector<16xf32>,
        tpu.vector_store_idx %arg10[%add3A_638, %add3A_32], %gather3A_658 : memref<64x256xf32, #tpu.memory_space<vmem>>[vector<16xi32>, vector<16xi32>], vector<16xf32>,
        %add3A_659 = arith.addi %mul3A_235, %add3A_638 : vector<16xi32>
        %gather3A_660 = tpu.vector_load_idx %arg8[%add3A_35, %add3A_659] : memref<256x128xf32, #tpu.memory_space<vmem>>[vector<16xi32>, vector<16xi32>], vector<16xf32>,
        tpu.vector_store_idx %arg10[%add3A_638, %add3A_35], %gather3A_660 : memref<64x256xf32, #tpu.memory_space<vmem>>[vector<16xi32>, vector<16xi32>], vector<16xf32>,
        %add3A_661 = arith.addi %mul3A_248, %add3A_638 : vector<16xi32>
        %gather3A_662 = tpu.vector_load_idx %arg8[%add3A_38, %add3A_661] : memref<256x128xf32, #tpu.memory_space<vmem>>[vector<16xi32>, vector<16xi32>], vector<16xf32>,
        tpu.vector_store_idx %arg10[%add3A_638, %add3A_38], %gather3A_662 : memref<64x256xf32, #tpu.memory_space<vmem>>[vector<16xi32>, vector<16xi32>], vector<16xf32>,
        %add3A_663 = arith.addi %mul3A_261, %add3A_638 : vector<16xi32>
        %gather3A_664 = tpu.vector_load_idx %arg8[%add3A_41, %add3A_663] : memref<256x128xf32, #tpu.memory_space<vmem>>[vector<16xi32>, vector<16xi32>], vector<16xf32>,
        tpu.vector_store_idx %arg10[%add3A_638, %add3A_41], %gather3A_664 : memref<64x256xf32, #tpu.memory_space<vmem>>[vector<16xi32>, vector<16xi32>], vector<16xf32>,
        %add3A_665 = arith.addi %mul3A_274, %add3A_638 : vector<16xi32>
        %gather3A_666 = tpu.vector_load_idx %arg8[%add3A_44, %add3A_665] : memref<256x128xf32, #tpu.memory_space<vmem>>[vector<16xi32>, vector<16xi32>], vector<16xf32>,
        tpu.vector_store_idx %arg10[%add3A_638, %add3A_44], %gather3A_666 : memref<64x256xf32, #tpu.memory_space<vmem>>[vector<16xi32>, vector<16xi32>], vector<16xf32>,
        %add3A_667 = arith.addi %mul3A_287, %add3A_638 : vector<16xi32>
        %gather3A_668 = tpu.vector_load_idx %arg8[%add3A_47, %add3A_667] : memref<256x128xf32, #tpu.memory_space<vmem>>[vector<16xi32>, vector<16xi32>], vector<16xf32>,
        tpu.vector_store_idx %arg10[%add3A_638, %add3A_47], %gather3A_668 : memref<64x256xf32, #tpu.memory_space<vmem>>[vector<16xi32>, vector<16xi32>], vector<16xf32>,
        %add3A_669 = arith.addi %mul3A_300, %add3A_638 : vector<16xi32>
        %gather3A_670 = tpu.vector_load_idx %arg8[%add3A_50, %add3A_669] : memref<256x128xf32, #tpu.memory_space<vmem>>[vector<16xi32>, vector<16xi32>], vector<16xf32>,
        tpu.vector_store_idx %arg10[%add3A_638, %add3A_50], %gather3A_670 : memref<64x256xf32, #tpu.memory_space<vmem>>[vector<16xi32>, vector<16xi32>], vector<16xf32>,
        %add3A_671 = arith.constant 48 : i32
        %add3A_672 = vector.broadcast %add3A_671 : i32 to vector<16xi32>
        %add3A_673 = arith.addi %and3A_566, %add3A_672 : vector<16xi32>
        %add3A_674 = arith.addi %mul3A_105, %add3A_673 : vector<16xi32>
        %gather3A_675 = tpu.vector_load_idx %arg8[%add3A_5, %add3A_674] : memref<256x128xf32, #tpu.memory_space<vmem>>[vector<16xi32>, vector<16xi32>], vector<16xf32>,
        tpu.vector_store_idx %arg10[%add3A_673, %add3A_5], %gather3A_675 : memref<64x256xf32, #tpu.memory_space<vmem>>[vector<16xi32>, vector<16xi32>], vector<16xf32>,
        %add3A_676 = arith.addi %mul3A_118, %add3A_673 : vector<16xi32>
        %gather3A_677 = tpu.vector_load_idx %arg8[%add3A_8, %add3A_676] : memref<256x128xf32, #tpu.memory_space<vmem>>[vector<16xi32>, vector<16xi32>], vector<16xf32>,
        tpu.vector_store_idx %arg10[%add3A_673, %add3A_8], %gather3A_677 : memref<64x256xf32, #tpu.memory_space<vmem>>[vector<16xi32>, vector<16xi32>], vector<16xf32>,
        %add3A_678 = arith.addi %mul3A_131, %add3A_673 : vector<16xi32>
        %gather3A_679 = tpu.vector_load_idx %arg8[%add3A_11, %add3A_678] : memref<256x128xf32, #tpu.memory_space<vmem>>[vector<16xi32>, vector<16xi32>], vector<16xf32>,
        tpu.vector_store_idx %arg10[%add3A_673, %add3A_11], %gather3A_679 : memref<64x256xf32, #tpu.memory_space<vmem>>[vector<16xi32>, vector<16xi32>], vector<16xf32>,
        %add3A_680 = arith.addi %mul3A_144, %add3A_673 : vector<16xi32>
        %gather3A_681 = tpu.vector_load_idx %arg8[%add3A_14, %add3A_680] : memref<256x128xf32, #tpu.memory_space<vmem>>[vector<16xi32>, vector<16xi32>], vector<16xf32>,
        tpu.vector_store_idx %arg10[%add3A_673, %add3A_14], %gather3A_681 : memref<64x256xf32, #tpu.memory_space<vmem>>[vector<16xi32>, vector<16xi32>], vector<16xf32>,
        %add3A_682 = arith.addi %mul3A_157, %add3A_673 : vector<16xi32>
        %gather3A_683 = tpu.vector_load_idx %arg8[%add3A_17, %add3A_682] : memref<256x128xf32, #tpu.memory_space<vmem>>[vector<16xi32>, vector<16xi32>], vector<16xf32>,
        tpu.vector_store_idx %arg10[%add3A_673, %add3A_17], %gather3A_683 : memref<64x256xf32, #tpu.memory_space<vmem>>[vector<16xi32>, vector<16xi32>], vector<16xf32>,
        %add3A_684 = arith.addi %mul3A_170, %add3A_673 : vector<16xi32>
        %gather3A_685 = tpu.vector_load_idx %arg8[%add3A_20, %add3A_684] : memref<256x128xf32, #tpu.memory_space<vmem>>[vector<16xi32>, vector<16xi32>], vector<16xf32>,
        tpu.vector_store_idx %arg10[%add3A_673, %add3A_20], %gather3A_685 : memref<64x256xf32, #tpu.memory_space<vmem>>[vector<16xi32>, vector<16xi32>], vector<16xf32>,
        %add3A_686 = arith.addi %mul3A_183, %add3A_673 : vector<16xi32>
        %gather3A_687 = tpu.vector_load_idx %arg8[%add3A_23, %add3A_686] : memref<256x128xf32, #tpu.memory_space<vmem>>[vector<16xi32>, vector<16xi32>], vector<16xf32>,
        tpu.vector_store_idx %arg10[%add3A_673, %add3A_23], %gather3A_687 : memref<64x256xf32, #tpu.memory_space<vmem>>[vector<16xi32>, vector<16xi32>], vector<16xf32>,
        %add3A_688 = arith.addi %mul3A_196, %add3A_673 : vector<16xi32>
        %gather3A_689 = tpu.vector_load_idx %arg8[%add3A_26, %add3A_688] : memref<256x128xf32, #tpu.memory_space<vmem>>[vector<16xi32>, vector<16xi32>], vector<16xf32>,
        tpu.vector_store_idx %arg10[%add3A_673, %add3A_26], %gather3A_689 : memref<64x256xf32, #tpu.memory_space<vmem>>[vector<16xi32>, vector<16xi32>], vector<16xf32>,
        %add3A_690 = arith.addi %mul3A_209, %add3A_673 : vector<16xi32>
        %gather3A_691 = tpu.vector_load_idx %arg8[%add3A_29, %add3A_690] : memref<256x128xf32, #tpu.memory_space<vmem>>[vector<16xi32>, vector<16xi32>], vector<16xf32>,
        tpu.vector_store_idx %arg10[%add3A_673, %add3A_29], %gather3A_691 : memref<64x256xf32, #tpu.memory_space<vmem>>[vector<16xi32>, vector<16xi32>], vector<16xf32>,
        %add3A_692 = arith.addi %mul3A_222, %add3A_673 : vector<16xi32>
        %gather3A_693 = tpu.vector_load_idx %arg8[%add3A_32, %add3A_692] : memref<256x128xf32, #tpu.memory_space<vmem>>[vector<16xi32>, vector<16xi32>], vector<16xf32>,
        tpu.vector_store_idx %arg10[%add3A_673, %add3A_32], %gather3A_693 : memref<64x256xf32, #tpu.memory_space<vmem>>[vector<16xi32>, vector<16xi32>], vector<16xf32>,
        %add3A_694 = arith.addi %mul3A_235, %add3A_673 : vector<16xi32>
        %gather3A_695 = tpu.vector_load_idx %arg8[%add3A_35, %add3A_694] : memref<256x128xf32, #tpu.memory_space<vmem>>[vector<16xi32>, vector<16xi32>], vector<16xf32>,
        tpu.vector_store_idx %arg10[%add3A_673, %add3A_35], %gather3A_695 : memref<64x256xf32, #tpu.memory_space<vmem>>[vector<16xi32>, vector<16xi32>], vector<16xf32>,
        %add3A_696 = arith.addi %mul3A_248, %add3A_673 : vector<16xi32>
        %gather3A_697 = tpu.vector_load_idx %arg8[%add3A_38, %add3A_696] : memref<256x128xf32, #tpu.memory_space<vmem>>[vector<16xi32>, vector<16xi32>], vector<16xf32>,
        tpu.vector_store_idx %arg10[%add3A_673, %add3A_38], %gather3A_697 : memref<64x256xf32, #tpu.memory_space<vmem>>[vector<16xi32>, vector<16xi32>], vector<16xf32>,
        %add3A_698 = arith.addi %mul3A_261, %add3A_673 : vector<16xi32>
        %gather3A_699 = tpu.vector_load_idx %arg8[%add3A_41, %add3A_698] : memref<256x128xf32, #tpu.memory_space<vmem>>[vector<16xi32>, vector<16xi32>], vector<16xf32>,
        tpu.vector_store_idx %arg10[%add3A_673, %add3A_41], %gather3A_699 : memref<64x256xf32, #tpu.memory_space<vmem>>[vector<16xi32>, vector<16xi32>], vector<16xf32>,
        %add3A_700 = arith.addi %mul3A_274, %add3A_673 : vector<16xi32>
        %gather3A_701 = tpu.vector_load_idx %arg8[%add3A_44, %add3A_700] : memref<256x128xf32, #tpu.memory_space<vmem>>[vector<16xi32>, vector<16xi32>], vector<16xf32>,
        tpu.vector_store_idx %arg10[%add3A_673, %add3A_44], %gather3A_701 : memref<64x256xf32, #tpu.memory_space<vmem>>[vector<16xi32>, vector<16xi32>], vector<16xf32>,
        %add3A_702 = arith.addi %mul3A_287, %add3A_673 : vector<16xi32>
        %gather3A_703 = tpu.vector_load_idx %arg8[%add3A_47, %add3A_702] : memref<256x128xf32, #tpu.memory_space<vmem>>[vector<16xi32>, vector<16xi32>], vector<16xf32>,
        tpu.vector_store_idx %arg10[%add3A_673, %add3A_47], %gather3A_703 : memref<64x256xf32, #tpu.memory_space<vmem>>[vector<16xi32>, vector<16xi32>], vector<16xf32>,
        %add3A_704 = arith.addi %mul3A_300, %add3A_673 : vector<16xi32>
        %gather3A_705 = tpu.vector_load_idx %arg8[%add3A_50, %add3A_704] : memref<256x128xf32, #tpu.memory_space<vmem>>[vector<16xi32>, vector<16xi32>], vector<16xf32>,
        tpu.vector_store_idx %arg10[%add3A_673, %add3A_50], %gather3A_705 : memref<64x256xf32, #tpu.memory_space<vmem>>[vector<16xi32>, vector<16xi32>], vector<16xf32>,
      }
      %scan3A_306 = arith.constant 16 : i32
      %mul3A_307 = arith.constant 256 : i32
      %mul3A_308 = arith.muli %add3A_89, %mul3A_307 : i32
      %add3A_309 = arith.addi %mul3A_2, %mul3A_308 : i32
      %multiple_of3A_310 = tpu.assume_multiple %add3A_309, 128 : i32
      %dma_start3A_311 = arith.constant 0 : i32
      %dma_start3A_312 = tpu.memref_slice %arg4[%dma_start3A_311, %multiple_of3A_310] : memref<64x819200xf32, #tpu.memory_space<hbm>> -> memref<64x256xf32, #tpu.memory_space<hbm>>
      %dma_start3A_313 = arith.constant 0 : i32
      %dma_start3A_314 = tpu.memref_slice %arg4[%dma_start3A_313, %multiple_of3A_310] : memref<64x819200xf32, #tpu.memory_space<hbm>> -> memref<64x256xf32, #tpu.memory_space<hbm>>
      tpu.enqueue_dma source(%arg10 : memref<64x256xf32, #tpu.memory_space<vmem>>) target(%dma_start3A_314 : memref<64x256xf32, #tpu.memory_space<hbm>>) target_semaphore(%arg14 : memref<!tpu.dma_semaphore, #tpu.memory_space<semaphore_mem>>)
      %add3A_315 = arith.constant 1 : i32
      %add3A_316 = arith.addi %scan3A_85, %add3A_315 : i32
      %lt3A = arith.constant 50 : i32
      %lt3A_317 = arith.cmpi slt, %add3A_316, %lt3A : i32
      %convert_element_type3A_318 = arith.extui %lt3A_317 : i1 to i32
      %cond3A_319 = arith.constant 0 : i32
      %cond3A_320 = arith.cmpi ne, %convert_element_type3A_318, %cond3A_319 : i32
      scf.if %cond3A_320 {
        %add3A_562 = arith.constant 2 : i32
        %add3A_563 = arith.addi %add3A_89, %add3A_562 : i32
        %scan3A_564 = arith.constant 0 : i32
        %scan3A_565 = arith.constant 0 : i32
        %scan3A_566 = arith.constant 16 : i32
        %scan3A_567 = arith.addi %scan3A_565, %scan3A_566 : i32
        %scan3A_568 = arith.constant 1 : i32
        scf.for %scan3A_573 = %scan3A_565 to %scan3A_567 step %scan3A_568  : i32 {
          %mul3A_574 = arith.constant 256 : i32
          %mul3A_575 = arith.muli %add3A_563, %mul3A_574 : i32
          %mul3A_576 = arith.constant 16 : i32
          %mul3A_577 = arith.muli %scan3A_573, %mul3A_576 : i32
          %add3A_578 = arith.addi %mul3A_575, %mul3A_577 : i32
          %get3A_579 = arith.index_cast %add3A_578 : i32 to index
          %get3A_580 = tpu.vector_load %arg5[%get3A_579] {strides = array<i32>} : memref<25600xi32, #tpu.memory_space<vmem>>, vector<16xi32>,
          %ge3A_581 = arith.constant 409600 : i32
          %ge3A_582 = vector.broadcast %ge3A_581 : i32 to vector<16xi32>
          %ge3A_583 = arith.cmpi sge, %get3A_580, %ge3A_582 : vector<16xi32>
          %convert_element_type3A_584 = arith.extui %ge3A_583 : vector<16xi1> to vector<16xi32>
          %mul3A_585 = arith.constant 409600 : i32
          %mul3A_586 = vector.broadcast %mul3A_585 : i32 to vector<16xi32>
          %mul3A_587 = arith.muli %convert_element_type3A_584, %mul3A_586 : vector<16xi32>
          %sub3A = arith.subi %get3A_580, %mul3A_587 : vector<16xi32>
          %mul3A_588 = arith.constant 16 : i32
          %mul3A_589 = arith.muli %scan3A_573, %mul3A_588 : i32
          %swap3A = arith.index_cast %mul3A_589 : i32 to index
          %swap3A_590 = tpu.vector_load %arg6[%swap3A] {strides = array<i32>} : memref<256xi32, #tpu.memory_space<vmem>>, vector<16xi32>,
          tpu.vector_store %arg6[%swap3A], %sub3A {strides = array<i32>} : memref<256xi32, #tpu.memory_space<vmem>>, vector<16xi32>,
        }
        %scan3A_569 = arith.constant 16 : i32
        %dma_start3A_570 = arith.constant 0 : i32
        %dma_start3A_571 = arith.constant 0 : i32
        %dma_start3A_572 = tpu.memref_slice %arg3[%dma_start3A_570, %dma_start3A_571] : memref<409600x128xf32, #tpu.memory_space<hbm>> -> memref<409600x128xf32, #tpu.memory_space<hbm>>
        tpu.enqueue_indirect_dma source(%dma_start3A_572 : memref<409600x128xf32, #tpu.memory_space<hbm>>) target(%arg8 : memref<256x128xf32, #tpu.memory_space<vmem>>) offsets(%arg6 : memref<256xi32, #tpu.memory_space<vmem>>) semaphore(%arg12 : memref<!tpu.dma_semaphore, #tpu.memory_space<semaphore_mem>>)
      } else {
      }
      %mul3A_321 = arith.constant 2 : i32
      %mul3A_322 = arith.muli %scan3A_85, %mul3A_321 : i32
      %add3A_323 = arith.constant 1 : i32
      %add3A_324 = arith.addi %mul3A_322, %add3A_323 : i32
      %gt3A_325 = arith.constant 0 : i32
      %gt3A_326 = arith.cmpi sgt, %scan3A_85, %gt3A_325 : i32
      %convert_element_type3A_327 = arith.extui %gt3A_326 : i1 to i32
      %cond3A_328 = arith.constant 0 : i32
      %cond3A_329 = arith.cmpi ne, %convert_element_type3A_327, %cond3A_328 : i32
      scf.if %cond3A_329 {
        %sub3A = arith.constant 2 : i32
        %sub3A_562 = arith.subi %add3A_324, %sub3A : i32
        %mul3A_563 = arith.constant 256 : i32
        %mul3A_564 = arith.muli %sub3A_562, %mul3A_563 : i32
        %add3A_565 = arith.addi %mul3A_2, %mul3A_564 : i32
        %multiple_of3A_566 = tpu.assume_multiple %add3A_565, 128 : i32
        %dma_wait3A_567 = arith.constant 0 : i32
        %dma_wait3A_568 = tpu.memref_slice %arg4[%dma_wait3A_567, %multiple_of3A_566] : memref<64x819200xf32, #tpu.memory_space<hbm>> -> memref<64x256xf32, #tpu.memory_space<hbm>>
        %dma_wait3A_569 = arith.constant 0 : i32
        %dma_wait3A_570 = tpu.memref_slice %arg4[%dma_wait3A_569, %multiple_of3A_566] : memref<64x819200xf32, #tpu.memory_space<hbm>> -> memref<64x256xf32, #tpu.memory_space<hbm>>
        tpu.wait_dma2 semaphore(%arg15 : memref<!tpu.dma_semaphore, #tpu.memory_space<semaphore_mem>>) src(%arg11 : memref<64x256xf32, #tpu.memory_space<vmem>>) dst(%dma_wait3A_570 : memref<64x256xf32, #tpu.memory_space<hbm>>)
      } else {
      }
      %dma_wait3A_330 = arith.constant 0 : i32
      %dma_wait3A_331 = arith.constant 0 : i32
      %dma_wait3A_332 = tpu.memref_slice %arg3[%dma_wait3A_330, %dma_wait3A_331] : memref<409600x128xf32, #tpu.memory_space<hbm>> -> memref<409600x128xf32, #tpu.memory_space<hbm>>
      tpu.wait_indirect_dma semaphore(%arg13 : memref<!tpu.dma_semaphore, #tpu.memory_space<semaphore_mem>>) src(%dma_wait3A_332 : memref<409600x128xf32, #tpu.memory_space<hbm>>) dst(%arg9 : memref<256x128xf32, #tpu.memory_space<vmem>>)
      %mul3A_333 = arith.constant 256 : i32
      %mul3A_334 = arith.muli %add3A_324, %mul3A_333 : i32
      %add3A_335 = arith.constant 0 : i32
      %add3A_336 = arith.addi %mul3A_334, %add3A_335 : i32
      %get3A_337 = arith.index_cast %add3A_336 : i32 to index
      %get3A_338 = tpu.vector_load %arg5[%get3A_337] {strides = array<i32>} : memref<25600xi32, #tpu.memory_space<vmem>>, vector<16xi32>,
      %ge3A_339 = arith.constant 409600 : i32
      %ge3A_340 = vector.broadcast %ge3A_339 : i32 to vector<16xi32>
      %ge3A_341 = arith.cmpi sge, %get3A_338, %ge3A_340 : vector<16xi32>
      %convert_element_type3A_342 = arith.extui %ge3A_341 : vector<16xi1> to vector<16xi32>
      %mul3A_343 = arith.constant 64 : i32
      %mul3A_344 = vector.broadcast %mul3A_343 : i32 to vector<16xi32>
      %mul3A_345 = arith.muli %convert_element_type3A_342, %mul3A_344 : vector<16xi32>
      %mul3A_346 = arith.constant 256 : i32
      %mul3A_347 = arith.muli %add3A_324, %mul3A_346 : i32
      %add3A_348 = arith.constant 16 : i32
      %add3A_349 = arith.addi %mul3A_347, %add3A_348 : i32
      %get3A_350 = arith.index_cast %add3A_349 : i32 to index
      %get3A_351 = tpu.vector_load %arg5[%get3A_350] {strides = array<i32>} : memref<25600xi32, #tpu.memory_space<vmem>>, vector<16xi32>,
      %ge3A_352 = arith.constant 409600 : i32
      %ge3A_353 = vector.broadcast %ge3A_352 : i32 to vector<16xi32>
      %ge3A_354 = arith.cmpi sge, %get3A_351, %ge3A_353 : vector<16xi32>
      %convert_element_type3A_355 = arith.extui %ge3A_354 : vector<16xi1> to vector<16xi32>
      %mul3A_356 = arith.constant 64 : i32
      %mul3A_357 = vector.broadcast %mul3A_356 : i32 to vector<16xi32>
      %mul3A_358 = arith.muli %convert_element_type3A_355, %mul3A_357 : vector<16xi32>
      %mul3A_359 = arith.constant 256 : i32
      %mul3A_360 = arith.muli %add3A_324, %mul3A_359 : i32
      %add3A_361 = arith.constant 32 : i32
      %add3A_362 = arith.addi %mul3A_360, %add3A_361 : i32
      %get3A_363 = arith.index_cast %add3A_362 : i32 to index
      %get3A_364 = tpu.vector_load %arg5[%get3A_363] {strides = array<i32>} : memref<25600xi32, #tpu.memory_space<vmem>>, vector<16xi32>,
      %ge3A_365 = arith.constant 409600 : i32
      %ge3A_366 = vector.broadcast %ge3A_365 : i32 to vector<16xi32>
      %ge3A_367 = arith.cmpi sge, %get3A_364, %ge3A_366 : vector<16xi32>
      %convert_element_type3A_368 = arith.extui %ge3A_367 : vector<16xi1> to vector<16xi32>
      %mul3A_369 = arith.constant 64 : i32
      %mul3A_370 = vector.broadcast %mul3A_369 : i32 to vector<16xi32>
      %mul3A_371 = arith.muli %convert_element_type3A_368, %mul3A_370 : vector<16xi32>
      %mul3A_372 = arith.constant 256 : i32
      %mul3A_373 = arith.muli %add3A_324, %mul3A_372 : i32
      %add3A_374 = arith.constant 48 : i32
      %add3A_375 = arith.addi %mul3A_373, %add3A_374 : i32
      %get3A_376 = arith.index_cast %add3A_375 : i32 to index
      %get3A_377 = tpu.vector_load %arg5[%get3A_376] {strides = array<i32>} : memref<25600xi32, #tpu.memory_space<vmem>>, vector<16xi32>,
      %ge3A_378 = arith.constant 409600 : i32
      %ge3A_379 = vector.broadcast %ge3A_378 : i32 to vector<16xi32>
      %ge3A_380 = arith.cmpi sge, %get3A_377, %ge3A_379 : vector<16xi32>
      %convert_element_type3A_381 = arith.extui %ge3A_380 : vector<16xi1> to vector<16xi32>
      %mul3A_382 = arith.constant 64 : i32
      %mul3A_383 = vector.broadcast %mul3A_382 : i32 to vector<16xi32>
      %mul3A_384 = arith.muli %convert_element_type3A_381, %mul3A_383 : vector<16xi32>
      %mul3A_385 = arith.constant 256 : i32
      %mul3A_386 = arith.muli %add3A_324, %mul3A_385 : i32
      %add3A_387 = arith.constant 64 : i32
      %add3A_388 = arith.addi %mul3A_386, %add3A_387 : i32
      %get3A_389 = arith.index_cast %add3A_388 : i32 to index
      %get3A_390 = tpu.vector_load %arg5[%get3A_389] {strides = array<i32>} : memref<25600xi32, #tpu.memory_space<vmem>>, vector<16xi32>,
      %ge3A_391 = arith.constant 409600 : i32
      %ge3A_392 = vector.broadcast %ge3A_391 : i32 to vector<16xi32>
      %ge3A_393 = arith.cmpi sge, %get3A_390, %ge3A_392 : vector<16xi32>
      %convert_element_type3A_394 = arith.extui %ge3A_393 : vector<16xi1> to vector<16xi32>
      %mul3A_395 = arith.constant 64 : i32
      %mul3A_396 = vector.broadcast %mul3A_395 : i32 to vector<16xi32>
      %mul3A_397 = arith.muli %convert_element_type3A_394, %mul3A_396 : vector<16xi32>
      %mul3A_398 = arith.constant 256 : i32
      %mul3A_399 = arith.muli %add3A_324, %mul3A_398 : i32
      %add3A_400 = arith.constant 80 : i32
      %add3A_401 = arith.addi %mul3A_399, %add3A_400 : i32
      %get3A_402 = arith.index_cast %add3A_401 : i32 to index
      %get3A_403 = tpu.vector_load %arg5[%get3A_402] {strides = array<i32>} : memref<25600xi32, #tpu.memory_space<vmem>>, vector<16xi32>,
      %ge3A_404 = arith.constant 409600 : i32
      %ge3A_405 = vector.broadcast %ge3A_404 : i32 to vector<16xi32>
      %ge3A_406 = arith.cmpi sge, %get3A_403, %ge3A_405 : vector<16xi32>
      %convert_element_type3A_407 = arith.extui %ge3A_406 : vector<16xi1> to vector<16xi32>
      %mul3A_408 = arith.constant 64 : i32
      %mul3A_409 = vector.broadcast %mul3A_408 : i32 to vector<16xi32>
      %mul3A_410 = arith.muli %convert_element_type3A_407, %mul3A_409 : vector<16xi32>
      %mul3A_411 = arith.constant 256 : i32
      %mul3A_412 = arith.muli %add3A_324, %mul3A_411 : i32
      %add3A_413 = arith.constant 96 : i32
      %add3A_414 = arith.addi %mul3A_412, %add3A_413 : i32
      %get3A_415 = arith.index_cast %add3A_414 : i32 to index
      %get3A_416 = tpu.vector_load %arg5[%get3A_415] {strides = array<i32>} : memref<25600xi32, #tpu.memory_space<vmem>>, vector<16xi32>,
      %ge3A_417 = arith.constant 409600 : i32
      %ge3A_418 = vector.broadcast %ge3A_417 : i32 to vector<16xi32>
      %ge3A_419 = arith.cmpi sge, %get3A_416, %ge3A_418 : vector<16xi32>
      %convert_element_type3A_420 = arith.extui %ge3A_419 : vector<16xi1> to vector<16xi32>
      %mul3A_421 = arith.constant 64 : i32
      %mul3A_422 = vector.broadcast %mul3A_421 : i32 to vector<16xi32>
      %mul3A_423 = arith.muli %convert_element_type3A_420, %mul3A_422 : vector<16xi32>
      %mul3A_424 = arith.constant 256 : i32
      %mul3A_425 = arith.muli %add3A_324, %mul3A_424 : i32
      %add3A_426 = arith.constant 112 : i32
      %add3A_427 = arith.addi %mul3A_425, %add3A_426 : i32
      %get3A_428 = arith.index_cast %add3A_427 : i32 to index
      %get3A_429 = tpu.vector_load %arg5[%get3A_428] {strides = array<i32>} : memref<25600xi32, #tpu.memory_space<vmem>>, vector<16xi32>,
      %ge3A_430 = arith.constant 409600 : i32
      %ge3A_431 = vector.broadcast %ge3A_430 : i32 to vector<16xi32>
      %ge3A_432 = arith.cmpi sge, %get3A_429, %ge3A_431 : vector<16xi32>
      %convert_element_type3A_433 = arith.extui %ge3A_432 : vector<16xi1> to vector<16xi32>
      %mul3A_434 = arith.constant 64 : i32
      %mul3A_435 = vector.broadcast %mul3A_434 : i32 to vector<16xi32>
      %mul3A_436 = arith.muli %convert_element_type3A_433, %mul3A_435 : vector<16xi32>
      %mul3A_437 = arith.constant 256 : i32
      %mul3A_438 = arith.muli %add3A_324, %mul3A_437 : i32
      %add3A_439 = arith.constant 128 : i32
      %add3A_440 = arith.addi %mul3A_438, %add3A_439 : i32
      %get3A_441 = arith.index_cast %add3A_440 : i32 to index
      %get3A_442 = tpu.vector_load %arg5[%get3A_441] {strides = array<i32>} : memref<25600xi32, #tpu.memory_space<vmem>>, vector<16xi32>,
      %ge3A_443 = arith.constant 409600 : i32
      %ge3A_444 = vector.broadcast %ge3A_443 : i32 to vector<16xi32>
      %ge3A_445 = arith.cmpi sge, %get3A_442, %ge3A_444 : vector<16xi32>
      %convert_element_type3A_446 = arith.extui %ge3A_445 : vector<16xi1> to vector<16xi32>
      %mul3A_447 = arith.constant 64 : i32
      %mul3A_448 = vector.broadcast %mul3A_447 : i32 to vector<16xi32>
      %mul3A_449 = arith.muli %convert_element_type3A_446, %mul3A_448 : vector<16xi32>
      %mul3A_450 = arith.constant 256 : i32
      %mul3A_451 = arith.muli %add3A_324, %mul3A_450 : i32
      %add3A_452 = arith.constant 144 : i32
      %add3A_453 = arith.addi %mul3A_451, %add3A_452 : i32
      %get3A_454 = arith.index_cast %add3A_453 : i32 to index
      %get3A_455 = tpu.vector_load %arg5[%get3A_454] {strides = array<i32>} : memref<25600xi32, #tpu.memory_space<vmem>>, vector<16xi32>,
      %ge3A_456 = arith.constant 409600 : i32
      %ge3A_457 = vector.broadcast %ge3A_456 : i32 to vector<16xi32>
      %ge3A_458 = arith.cmpi sge, %get3A_455, %ge3A_457 : vector<16xi32>
      %convert_element_type3A_459 = arith.extui %ge3A_458 : vector<16xi1> to vector<16xi32>
      %mul3A_460 = arith.constant 64 : i32
      %mul3A_461 = vector.broadcast %mul3A_460 : i32 to vector<16xi32>
      %mul3A_462 = arith.muli %convert_element_type3A_459, %mul3A_461 : vector<16xi32>
      %mul3A_463 = arith.constant 256 : i32
      %mul3A_464 = arith.muli %add3A_324, %mul3A_463 : i32
      %add3A_465 = arith.constant 160 : i32
      %add3A_466 = arith.addi %mul3A_464, %add3A_465 : i32
      %get3A_467 = arith.index_cast %add3A_466 : i32 to index
      %get3A_468 = tpu.vector_load %arg5[%get3A_467] {strides = array<i32>} : memref<25600xi32, #tpu.memory_space<vmem>>, vector<16xi32>,
      %ge3A_469 = arith.constant 409600 : i32
      %ge3A_470 = vector.broadcast %ge3A_469 : i32 to vector<16xi32>
      %ge3A_471 = arith.cmpi sge, %get3A_468, %ge3A_470 : vector<16xi32>
      %convert_element_type3A_472 = arith.extui %ge3A_471 : vector<16xi1> to vector<16xi32>
      %mul3A_473 = arith.constant 64 : i32
      %mul3A_474 = vector.broadcast %mul3A_473 : i32 to vector<16xi32>
      %mul3A_475 = arith.muli %convert_element_type3A_472, %mul3A_474 : vector<16xi32>
      %mul3A_476 = arith.constant 256 : i32
      %mul3A_477 = arith.muli %add3A_324, %mul3A_476 : i32
      %add3A_478 = arith.constant 176 : i32
      %add3A_479 = arith.addi %mul3A_477, %add3A_478 : i32
      %get3A_480 = arith.index_cast %add3A_479 : i32 to index
      %get3A_481 = tpu.vector_load %arg5[%get3A_480] {strides = array<i32>} : memref<25600xi32, #tpu.memory_space<vmem>>, vector<16xi32>,
      %ge3A_482 = arith.constant 409600 : i32
      %ge3A_483 = vector.broadcast %ge3A_482 : i32 to vector<16xi32>
      %ge3A_484 = arith.cmpi sge, %get3A_481, %ge3A_483 : vector<16xi32>
      %convert_element_type3A_485 = arith.extui %ge3A_484 : vector<16xi1> to vector<16xi32>
      %mul3A_486 = arith.constant 64 : i32
      %mul3A_487 = vector.broadcast %mul3A_486 : i32 to vector<16xi32>
      %mul3A_488 = arith.muli %convert_element_type3A_485, %mul3A_487 : vector<16xi32>
      %mul3A_489 = arith.constant 256 : i32
      %mul3A_490 = arith.muli %add3A_324, %mul3A_489 : i32
      %add3A_491 = arith.constant 192 : i32
      %add3A_492 = arith.addi %mul3A_490, %add3A_491 : i32
      %get3A_493 = arith.index_cast %add3A_492 : i32 to index
      %get3A_494 = tpu.vector_load %arg5[%get3A_493] {strides = array<i32>} : memref<25600xi32, #tpu.memory_space<vmem>>, vector<16xi32>,
      %ge3A_495 = arith.constant 409600 : i32
      %ge3A_496 = vector.broadcast %ge3A_495 : i32 to vector<16xi32>
      %ge3A_497 = arith.cmpi sge, %get3A_494, %ge3A_496 : vector<16xi32>
      %convert_element_type3A_498 = arith.extui %ge3A_497 : vector<16xi1> to vector<16xi32>
      %mul3A_499 = arith.constant 64 : i32
      %mul3A_500 = vector.broadcast %mul3A_499 : i32 to vector<16xi32>
      %mul3A_501 = arith.muli %convert_element_type3A_498, %mul3A_500 : vector<16xi32>
      %mul3A_502 = arith.constant 256 : i32
      %mul3A_503 = arith.muli %add3A_324, %mul3A_502 : i32
      %add3A_504 = arith.constant 208 : i32
      %add3A_505 = arith.addi %mul3A_503, %add3A_504 : i32
      %get3A_506 = arith.index_cast %add3A_505 : i32 to index
      %get3A_507 = tpu.vector_load %arg5[%get3A_506] {strides = array<i32>} : memref<25600xi32, #tpu.memory_space<vmem>>, vector<16xi32>,
      %ge3A_508 = arith.constant 409600 : i32
      %ge3A_509 = vector.broadcast %ge3A_508 : i32 to vector<16xi32>
      %ge3A_510 = arith.cmpi sge, %get3A_507, %ge3A_509 : vector<16xi32>
      %convert_element_type3A_511 = arith.extui %ge3A_510 : vector<16xi1> to vector<16xi32>
      %mul3A_512 = arith.constant 64 : i32
      %mul3A_513 = vector.broadcast %mul3A_512 : i32 to vector<16xi32>
      %mul3A_514 = arith.muli %convert_element_type3A_511, %mul3A_513 : vector<16xi32>
      %mul3A_515 = arith.constant 256 : i32
      %mul3A_516 = arith.muli %add3A_324, %mul3A_515 : i32
      %add3A_517 = arith.constant 224 : i32
      %add3A_518 = arith.addi %mul3A_516, %add3A_517 : i32
      %get3A_519 = arith.index_cast %add3A_518 : i32 to index
      %get3A_520 = tpu.vector_load %arg5[%get3A_519] {strides = array<i32>} : memref<25600xi32, #tpu.memory_space<vmem>>, vector<16xi32>,
      %ge3A_521 = arith.constant 409600 : i32
      %ge3A_522 = vector.broadcast %ge3A_521 : i32 to vector<16xi32>
      %ge3A_523 = arith.cmpi sge, %get3A_520, %ge3A_522 : vector<16xi32>
      %convert_element_type3A_524 = arith.extui %ge3A_523 : vector<16xi1> to vector<16xi32>
      %mul3A_525 = arith.constant 64 : i32
      %mul3A_526 = vector.broadcast %mul3A_525 : i32 to vector<16xi32>
      %mul3A_527 = arith.muli %convert_element_type3A_524, %mul3A_526 : vector<16xi32>
      %mul3A_528 = arith.constant 256 : i32
      %mul3A_529 = arith.muli %add3A_324, %mul3A_528 : i32
      %add3A_530 = arith.constant 240 : i32
      %add3A_531 = arith.addi %mul3A_529, %add3A_530 : i32
      %get3A_532 = arith.index_cast %add3A_531 : i32 to index
      %get3A_533 = tpu.vector_load %arg5[%get3A_532] {strides = array<i32>} : memref<25600xi32, #tpu.memory_space<vmem>>, vector<16xi32>,
      %ge3A_534 = arith.constant 409600 : i32
      %ge3A_535 = vector.broadcast %ge3A_534 : i32 to vector<16xi32>
      %ge3A_536 = arith.cmpi sge, %get3A_533, %ge3A_535 : vector<16xi32>
      %convert_element_type3A_537 = arith.extui %ge3A_536 : vector<16xi1> to vector<16xi32>
      %mul3A_538 = arith.constant 64 : i32
      %mul3A_539 = vector.broadcast %mul3A_538 : i32 to vector<16xi32>
      %mul3A_540 = arith.muli %convert_element_type3A_537, %mul3A_539 : vector<16xi32>
      %scan3A_541 = arith.constant 0 : i32
      %scan3A_542 = arith.constant 0 : i32
      %scan3A_543 = arith.constant 16 : i32
      %scan3A_544 = arith.addi %scan3A_542, %scan3A_543 : i32
      %scan3A_545 = arith.constant 1 : i32
      scf.for %scan3A_562 = %scan3A_542 to %scan3A_544 step %scan3A_545  : i32 {
        %add3A_563 = vector.broadcast %scan3A_562 : i32 to vector<16xi32>
        %add3A_564 = arith.addi %iota3A, %add3A_563 : vector<16xi32>
        %and3A = arith.constant 15 : i32
        %and3A_565 = vector.broadcast %and3A : i32 to vector<16xi32>
        %and3A_566 = arith.andi %add3A_564, %and3A_565 : vector<16xi32>
        %add3A_567 = arith.constant 0 : i32
        %add3A_568 = vector.broadcast %add3A_567 : i32 to vector<16xi32>
        %add3A_569 = arith.addi %and3A_566, %add3A_568 : vector<16xi32>
        %add3A_570 = arith.addi %mul3A_345, %add3A_569 : vector<16xi32>
        %gather3A = tpu.vector_load_idx %arg9[%add3A_5, %add3A_570] : memref<256x128xf32, #tpu.memory_space<vmem>>[vector<16xi32>, vector<16xi32>], vector<16xf32>,
        tpu.vector_store_idx %arg11[%add3A_569, %add3A_5], %gather3A : memref<64x256xf32, #tpu.memory_space<vmem>>[vector<16xi32>, vector<16xi32>], vector<16xf32>,
        %add3A_571 = arith.addi %mul3A_358, %add3A_569 : vector<16xi32>
        %gather3A_572 = tpu.vector_load_idx %arg9[%add3A_8, %add3A_571] : memref<256x128xf32, #tpu.memory_space<vmem>>[vector<16xi32>, vector<16xi32>], vector<16xf32>,
        tpu.vector_store_idx %arg11[%add3A_569, %add3A_8], %gather3A_572 : memref<64x256xf32, #tpu.memory_space<vmem>>[vector<16xi32>, vector<16xi32>], vector<16xf32>,
        %add3A_573 = arith.addi %mul3A_371, %add3A_569 : vector<16xi32>
        %gather3A_574 = tpu.vector_load_idx %arg9[%add3A_11, %add3A_573] : memref<256x128xf32, #tpu.memory_space<vmem>>[vector<16xi32>, vector<16xi32>], vector<16xf32>,
        tpu.vector_store_idx %arg11[%add3A_569, %add3A_11], %gather3A_574 : memref<64x256xf32, #tpu.memory_space<vmem>>[vector<16xi32>, vector<16xi32>], vector<16xf32>,
        %add3A_575 = arith.addi %mul3A_384, %add3A_569 : vector<16xi32>
        %gather3A_576 = tpu.vector_load_idx %arg9[%add3A_14, %add3A_575] : memref<256x128xf32, #tpu.memory_space<vmem>>[vector<16xi32>, vector<16xi32>], vector<16xf32>,
        tpu.vector_store_idx %arg11[%add3A_569, %add3A_14], %gather3A_576 : memref<64x256xf32, #tpu.memory_space<vmem>>[vector<16xi32>, vector<16xi32>], vector<16xf32>,
        %add3A_577 = arith.addi %mul3A_397, %add3A_569 : vector<16xi32>
        %gather3A_578 = tpu.vector_load_idx %arg9[%add3A_17, %add3A_577] : memref<256x128xf32, #tpu.memory_space<vmem>>[vector<16xi32>, vector<16xi32>], vector<16xf32>,
        tpu.vector_store_idx %arg11[%add3A_569, %add3A_17], %gather3A_578 : memref<64x256xf32, #tpu.memory_space<vmem>>[vector<16xi32>, vector<16xi32>], vector<16xf32>,
        %add3A_579 = arith.addi %mul3A_410, %add3A_569 : vector<16xi32>
        %gather3A_580 = tpu.vector_load_idx %arg9[%add3A_20, %add3A_579] : memref<256x128xf32, #tpu.memory_space<vmem>>[vector<16xi32>, vector<16xi32>], vector<16xf32>,
        tpu.vector_store_idx %arg11[%add3A_569, %add3A_20], %gather3A_580 : memref<64x256xf32, #tpu.memory_space<vmem>>[vector<16xi32>, vector<16xi32>], vector<16xf32>,
        %add3A_581 = arith.addi %mul3A_423, %add3A_569 : vector<16xi32>
        %gather3A_582 = tpu.vector_load_idx %arg9[%add3A_23, %add3A_581] : memref<256x128xf32, #tpu.memory_space<vmem>>[vector<16xi32>, vector<16xi32>], vector<16xf32>,
        tpu.vector_store_idx %arg11[%add3A_569, %add3A_23], %gather3A_582 : memref<64x256xf32, #tpu.memory_space<vmem>>[vector<16xi32>, vector<16xi32>], vector<16xf32>,
        %add3A_583 = arith.addi %mul3A_436, %add3A_569 : vector<16xi32>
        %gather3A_584 = tpu.vector_load_idx %arg9[%add3A_26, %add3A_583] : memref<256x128xf32, #tpu.memory_space<vmem>>[vector<16xi32>, vector<16xi32>], vector<16xf32>,
        tpu.vector_store_idx %arg11[%add3A_569, %add3A_26], %gather3A_584 : memref<64x256xf32, #tpu.memory_space<vmem>>[vector<16xi32>, vector<16xi32>], vector<16xf32>,
        %add3A_585 = arith.addi %mul3A_449, %add3A_569 : vector<16xi32>
        %gather3A_586 = tpu.vector_load_idx %arg9[%add3A_29, %add3A_585] : memref<256x128xf32, #tpu.memory_space<vmem>>[vector<16xi32>, vector<16xi32>], vector<16xf32>,
        tpu.vector_store_idx %arg11[%add3A_569, %add3A_29], %gather3A_586 : memref<64x256xf32, #tpu.memory_space<vmem>>[vector<16xi32>, vector<16xi32>], vector<16xf32>,
        %add3A_587 = arith.addi %mul3A_462, %add3A_569 : vector<16xi32>
        %gather3A_588 = tpu.vector_load_idx %arg9[%add3A_32, %add3A_587] : memref<256x128xf32, #tpu.memory_space<vmem>>[vector<16xi32>, vector<16xi32>], vector<16xf32>,
        tpu.vector_store_idx %arg11[%add3A_569, %add3A_32], %gather3A_588 : memref<64x256xf32, #tpu.memory_space<vmem>>[vector<16xi32>, vector<16xi32>], vector<16xf32>,
        %add3A_589 = arith.addi %mul3A_475, %add3A_569 : vector<16xi32>
        %gather3A_590 = tpu.vector_load_idx %arg9[%add3A_35, %add3A_589] : memref<256x128xf32, #tpu.memory_space<vmem>>[vector<16xi32>, vector<16xi32>], vector<16xf32>,
        tpu.vector_store_idx %arg11[%add3A_569, %add3A_35], %gather3A_590 : memref<64x256xf32, #tpu.memory_space<vmem>>[vector<16xi32>, vector<16xi32>], vector<16xf32>,
        %add3A_591 = arith.addi %mul3A_488, %add3A_569 : vector<16xi32>
        %gather3A_592 = tpu.vector_load_idx %arg9[%add3A_38, %add3A_591] : memref<256x128xf32, #tpu.memory_space<vmem>>[vector<16xi32>, vector<16xi32>], vector<16xf32>,
        tpu.vector_store_idx %arg11[%add3A_569, %add3A_38], %gather3A_592 : memref<64x256xf32, #tpu.memory_space<vmem>>[vector<16xi32>, vector<16xi32>], vector<16xf32>,
        %add3A_593 = arith.addi %mul3A_501, %add3A_569 : vector<16xi32>
        %gather3A_594 = tpu.vector_load_idx %arg9[%add3A_41, %add3A_593] : memref<256x128xf32, #tpu.memory_space<vmem>>[vector<16xi32>, vector<16xi32>], vector<16xf32>,
        tpu.vector_store_idx %arg11[%add3A_569, %add3A_41], %gather3A_594 : memref<64x256xf32, #tpu.memory_space<vmem>>[vector<16xi32>, vector<16xi32>], vector<16xf32>,
        %add3A_595 = arith.addi %mul3A_514, %add3A_569 : vector<16xi32>
        %gather3A_596 = tpu.vector_load_idx %arg9[%add3A_44, %add3A_595] : memref<256x128xf32, #tpu.memory_space<vmem>>[vector<16xi32>, vector<16xi32>], vector<16xf32>,
        tpu.vector_store_idx %arg11[%add3A_569, %add3A_44], %gather3A_596 : memref<64x256xf32, #tpu.memory_space<vmem>>[vector<16xi32>, vector<16xi32>], vector<16xf32>,
        %add3A_597 = arith.addi %mul3A_527, %add3A_569 : vector<16xi32>
        %gather3A_598 = tpu.vector_load_idx %arg9[%add3A_47, %add3A_597] : memref<256x128xf32, #tpu.memory_space<vmem>>[vector<16xi32>, vector<16xi32>], vector<16xf32>,
        tpu.vector_store_idx %arg11[%add3A_569, %add3A_47], %gather3A_598 : memref<64x256xf32, #tpu.memory_space<vmem>>[vector<16xi32>, vector<16xi32>], vector<16xf32>,
        %add3A_599 = arith.addi %mul3A_540, %add3A_569 : vector<16xi32>
        %gather3A_600 = tpu.vector_load_idx %arg9[%add3A_50, %add3A_599] : memref<256x128xf32, #tpu.memory_space<vmem>>[vector<16xi32>, vector<16xi32>], vector<16xf32>,
        tpu.vector_store_idx %arg11[%add3A_569, %add3A_50], %gather3A_600 : memref<64x256xf32, #tpu.memory_space<vmem>>[vector<16xi32>, vector<16xi32>], vector<16xf32>,
        %add3A_601 = arith.constant 16 : i32
        %add3A_602 = vector.broadcast %add3A_601 : i32 to vector<16xi32>
        %add3A_603 = arith.addi %and3A_566, %add3A_602 : vector<16xi32>
        %add3A_604 = arith.addi %mul3A_345, %add3A_603 : vector<16xi32>
        %gather3A_605 = tpu.vector_load_idx %arg9[%add3A_5, %add3A_604] : memref<256x128xf32, #tpu.memory_space<vmem>>[vector<16xi32>, vector<16xi32>], vector<16xf32>,
        tpu.vector_store_idx %arg11[%add3A_603, %add3A_5], %gather3A_605 : memref<64x256xf32, #tpu.memory_space<vmem>>[vector<16xi32>, vector<16xi32>], vector<16xf32>,
        %add3A_606 = arith.addi %mul3A_358, %add3A_603 : vector<16xi32>
        %gather3A_607 = tpu.vector_load_idx %arg9[%add3A_8, %add3A_606] : memref<256x128xf32, #tpu.memory_space<vmem>>[vector<16xi32>, vector<16xi32>], vector<16xf32>,
        tpu.vector_store_idx %arg11[%add3A_603, %add3A_8], %gather3A_607 : memref<64x256xf32, #tpu.memory_space<vmem>>[vector<16xi32>, vector<16xi32>], vector<16xf32>,
        %add3A_608 = arith.addi %mul3A_371, %add3A_603 : vector<16xi32>
        %gather3A_609 = tpu.vector_load_idx %arg9[%add3A_11, %add3A_608] : memref<256x128xf32, #tpu.memory_space<vmem>>[vector<16xi32>, vector<16xi32>], vector<16xf32>,
        tpu.vector_store_idx %arg11[%add3A_603, %add3A_11], %gather3A_609 : memref<64x256xf32, #tpu.memory_space<vmem>>[vector<16xi32>, vector<16xi32>], vector<16xf32>,
        %add3A_610 = arith.addi %mul3A_384, %add3A_603 : vector<16xi32>
        %gather3A_611 = tpu.vector_load_idx %arg9[%add3A_14, %add3A_610] : memref<256x128xf32, #tpu.memory_space<vmem>>[vector<16xi32>, vector<16xi32>], vector<16xf32>,
        tpu.vector_store_idx %arg11[%add3A_603, %add3A_14], %gather3A_611 : memref<64x256xf32, #tpu.memory_space<vmem>>[vector<16xi32>, vector<16xi32>], vector<16xf32>,
        %add3A_612 = arith.addi %mul3A_397, %add3A_603 : vector<16xi32>
        %gather3A_613 = tpu.vector_load_idx %arg9[%add3A_17, %add3A_612] : memref<256x128xf32, #tpu.memory_space<vmem>>[vector<16xi32>, vector<16xi32>], vector<16xf32>,
        tpu.vector_store_idx %arg11[%add3A_603, %add3A_17], %gather3A_613 : memref<64x256xf32, #tpu.memory_space<vmem>>[vector<16xi32>, vector<16xi32>], vector<16xf32>,
        %add3A_614 = arith.addi %mul3A_410, %add3A_603 : vector<16xi32>
        %gather3A_615 = tpu.vector_load_idx %arg9[%add3A_20, %add3A_614] : memref<256x128xf32, #tpu.memory_space<vmem>>[vector<16xi32>, vector<16xi32>], vector<16xf32>,
        tpu.vector_store_idx %arg11[%add3A_603, %add3A_20], %gather3A_615 : memref<64x256xf32, #tpu.memory_space<vmem>>[vector<16xi32>, vector<16xi32>], vector<16xf32>,
        %add3A_616 = arith.addi %mul3A_423, %add3A_603 : vector<16xi32>
        %gather3A_617 = tpu.vector_load_idx %arg9[%add3A_23, %add3A_616] : memref<256x128xf32, #tpu.memory_space<vmem>>[vector<16xi32>, vector<16xi32>], vector<16xf32>,
        tpu.vector_store_idx %arg11[%add3A_603, %add3A_23], %gather3A_617 : memref<64x256xf32, #tpu.memory_space<vmem>>[vector<16xi32>, vector<16xi32>], vector<16xf32>,
        %add3A_618 = arith.addi %mul3A_436, %add3A_603 : vector<16xi32>
        %gather3A_619 = tpu.vector_load_idx %arg9[%add3A_26, %add3A_618] : memref<256x128xf32, #tpu.memory_space<vmem>>[vector<16xi32>, vector<16xi32>], vector<16xf32>,
        tpu.vector_store_idx %arg11[%add3A_603, %add3A_26], %gather3A_619 : memref<64x256xf32, #tpu.memory_space<vmem>>[vector<16xi32>, vector<16xi32>], vector<16xf32>,
        %add3A_620 = arith.addi %mul3A_449, %add3A_603 : vector<16xi32>
        %gather3A_621 = tpu.vector_load_idx %arg9[%add3A_29, %add3A_620] : memref<256x128xf32, #tpu.memory_space<vmem>>[vector<16xi32>, vector<16xi32>], vector<16xf32>,
        tpu.vector_store_idx %arg11[%add3A_603, %add3A_29], %gather3A_621 : memref<64x256xf32, #tpu.memory_space<vmem>>[vector<16xi32>, vector<16xi32>], vector<16xf32>,
        %add3A_622 = arith.addi %mul3A_462, %add3A_603 : vector<16xi32>
        %gather3A_623 = tpu.vector_load_idx %arg9[%add3A_32, %add3A_622] : memref<256x128xf32, #tpu.memory_space<vmem>>[vector<16xi32>, vector<16xi32>], vector<16xf32>,
        tpu.vector_store_idx %arg11[%add3A_603, %add3A_32], %gather3A_623 : memref<64x256xf32, #tpu.memory_space<vmem>>[vector<16xi32>, vector<16xi32>], vector<16xf32>,
        %add3A_624 = arith.addi %mul3A_475, %add3A_603 : vector<16xi32>
        %gather3A_625 = tpu.vector_load_idx %arg9[%add3A_35, %add3A_624] : memref<256x128xf32, #tpu.memory_space<vmem>>[vector<16xi32>, vector<16xi32>], vector<16xf32>,
        tpu.vector_store_idx %arg11[%add3A_603, %add3A_35], %gather3A_625 : memref<64x256xf32, #tpu.memory_space<vmem>>[vector<16xi32>, vector<16xi32>], vector<16xf32>,
        %add3A_626 = arith.addi %mul3A_488, %add3A_603 : vector<16xi32>
        %gather3A_627 = tpu.vector_load_idx %arg9[%add3A_38, %add3A_626] : memref<256x128xf32, #tpu.memory_space<vmem>>[vector<16xi32>, vector<16xi32>], vector<16xf32>,
        tpu.vector_store_idx %arg11[%add3A_603, %add3A_38], %gather3A_627 : memref<64x256xf32, #tpu.memory_space<vmem>>[vector<16xi32>, vector<16xi32>], vector<16xf32>,
        %add3A_628 = arith.addi %mul3A_501, %add3A_603 : vector<16xi32>
        %gather3A_629 = tpu.vector_load_idx %arg9[%add3A_41, %add3A_628] : memref<256x128xf32, #tpu.memory_space<vmem>>[vector<16xi32>, vector<16xi32>], vector<16xf32>,
        tpu.vector_store_idx %arg11[%add3A_603, %add3A_41], %gather3A_629 : memref<64x256xf32, #tpu.memory_space<vmem>>[vector<16xi32>, vector<16xi32>], vector<16xf32>,
        %add3A_630 = arith.addi %mul3A_514, %add3A_603 : vector<16xi32>
        %gather3A_631 = tpu.vector_load_idx %arg9[%add3A_44, %add3A_630] : memref<256x128xf32, #tpu.memory_space<vmem>>[vector<16xi32>, vector<16xi32>], vector<16xf32>,
        tpu.vector_store_idx %arg11[%add3A_603, %add3A_44], %gather3A_631 : memref<64x256xf32, #tpu.memory_space<vmem>>[vector<16xi32>, vector<16xi32>], vector<16xf32>,
        %add3A_632 = arith.addi %mul3A_527, %add3A_603 : vector<16xi32>
        %gather3A_633 = tpu.vector_load_idx %arg9[%add3A_47, %add3A_632] : memref<256x128xf32, #tpu.memory_space<vmem>>[vector<16xi32>, vector<16xi32>], vector<16xf32>,
        tpu.vector_store_idx %arg11[%add3A_603, %add3A_47], %gather3A_633 : memref<64x256xf32, #tpu.memory_space<vmem>>[vector<16xi32>, vector<16xi32>], vector<16xf32>,
        %add3A_634 = arith.addi %mul3A_540, %add3A_603 : vector<16xi32>
        %gather3A_635 = tpu.vector_load_idx %arg9[%add3A_50, %add3A_634] : memref<256x128xf32, #tpu.memory_space<vmem>>[vector<16xi32>, vector<16xi32>], vector<16xf32>,
        tpu.vector_store_idx %arg11[%add3A_603, %add3A_50], %gather3A_635 : memref<64x256xf32, #tpu.memory_space<vmem>>[vector<16xi32>, vector<16xi32>], vector<16xf32>,
        %add3A_636 = arith.constant 32 : i32
        %add3A_637 = vector.broadcast %add3A_636 : i32 to vector<16xi32>
        %add3A_638 = arith.addi %and3A_566, %add3A_637 : vector<16xi32>
        %add3A_639 = arith.addi %mul3A_345, %add3A_638 : vector<16xi32>
        %gather3A_640 = tpu.vector_load_idx %arg9[%add3A_5, %add3A_639] : memref<256x128xf32, #tpu.memory_space<vmem>>[vector<16xi32>, vector<16xi32>], vector<16xf32>,
        tpu.vector_store_idx %arg11[%add3A_638, %add3A_5], %gather3A_640 : memref<64x256xf32, #tpu.memory_space<vmem>>[vector<16xi32>, vector<16xi32>], vector<16xf32>,
        %add3A_641 = arith.addi %mul3A_358, %add3A_638 : vector<16xi32>
        %gather3A_642 = tpu.vector_load_idx %arg9[%add3A_8, %add3A_641] : memref<256x128xf32, #tpu.memory_space<vmem>>[vector<16xi32>, vector<16xi32>], vector<16xf32>,
        tpu.vector_store_idx %arg11[%add3A_638, %add3A_8], %gather3A_642 : memref<64x256xf32, #tpu.memory_space<vmem>>[vector<16xi32>, vector<16xi32>], vector<16xf32>,
        %add3A_643 = arith.addi %mul3A_371, %add3A_638 : vector<16xi32>
        %gather3A_644 = tpu.vector_load_idx %arg9[%add3A_11, %add3A_643] : memref<256x128xf32, #tpu.memory_space<vmem>>[vector<16xi32>, vector<16xi32>], vector<16xf32>,
        tpu.vector_store_idx %arg11[%add3A_638, %add3A_11], %gather3A_644 : memref<64x256xf32, #tpu.memory_space<vmem>>[vector<16xi32>, vector<16xi32>], vector<16xf32>,
        %add3A_645 = arith.addi %mul3A_384, %add3A_638 : vector<16xi32>
        %gather3A_646 = tpu.vector_load_idx %arg9[%add3A_14, %add3A_645] : memref<256x128xf32, #tpu.memory_space<vmem>>[vector<16xi32>, vector<16xi32>], vector<16xf32>,
        tpu.vector_store_idx %arg11[%add3A_638, %add3A_14], %gather3A_646 : memref<64x256xf32, #tpu.memory_space<vmem>>[vector<16xi32>, vector<16xi32>], vector<16xf32>,
        %add3A_647 = arith.addi %mul3A_397, %add3A_638 : vector<16xi32>
        %gather3A_648 = tpu.vector_load_idx %arg9[%add3A_17, %add3A_647] : memref<256x128xf32, #tpu.memory_space<vmem>>[vector<16xi32>, vector<16xi32>], vector<16xf32>,
        tpu.vector_store_idx %arg11[%add3A_638, %add3A_17], %gather3A_648 : memref<64x256xf32, #tpu.memory_space<vmem>>[vector<16xi32>, vector<16xi32>], vector<16xf32>,
        %add3A_649 = arith.addi %mul3A_410, %add3A_638 : vector<16xi32>
        %gather3A_650 = tpu.vector_load_idx %arg9[%add3A_20, %add3A_649] : memref<256x128xf32, #tpu.memory_space<vmem>>[vector<16xi32>, vector<16xi32>], vector<16xf32>,
        tpu.vector_store_idx %arg11[%add3A_638, %add3A_20], %gather3A_650 : memref<64x256xf32, #tpu.memory_space<vmem>>[vector<16xi32>, vector<16xi32>], vector<16xf32>,
        %add3A_651 = arith.addi %mul3A_423, %add3A_638 : vector<16xi32>
        %gather3A_652 = tpu.vector_load_idx %arg9[%add3A_23, %add3A_651] : memref<256x128xf32, #tpu.memory_space<vmem>>[vector<16xi32>, vector<16xi32>], vector<16xf32>,
        tpu.vector_store_idx %arg11[%add3A_638, %add3A_23], %gather3A_652 : memref<64x256xf32, #tpu.memory_space<vmem>>[vector<16xi32>, vector<16xi32>], vector<16xf32>,
        %add3A_653 = arith.addi %mul3A_436, %add3A_638 : vector<16xi32>
        %gather3A_654 = tpu.vector_load_idx %arg9[%add3A_26, %add3A_653] : memref<256x128xf32, #tpu.memory_space<vmem>>[vector<16xi32>, vector<16xi32>], vector<16xf32>,
        tpu.vector_store_idx %arg11[%add3A_638, %add3A_26], %gather3A_654 : memref<64x256xf32, #tpu.memory_space<vmem>>[vector<16xi32>, vector<16xi32>], vector<16xf32>,
        %add3A_655 = arith.addi %mul3A_449, %add3A_638 : vector<16xi32>
        %gather3A_656 = tpu.vector_load_idx %arg9[%add3A_29, %add3A_655] : memref<256x128xf32, #tpu.memory_space<vmem>>[vector<16xi32>, vector<16xi32>], vector<16xf32>,
        tpu.vector_store_idx %arg11[%add3A_638, %add3A_29], %gather3A_656 : memref<64x256xf32, #tpu.memory_space<vmem>>[vector<16xi32>, vector<16xi32>], vector<16xf32>,
        %add3A_657 = arith.addi %mul3A_462, %add3A_638 : vector<16xi32>
        %gather3A_658 = tpu.vector_load_idx %arg9[%add3A_32, %add3A_657] : memref<256x128xf32, #tpu.memory_space<vmem>>[vector<16xi32>, vector<16xi32>], vector<16xf32>,
        tpu.vector_store_idx %arg11[%add3A_638, %add3A_32], %gather3A_658 : memref<64x256xf32, #tpu.memory_space<vmem>>[vector<16xi32>, vector<16xi32>], vector<16xf32>,
        %add3A_659 = arith.addi %mul3A_475, %add3A_638 : vector<16xi32>
        %gather3A_660 = tpu.vector_load_idx %arg9[%add3A_35, %add3A_659] : memref<256x128xf32, #tpu.memory_space<vmem>>[vector<16xi32>, vector<16xi32>], vector<16xf32>,
        tpu.vector_store_idx %arg11[%add3A_638, %add3A_35], %gather3A_660 : memref<64x256xf32, #tpu.memory_space<vmem>>[vector<16xi32>, vector<16xi32>], vector<16xf32>,
        %add3A_661 = arith.addi %mul3A_488, %add3A_638 : vector<16xi32>
        %gather3A_662 = tpu.vector_load_idx %arg9[%add3A_38, %add3A_661] : memref<256x128xf32, #tpu.memory_space<vmem>>[vector<16xi32>, vector<16xi32>], vector<16xf32>,
        tpu.vector_store_idx %arg11[%add3A_638, %add3A_38], %gather3A_662 : memref<64x256xf32, #tpu.memory_space<vmem>>[vector<16xi32>, vector<16xi32>], vector<16xf32>,
        %add3A_663 = arith.addi %mul3A_501, %add3A_638 : vector<16xi32>
        %gather3A_664 = tpu.vector_load_idx %arg9[%add3A_41, %add3A_663] : memref<256x128xf32, #tpu.memory_space<vmem>>[vector<16xi32>, vector<16xi32>], vector<16xf32>,
        tpu.vector_store_idx %arg11[%add3A_638, %add3A_41], %gather3A_664 : memref<64x256xf32, #tpu.memory_space<vmem>>[vector<16xi32>, vector<16xi32>], vector<16xf32>,
        %add3A_665 = arith.addi %mul3A_514, %add3A_638 : vector<16xi32>
        %gather3A_666 = tpu.vector_load_idx %arg9[%add3A_44, %add3A_665] : memref<256x128xf32, #tpu.memory_space<vmem>>[vector<16xi32>, vector<16xi32>], vector<16xf32>,
        tpu.vector_store_idx %arg11[%add3A_638, %add3A_44], %gather3A_666 : memref<64x256xf32, #tpu.memory_space<vmem>>[vector<16xi32>, vector<16xi32>], vector<16xf32>,
        %add3A_667 = arith.addi %mul3A_527, %add3A_638 : vector<16xi32>
        %gather3A_668 = tpu.vector_load_idx %arg9[%add3A_47, %add3A_667] : memref<256x128xf32, #tpu.memory_space<vmem>>[vector<16xi32>, vector<16xi32>], vector<16xf32>,
        tpu.vector_store_idx %arg11[%add3A_638, %add3A_47], %gather3A_668 : memref<64x256xf32, #tpu.memory_space<vmem>>[vector<16xi32>, vector<16xi32>], vector<16xf32>,
        %add3A_669 = arith.addi %mul3A_540, %add3A_638 : vector<16xi32>
        %gather3A_670 = tpu.vector_load_idx %arg9[%add3A_50, %add3A_669] : memref<256x128xf32, #tpu.memory_space<vmem>>[vector<16xi32>, vector<16xi32>], vector<16xf32>,
        tpu.vector_store_idx %arg11[%add3A_638, %add3A_50], %gather3A_670 : memref<64x256xf32, #tpu.memory_space<vmem>>[vector<16xi32>, vector<16xi32>], vector<16xf32>,
        %add3A_671 = arith.constant 48 : i32
        %add3A_672 = vector.broadcast %add3A_671 : i32 to vector<16xi32>
        %add3A_673 = arith.addi %and3A_566, %add3A_672 : vector<16xi32>
        %add3A_674 = arith.addi %mul3A_345, %add3A_673 : vector<16xi32>
        %gather3A_675 = tpu.vector_load_idx %arg9[%add3A_5, %add3A_674] : memref<256x128xf32, #tpu.memory_space<vmem>>[vector<16xi32>, vector<16xi32>], vector<16xf32>,
        tpu.vector_store_idx %arg11[%add3A_673, %add3A_5], %gather3A_675 : memref<64x256xf32, #tpu.memory_space<vmem>>[vector<16xi32>, vector<16xi32>], vector<16xf32>,
        %add3A_676 = arith.addi %mul3A_358, %add3A_673 : vector<16xi32>
        %gather3A_677 = tpu.vector_load_idx %arg9[%add3A_8, %add3A_676] : memref<256x128xf32, #tpu.memory_space<vmem>>[vector<16xi32>, vector<16xi32>], vector<16xf32>,
        tpu.vector_store_idx %arg11[%add3A_673, %add3A_8], %gather3A_677 : memref<64x256xf32, #tpu.memory_space<vmem>>[vector<16xi32>, vector<16xi32>], vector<16xf32>,
        %add3A_678 = arith.addi %mul3A_371, %add3A_673 : vector<16xi32>
        %gather3A_679 = tpu.vector_load_idx %arg9[%add3A_11, %add3A_678] : memref<256x128xf32, #tpu.memory_space<vmem>>[vector<16xi32>, vector<16xi32>], vector<16xf32>,
        tpu.vector_store_idx %arg11[%add3A_673, %add3A_11], %gather3A_679 : memref<64x256xf32, #tpu.memory_space<vmem>>[vector<16xi32>, vector<16xi32>], vector<16xf32>,
        %add3A_680 = arith.addi %mul3A_384, %add3A_673 : vector<16xi32>
        %gather3A_681 = tpu.vector_load_idx %arg9[%add3A_14, %add3A_680] : memref<256x128xf32, #tpu.memory_space<vmem>>[vector<16xi32>, vector<16xi32>], vector<16xf32>,
        tpu.vector_store_idx %arg11[%add3A_673, %add3A_14], %gather3A_681 : memref<64x256xf32, #tpu.memory_space<vmem>>[vector<16xi32>, vector<16xi32>], vector<16xf32>,
        %add3A_682 = arith.addi %mul3A_397, %add3A_673 : vector<16xi32>
        %gather3A_683 = tpu.vector_load_idx %arg9[%add3A_17, %add3A_682] : memref<256x128xf32, #tpu.memory_space<vmem>>[vector<16xi32>, vector<16xi32>], vector<16xf32>,
        tpu.vector_store_idx %arg11[%add3A_673, %add3A_17], %gather3A_683 : memref<64x256xf32, #tpu.memory_space<vmem>>[vector<16xi32>, vector<16xi32>], vector<16xf32>,
        %add3A_684 = arith.addi %mul3A_410, %add3A_673 : vector<16xi32>
        %gather3A_685 = tpu.vector_load_idx %arg9[%add3A_20, %add3A_684] : memref<256x128xf32, #tpu.memory_space<vmem>>[vector<16xi32>, vector<16xi32>], vector<16xf32>,
        tpu.vector_store_idx %arg11[%add3A_673, %add3A_20], %gather3A_685 : memref<64x256xf32, #tpu.memory_space<vmem>>[vector<16xi32>, vector<16xi32>], vector<16xf32>,
        %add3A_686 = arith.addi %mul3A_423, %add3A_673 : vector<16xi32>
        %gather3A_687 = tpu.vector_load_idx %arg9[%add3A_23, %add3A_686] : memref<256x128xf32, #tpu.memory_space<vmem>>[vector<16xi32>, vector<16xi32>], vector<16xf32>,
        tpu.vector_store_idx %arg11[%add3A_673, %add3A_23], %gather3A_687 : memref<64x256xf32, #tpu.memory_space<vmem>>[vector<16xi32>, vector<16xi32>], vector<16xf32>,
        %add3A_688 = arith.addi %mul3A_436, %add3A_673 : vector<16xi32>
        %gather3A_689 = tpu.vector_load_idx %arg9[%add3A_26, %add3A_688] : memref<256x128xf32, #tpu.memory_space<vmem>>[vector<16xi32>, vector<16xi32>], vector<16xf32>,
        tpu.vector_store_idx %arg11[%add3A_673, %add3A_26], %gather3A_689 : memref<64x256xf32, #tpu.memory_space<vmem>>[vector<16xi32>, vector<16xi32>], vector<16xf32>,
        %add3A_690 = arith.addi %mul3A_449, %add3A_673 : vector<16xi32>
        %gather3A_691 = tpu.vector_load_idx %arg9[%add3A_29, %add3A_690] : memref<256x128xf32, #tpu.memory_space<vmem>>[vector<16xi32>, vector<16xi32>], vector<16xf32>,
        tpu.vector_store_idx %arg11[%add3A_673, %add3A_29], %gather3A_691 : memref<64x256xf32, #tpu.memory_space<vmem>>[vector<16xi32>, vector<16xi32>], vector<16xf32>,
        %add3A_692 = arith.addi %mul3A_462, %add3A_673 : vector<16xi32>
        %gather3A_693 = tpu.vector_load_idx %arg9[%add3A_32, %add3A_692] : memref<256x128xf32, #tpu.memory_space<vmem>>[vector<16xi32>, vector<16xi32>], vector<16xf32>,
        tpu.vector_store_idx %arg11[%add3A_673, %add3A_32], %gather3A_693 : memref<64x256xf32, #tpu.memory_space<vmem>>[vector<16xi32>, vector<16xi32>], vector<16xf32>,
        %add3A_694 = arith.addi %mul3A_475, %add3A_673 : vector<16xi32>
        %gather3A_695 = tpu.vector_load_idx %arg9[%add3A_35, %add3A_694] : memref<256x128xf32, #tpu.memory_space<vmem>>[vector<16xi32>, vector<16xi32>], vector<16xf32>,
        tpu.vector_store_idx %arg11[%add3A_673, %add3A_35], %gather3A_695 : memref<64x256xf32, #tpu.memory_space<vmem>>[vector<16xi32>, vector<16xi32>], vector<16xf32>,
        %add3A_696 = arith.addi %mul3A_488, %add3A_673 : vector<16xi32>
        %gather3A_697 = tpu.vector_load_idx %arg9[%add3A_38, %add3A_696] : memref<256x128xf32, #tpu.memory_space<vmem>>[vector<16xi32>, vector<16xi32>], vector<16xf32>,
        tpu.vector_store_idx %arg11[%add3A_673, %add3A_38], %gather3A_697 : memref<64x256xf32, #tpu.memory_space<vmem>>[vector<16xi32>, vector<16xi32>], vector<16xf32>,
        %add3A_698 = arith.addi %mul3A_501, %add3A_673 : vector<16xi32>
        %gather3A_699 = tpu.vector_load_idx %arg9[%add3A_41, %add3A_698] : memref<256x128xf32, #tpu.memory_space<vmem>>[vector<16xi32>, vector<16xi32>], vector<16xf32>,
        tpu.vector_store_idx %arg11[%add3A_673, %add3A_41], %gather3A_699 : memref<64x256xf32, #tpu.memory_space<vmem>>[vector<16xi32>, vector<16xi32>], vector<16xf32>,
        %add3A_700 = arith.addi %mul3A_514, %add3A_673 : vector<16xi32>
        %gather3A_701 = tpu.vector_load_idx %arg9[%add3A_44, %add3A_700] : memref<256x128xf32, #tpu.memory_space<vmem>>[vector<16xi32>, vector<16xi32>], vector<16xf32>,
        tpu.vector_store_idx %arg11[%add3A_673, %add3A_44], %gather3A_701 : memref<64x256xf32, #tpu.memory_space<vmem>>[vector<16xi32>, vector<16xi32>], vector<16xf32>,
        %add3A_702 = arith.addi %mul3A_527, %add3A_673 : vector<16xi32>
        %gather3A_703 = tpu.vector_load_idx %arg9[%add3A_47, %add3A_702] : memref<256x128xf32, #tpu.memory_space<vmem>>[vector<16xi32>, vector<16xi32>], vector<16xf32>,
        tpu.vector_store_idx %arg11[%add3A_673, %add3A_47], %gather3A_703 : memref<64x256xf32, #tpu.memory_space<vmem>>[vector<16xi32>, vector<16xi32>], vector<16xf32>,
        %add3A_704 = arith.addi %mul3A_540, %add3A_673 : vector<16xi32>
        %gather3A_705 = tpu.vector_load_idx %arg9[%add3A_50, %add3A_704] : memref<256x128xf32, #tpu.memory_space<vmem>>[vector<16xi32>, vector<16xi32>], vector<16xf32>,
        tpu.vector_store_idx %arg11[%add3A_673, %add3A_50], %gather3A_705 : memref<64x256xf32, #tpu.memory_space<vmem>>[vector<16xi32>, vector<16xi32>], vector<16xf32>,
      }
      %scan3A_546 = arith.constant 16 : i32
      %mul3A_547 = arith.constant 256 : i32
      %mul3A_548 = arith.muli %add3A_324, %mul3A_547 : i32
      %add3A_549 = arith.addi %mul3A_2, %mul3A_548 : i32
      %multiple_of3A_550 = tpu.assume_multiple %add3A_549, 128 : i32
      %dma_start3A_551 = arith.constant 0 : i32
      %dma_start3A_552 = tpu.memref_slice %arg4[%dma_start3A_551, %multiple_of3A_550] : memref<64x819200xf32, #tpu.memory_space<hbm>> -> memref<64x256xf32, #tpu.memory_space<hbm>>
      %dma_start3A_553 = arith.constant 0 : i32
      %dma_start3A_554 = tpu.memref_slice %arg4[%dma_start3A_553, %multiple_of3A_550] : memref<64x819200xf32, #tpu.memory_space<hbm>> -> memref<64x256xf32, #tpu.memory_space<hbm>>
      tpu.enqueue_dma source(%arg11 : memref<64x256xf32, #tpu.memory_space<vmem>>) target(%dma_start3A_554 : memref<64x256xf32, #tpu.memory_space<hbm>>) target_semaphore(%arg15 : memref<!tpu.dma_semaphore, #tpu.memory_space<semaphore_mem>>)
      %add3A_555 = arith.constant 1 : i32
      %add3A_556 = arith.addi %scan3A_85, %add3A_555 : i32
      %lt3A_557 = arith.constant 50 : i32
      %lt3A_558 = arith.cmpi slt, %add3A_556, %lt3A_557 : i32
      %convert_element_type3A_559 = arith.extui %lt3A_558 : i1 to i32
      %cond3A_560 = arith.constant 0 : i32
      %cond3A_561 = arith.cmpi ne, %convert_element_type3A_559, %cond3A_560 : i32
      scf.if %cond3A_561 {
        %add3A_562 = arith.constant 2 : i32
        %add3A_563 = arith.addi %add3A_324, %add3A_562 : i32
        %scan3A_564 = arith.constant 0 : i32
        %scan3A_565 = arith.constant 0 : i32
        %scan3A_566 = arith.constant 16 : i32
        %scan3A_567 = arith.addi %scan3A_565, %scan3A_566 : i32
        %scan3A_568 = arith.constant 1 : i32
        scf.for %scan3A_573 = %scan3A_565 to %scan3A_567 step %scan3A_568  : i32 {
          %mul3A_574 = arith.constant 256 : i32
          %mul3A_575 = arith.muli %add3A_563, %mul3A_574 : i32
          %mul3A_576 = arith.constant 16 : i32
          %mul3A_577 = arith.muli %scan3A_573, %mul3A_576 : i32
          %add3A_578 = arith.addi %mul3A_575, %mul3A_577 : i32
          %get3A_579 = arith.index_cast %add3A_578 : i32 to index
          %get3A_580 = tpu.vector_load %arg5[%get3A_579] {strides = array<i32>} : memref<25600xi32, #tpu.memory_space<vmem>>, vector<16xi32>,
          %ge3A_581 = arith.constant 409600 : i32
          %ge3A_582 = vector.broadcast %ge3A_581 : i32 to vector<16xi32>
          %ge3A_583 = arith.cmpi sge, %get3A_580, %ge3A_582 : vector<16xi32>
          %convert_element_type3A_584 = arith.extui %ge3A_583 : vector<16xi1> to vector<16xi32>
          %mul3A_585 = arith.constant 409600 : i32
          %mul3A_586 = vector.broadcast %mul3A_585 : i32 to vector<16xi32>
          %mul3A_587 = arith.muli %convert_element_type3A_584, %mul3A_586 : vector<16xi32>
          %sub3A = arith.subi %get3A_580, %mul3A_587 : vector<16xi32>
          %mul3A_588 = arith.constant 16 : i32
          %mul3A_589 = arith.muli %scan3A_573, %mul3A_588 : i32
          %swap3A = arith.index_cast %mul3A_589 : i32 to index
          %swap3A_590 = tpu.vector_load %arg7[%swap3A] {strides = array<i32>} : memref<256xi32, #tpu.memory_space<vmem>>, vector<16xi32>,
          tpu.vector_store %arg7[%swap3A], %sub3A {strides = array<i32>} : memref<256xi32, #tpu.memory_space<vmem>>, vector<16xi32>,
        }
        %scan3A_569 = arith.constant 16 : i32
        %dma_start3A_570 = arith.constant 0 : i32
        %dma_start3A_571 = arith.constant 0 : i32
        %dma_start3A_572 = tpu.memref_slice %arg3[%dma_start3A_570, %dma_start3A_571] : memref<409600x128xf32, #tpu.memory_space<hbm>> -> memref<409600x128xf32, #tpu.memory_space<hbm>>
        tpu.enqueue_indirect_dma source(%dma_start3A_572 : memref<409600x128xf32, #tpu.memory_space<hbm>>) target(%arg9 : memref<256x128xf32, #tpu.memory_space<vmem>>) offsets(%arg7 : memref<256xi32, #tpu.memory_space<vmem>>) semaphore(%arg13 : memref<!tpu.dma_semaphore, #tpu.memory_space<semaphore_mem>>)
      } else {
      }
    }
    %scan3A_72 = arith.constant 50 : i32
    %add3A_73 = arith.constant 25088 : i32
    %add3A_74 = arith.addi %mul3A_2, %add3A_73 : i32
    %multiple_of3A = tpu.assume_multiple %add3A_74, 128 : i32
    %dma_wait3A = arith.constant 0 : i32
    %dma_wait3A_75 = tpu.memref_slice %arg4[%dma_wait3A, %multiple_of3A] : memref<64x819200xf32, #tpu.memory_space<hbm>> -> memref<64x256xf32, #tpu.memory_space<hbm>>
    %dma_wait3A_76 = arith.constant 0 : i32
    %dma_wait3A_77 = tpu.memref_slice %arg4[%dma_wait3A_76, %multiple_of3A] : memref<64x819200xf32, #tpu.memory_space<hbm>> -> memref<64x256xf32, #tpu.memory_space<hbm>>
    tpu.wait_dma2 semaphore(%arg14 : memref<!tpu.dma_semaphore, #tpu.memory_space<semaphore_mem>>) src(%arg10 : memref<64x256xf32, #tpu.memory_space<vmem>>) dst(%dma_wait3A_77 : memref<64x256xf32, #tpu.memory_space<hbm>>)
    %add3A_78 = arith.constant 25344 : i32
    %add3A_79 = arith.addi %mul3A_2, %add3A_78 : i32
    %multiple_of3A_80 = tpu.assume_multiple %add3A_79, 128 : i32
    %dma_wait3A_81 = arith.constant 0 : i32
    %dma_wait3A_82 = tpu.memref_slice %arg4[%dma_wait3A_81, %multiple_of3A_80] : memref<64x819200xf32, #tpu.memory_space<hbm>> -> memref<64x256xf32, #tpu.memory_space<hbm>>
    %dma_wait3A_83 = arith.constant 0 : i32
    %dma_wait3A_84 = tpu.memref_slice %arg4[%dma_wait3A_83, %multiple_of3A_80] : memref<64x819200xf32, #tpu.memory_space<hbm>> -> memref<64x256xf32, #tpu.memory_space<hbm>>
    tpu.wait_dma2 semaphore(%arg15 : memref<!tpu.dma_semaphore, #tpu.memory_space<semaphore_mem>>) src(%arg11 : memref<64x256xf32, #tpu.memory_space<vmem>>) dst(%dma_wait3A_84 : memref<64x256xf32, #tpu.memory_space<hbm>>)
    return
  }
}

module attributes {stable_mosaic.version = 14 : i64} {
  func.func @body(%arg0: i32, %arg1: memref<64x8192xf32, #tpu.memory_space<vmem>>, %arg2: memref<64x8192xf32, #tpu.memory_space<vmem>>, %arg3: memref<8192x128xf32, #tpu.memory_space<vmem>>) attributes {dimension_semantics = [#tpu.dimension_semantics<arbitrary>], iteration_bounds = array<i64: 50>, scalar_prefetch = 0 : i64, scratch_operands = 0 : i64, tpu.core_type = #tpu.core_type<tc>, window_params = [{transform_indices = @transform_0, window_bounds = array<i64: 64, 8192>}, {transform_indices = @transform_1, window_bounds = array<i64: 64, 8192>}, {transform_indices = @transform_2, window_bounds = array<i64: 8192, 128>}]} {
    %get3A = arith.constant 0 : index
    %get3A_0 = arith.constant 0 : index
    %get3A_1 = vector.load %arg1[%get3A, %get3A_0] : memref<64x8192xf32, #tpu.memory_space<vmem>>, vector<64x8192xf32>
    %transpose3A = tpu.transpose %get3A_1, [1, 0] : vector<64x8192xf32> -> vector<8192x64xf32>
    %get3A_2 = arith.constant 0 : index
    %get3A_3 = arith.constant 0 : index
    %get3A_4 = vector.load %arg2[%get3A_2, %get3A_3] : memref<64x8192xf32, #tpu.memory_space<vmem>>, vector<64x8192xf32>
    %transpose3A_5 = tpu.transpose %get3A_4, [1, 0] : vector<64x8192xf32> -> vector<8192x64xf32>
    %concatenate3A = tpu.concatenate %transpose3A, %transpose3A_5 in 1 : vector<8192x64xf32>, vector<8192x64xf32> -> vector<8192x128xf32>
    %swap3A = arith.constant 0 : index
    %swap3A_6 = arith.constant 0 : index
    %swap3A_7 = vector.load %arg3[%swap3A, %swap3A_6] : memref<8192x128xf32, #tpu.memory_space<vmem>>, vector<8192x128xf32>
    tpu.vector_store %arg3[%swap3A, %swap3A_6], %concatenate3A {strides = array<i32>} : memref<8192x128xf32, #tpu.memory_space<vmem>>, vector<8192x128xf32>,
    return
  }
  func.func @transform_0(%arg0: i32) -> (i32, i32) {
    %c0_i32 = arith.constant 0 : i32
    %c0_i32_0 = arith.constant 0 : i32
    return %c0_i32, %arg0 : i32, i32
  }
  func.func @transform_1(%arg0: i32) -> (i32, i32) {
    %add3A = arith.constant 50 : i32
    %add3A_0 = arith.addi %arg0, %add3A : i32
    %c0_i32 = arith.constant 0 : i32
    %c0_i32_1 = arith.constant 0 : i32
    return %c0_i32, %add3A_0 : i32, i32
  }
  func.func @transform_2(%arg0: i32) -> (i32, i32) {
    %c0_i32 = arith.constant 0 : i32
    %c0_i32_0 = arith.constant 0 : i32
    return %arg0, %c0_i32 : i32, i32
  }
}

</mosaic_0001>

<sc_bundles>
// kernel: kernel.4.cloned.1.call-start
scs
__scs_entry_jumppad:
0x0: {  	(pc) =	sbr.rel $0x88, $3  }
0x1: {  	(tag) =	ssettag $0x0;
	lr =	simm.s32 $0x1  }
0x2: {  	[smem:$0x3F9F] =	sst lr;
	_ =	strace $0xD0000000  }
0x3: {  	_ = 	snop  }
0x4: {  	_ = 	snop  }
0x5: {  	_ = 	snop  }
0x6: {  	_ = 	snop  }
0x7: {  	_ = 	snop  }
__scs_overlays_trampoline_lowered:
0x8: {  	[smem:$0x3FAE] =	sst s0  }
0x9: {  	[smem:$0x3FAF] =	sst s1  }
0xa: {  	[smem:$0x3FB0] =	sst s2  }
0xb: {  	[smem:$0x3FB1] =	sst s3  }
0xc: {  	[smem:$0x3FB2] =	sst s4  }
0xd: {  	[smem:$0x3FB3] =	sst s5  }
0xe: {  	[smem:$0x3FB4] =	sst s6  }
0xf: {  	[smem:$0x3FB5] =	sst s7  }
0x10: {  	[smem:$0x3FB6] =	sst s8  }
0x11: {  	[smem:$0x3FB7] =	sst s9;
	s0 =	simm.s32 @!p0 $0x0  }
0x12: {  	s1 =	sld [smem:$0x3F9D];
	s0 =	simm.s32 @p0 $0x1  }
0x13: {  	[smem:$0x3FB8] =	sst s0;
	s0 =	simm.s32 @!p1 $0x0  }
0x14: {  	s2 =	sld [smem:$0x3F9C];
	s0 =	simm.s32 @p1 $0x1  }
0x15: {  	[smem:$0x3FB9] =	sst s0;
	s0 =	simm.s32 @!p2 $0x0  }
0x16: {  	s3 =	sld [smem:$0x3FDB];
	s0 =	simm.s32 @p2 $0x1  }
0x17: {  	s4 =	simm.s32 $0x1BF5;
	[smem:$0x3FBB] =	sst s0  }
0x18: {  	s0 =	sld [smem:$0x3F9E];
	_ =	swait.ge [sflag:s4], $0x0  }
0x19: {  	s7 =	sld [smem:$0x3F9F]  }
0x1a: {  	s8 =	sadd.s32 $0xFFFFE003, lr  }
0x1b: {  	s9 =	sadd.s32 $0xFFFFFEF7, lr;
	s5 =	simm.s32 $0xFFFFFFFF;
	p2 =	slt.u32 s8, $0xFFFFF086  }
0x1c: {  	p1 =	slt.u32 s9, $0xF7A;
	s5 =	simm.s32 @!p2 $0x0  }
0x1d: {  	s5 =	simm.s32 @p1 $0x1;
	p0 =	seq.s32 s7, s2  }
0x1e: {  	s7 =	smul.u32 @!p0 $0xF7A, s2;
	p2 =	seq.s32 @!p0 s5, $0x0  }
0x1f: {  	s9 =	smul.u32 $0xF7A, s1;
	s8 =	simm.s32 @!p0 $0x1BF5;
	p2 =	por !p2, p0  }
0x20: {  	[sflag:s8] =	ssyncset.s32 @!p0 $0xFFFFF086;
	s6 =	sadd.s32 @!p0 s3, s7;
	s7 =	simm.s32 @!p0 $0x108  }
0x21: {  	s3 =	sadd.s32 s3, s9;
	s6 =	sadd.s32 @!p0 $0x88, s6;
	s7 =	simm.s32 @p2 $0x1082  }
0x22: {  	[simem:s7], [sflag:s8] =	dma.local @!p0 [hbm:s6], $0xF7A  }
0x23: {  	s9 =	sor.u32 $0xD0000000, s2;
	s6 =	simm.s32 $0x108;
	_ =	swait.ge @!p0 [sflag:s8], $0x0  }
0x24: {  	s3 =	sadd.s32 $0x88, s3;
	s6 =	simm.s32 @!p1 $0x1082;
	[sflag:s4] =	ssyncset.s32 $0xFFFFF086  }
0x25: {  	[simem:s6], [sflag:s4] =	dma.local [hbm:s3], $0xF7A  }
0x26: {  	[smem:$0x3F9F] =	sst s1;
	(tag) =	ssettag s2;
	_ =	strace s9  }
0x27: {  	s1 =	sld [smem:$0x3FAF]  }
0x28: {  	s2 =	sld [smem:$0x3FB0]  }
0x29: {  	s4 =	sld [smem:$0x3FB2]  }
0x2a: {  	p0 =	seq.s32 s5, $0x0;
	s5 =	sld [smem:$0x3FB3]  }
0x2b: {  	s6 =	sld [smem:$0x3FB4]  }
0x2c: {  	s7 =	sld [smem:$0x3FB5]  }
0x2d: {  	s3 =	simm.s32 $0x108;
	s8 =	sld [smem:$0x3FB6]  }
0x2e: {  	s3 =	simm.s32 @!p0 $0x1082;
	s9 =	sld [smem:$0x3FB7]  }
0x2f: {  	lr =	sadd.s32 s0, s3;
	s0 =	sld [smem:$0x3FAE]  }
0x30: {  	s3 =	sld [smem:$0x3FB1]  }
0x31: {  	[smem:$0x3FBA] =	sst s10  }
0x32: {  	s10 =	sld [smem:$0x3FB8];
	_ =	sdelay $0x3  }
0x33: {  	p0 =	seq.s32 s10, $0x1;
	s10 =	sld [smem:$0x3FBA];
	_ =	sdelay $0x3  }
0x34: {  	[smem:$0x3FBA] =	sst s10  }
0x35: {  	s10 =	sld [smem:$0x3FB9];
	_ =	sdelay $0x3  }
0x36: {  	p1 =	seq.s32 s10, $0x1;
	s10 =	sld [smem:$0x3FBA];
	_ =	sdelay $0x3  }
0x37: {  	[smem:$0x3FBA] =	sst s10  }
0x38: {  	s10 =	sld [smem:$0x3FBB]  }
0x39: {  	_ = 	snop;
	(pc) =	sbr.ind lr, $3  }
0x3a: {  	_ = 	snop  }
0x3b: {  	_ = 	snop  }
0x3c: {  	p2 =	seq.s32 s10, $0x1;
	s10 =	sld [smem:$0x3FBA]  }
0x3d: {  	_ =	shalt  }
0x3e: {  	_ =	shalt  }
0x3f: {  	_ =	shalt  }
0x40: {  	_ =	shalt  }
0x41: {  	_ =	shalt  }
0x42: {  	_ =	shalt  }
0x43: {  	_ =	shalt  }
0x44: {  	_ =	shalt  }
0x45: {  	_ =	shalt  }
0x46: {  	_ =	shalt  }
0x47: {  	_ =	shalt  }
0x48: {  	_ =	shalt  }
0x49: {  	_ =	shalt  }
0x4a: {  	_ =	shalt  }
0x4b: {  	_ =	shalt  }
0x4c: {  	_ =	shalt  }
0x4d: {  	_ =	shalt  }
0x4e: {  	_ =	shalt  }
0x4f: {  	_ =	shalt  }
0x50: {  	_ =	shalt  }
0x51: {  	_ =	shalt  }
0x52: {  	_ =	shalt  }
0x53: {  	_ =	shalt  }
0x54: {  	_ =	shalt  }
0x55: {  	_ =	shalt  }
0x56: {  	_ =	shalt  }
0x57: {  	_ =	shalt  }
0x58: {  	_ =	shalt  }
0x59: {  	_ =	shalt  }
0x5a: {  	_ =	shalt  }
0x5b: {  	_ =	shalt  }
0x5c: {  	_ =	shalt  }
0x5d: {  	_ =	shalt  }
0x5e: {  	_ =	shalt  }
0x5f: {  	_ =	shalt  }
0x60: {  	_ =	shalt  }
0x61: {  	_ =	shalt  }
0x62: {  	_ =	shalt  }
0x63: {  	_ =	shalt  }
0x64: {  	_ =	shalt  }
0x65: {  	_ =	shalt  }
0x66: {  	_ =	shalt  }
0x67: {  	_ =	shalt  }
0x68: {  	_ =	shalt  }
0x69: {  	_ =	shalt  }
0x6a: {  	_ =	shalt  }
0x6b: {  	_ =	shalt  }
0x6c: {  	_ =	shalt  }
0x6d: {  	_ =	shalt  }
0x6e: {  	_ =	shalt  }
0x6f: {  	_ =	shalt  }
0x70: {  	_ =	shalt  }
0x71: {  	_ =	shalt  }
0x72: {  	_ =	shalt  }
0x73: {  	_ =	shalt  }
0x74: {  	_ =	shalt  }
0x75: {  	_ =	shalt  }
0x76: {  	_ =	shalt  }
0x77: {  	_ =	shalt  }
0x78: {  	_ =	shalt  }
0x79: {  	_ =	shalt  }
0x7a: {  	_ =	shalt  }
0x7b: {  	_ =	shalt  }
0x7c: {  	_ =	shalt  }
0x7d: {  	_ =	shalt  }
0x7e: {  	_ =	shalt  }
0x7f: {  	_ =	shalt  }
0x80: {  	_ =	shalt  }
0x81: {  	_ =	shalt  }
0x82: {  	_ =	shalt  }
0x83: {  	_ =	shalt  }
0x84: {  	_ =	shalt  }
0x85: {  	_ =	shalt  }
0x86: {  	_ =	shalt  }
0x87: {  	_ =	shalt  }
.Lfunc_end0:
.L_simem_size_0:
called_computation_lowered:
.L_overlay_start_0:
0x88: {  	s2 =	sld [smem:$0x3FD9]  }
0x89: {  	s3 =	sld [smem:$0x3FFE];
	_ =	sdelay $0x1  }
0x8a: {  	s1 =	srdreg.scid  }
0x8b: {  	s0 =	sand.u32 $0x1, s1  }
0x8c: {  	s17 =	sshll.u32 s0, $0xA;
	s2 =	sadd.s32 s3, s2  }
0x8d: {  	s2 =	sadd.s32 s2, s17  }
0x8e: {  	[smem:$0x3FC6] =	sst s2  }
0x8f: {  	_ = 	snop  }
0x90: {  	s2 =	sld [smem:$0x3FC9]  }
0x91: {  	s18 =	sld [smem:$0x3FD0];
	(tm) =	ssettm $0x1  }
0x92: {  	s4 =	sld [smem:$0x3FFB];
	_ =	sdelay $0x3  }
0x93: {  	_ =	strace s4  }
0x94: {  	s4 =	sld [smem:$0x3FFC];
	_ =	sdelay $0x3  }
0x95: {  	_ =	strace s4  }
0x96: {  	s4 =	sld [smem:$0x3FFD];
	_ =	sdelay $0x3  }
0x97: {  	_ =	strace s4  }
0x98: {  	_ =	strace $0x8FFFFFFF  }
0x99: {  	s19 =	sld [smem:$0x3FDB];
	_ =	sdelay $0x1  }
0x9a: {  	s5 =	simm.s32 $_scs_section_size  }
0x9b: {  	s6 =	simm.s32 $_size__tile_overlayer_lowered;
	s7 =	simm.s32 $_tile_overlayer_lowered  }
0x9c: {  	s22 =	simm.s32 $0x1BFF;
	s21 =	sshll.u32 s7, $0x1;
	s4 =	sadd.s32 s5, s19  }
0x9d: {  	s8 =	simm.s32 $0x0;
	s20 =	sshll.u32 s6, $0x1;
	s6 =	sadd.s32 s21, s4  }
0x9e: {  	[timem:s8], [sflag:s22] =	dma.local [hbm:s6], s20  }
0x9f: {  	_ =	swait.ge [sflag:s22], s20  }
0xa0: {  	s5 =	ssub.s32 $0x0, s20;
	[sflag:s22] =	ssyncset.done $0x0  }
0xa1: {  	[sflag:s22] =	ssyncadd.s32 s5;
	_ =	sdelay $0x1  }
0xa2: {  	s23 =	simm.s32 $0x1B8B  }
0xa3: {  	_ =	swait.ge [sflag:s23], $0x1  }
0xa4: {  	[sflag:s23] =	ssyncset.done $0x0  }
0xa5: {  	s25 =	simm.s32 $0x1B8E;
	s24 =	sld [smem:$0x3FFE];
	[sflag:s23] =	ssyncadd.s32 $0xFFFFFFFF  }
0xa6: {  	s26 =	simm.s32 $execute0_lowered;
	[smem:$0x3FD2] =	sst s25  }
0xa7: {  	s6 =	sshll.u32 s26, $0x1;
	_ =	strace $0x80000046;
	[dreg:$0x1] =	wrdreg $0xFFFFFFFF  }
0xa8: {  	s28 =	simm.s32 $_size_execute0_lowered;
	s4 =	sadd.s32 s4, s6;
	[dreg:$0x0] =	wrdreg $0x0  }
0xa9: {  	s6 =	sshll.u32 s28, $0x1;
	[dreg:$0x2] =	wrdreg s4  }
0xaa: {  	[dreg:$0x3] =	wrdreg s6  }
0xab: {  	[dreg:$0x4] =	wrdreg $0xC0  }
0xac: {  	_ =	task [dreg:s8], $0x5FFFF  }
0xad: {  	[dreg:$0x1] =	wrdreg $0xFFFFFFFF  }
0xae: {  	[dreg:$0x0] =	wrdreg $0x60  }
0xaf: {  	[dreg:$0x2] =	wrdreg s2  }
0xb0: {  	[dreg:$0x3] =	wrdreg s24  }
0xb1: {  	[dreg:$0x4] =	wrdreg s18  }
0xb2: {  	[dreg:$0x5] =	wrdreg $0x9  }
0xb3: {  	_ =	task.clear_ibuf [dreg:s8], $0x6FFFF;
	_ =	strace $0x90000046  }
0xb4: {  	s29 =	simm.s32 $0x9;
	_ =	strace $0x80000048  }
0xb5: {  	_ =	swait.ge [sflag:s29], $0x1  }
0xb6: {  	[sflag:s29] =	ssyncadd.s32 $0xFFFFFFFF  }
0xb7: {  	_ =	strace $0x90000048  }
0xb8: {  	_ =	sfence  }
0xb9: {  	s30 =	sld [smem:$0x0];
	_ =	sdelay $0x2  }
0xba: {  	s31 =	sshll.u32 s1, $0xD;
	s1 =	sshrl.u32 s1, $0x2  }
0xbb: {  	s3 =	sand.u32 $0x4000, s31;
	s1 =	sadd.s32 s1, s30  }
0xbc: {  	s0 =	sor.u32 s3, s0;
	s1 =	sshll.u32 s1, $0x11  }
0xbd: {  	s0 =	sor.u32 s1, s0  }
0xbe: {  	s0 =	sadd.s32 $0x8F2B, s0  }
0xbf: {  	[sflag:s0] =	ssyncadd.remote.s32 $0x1  }
0xc0: {  	_ =	sfence.sel $0xFFFF  }
0xc1: {  	[dreg:$0x0] =	wrdreg $0xFFFFFFFF;
	(pc) =	sbr.abs _section_cstart, $3  }
0xc2: {  	[dreg:$0x1] =	wrdreg $0xFFFFFFFF  }
0xc3: {  	_ =	task.clear_ibuf [dreg:s8], $0x2FFFF;
	_ =	strace $0x9FFFFFFF  }
0xc4: {  	(tm) =	ssettm $0x7FFFFFFF  }
0xc5: {  	_ =	shalt  }
tec
execute0_lowered:
.L_overlay_start_1:
0x0: {  	(tag) =	ssettag $0x1  }
0x1: {  	v0 =	vlaneseq.u32;
	s4 =	rddreg [dreg:$0x0];
	v2 =	vimm.s32 $0xFFF9C000  }
0x2: {  	s3 =	rddreg [dreg:$0x1];
	v1 =	vmul.u32 $0x80, v0;
	v34 =	vor.u32 $0x10, v0;
	v35 =	vor.u32 $0x20, v0  }
0x3: {  	s1 =	srdreg.scid;
	s0 =	stileid.u32;
	v36 =	vor.u32 $0x30, v0;
	v37 =	vor.u32 $0x40, v0;
	v38 =	vor.u32 $0x50, v0  }
0x4: {  	s5 =	rddreg [dreg:$0x2];
	s2 =	simm.s32 $0x0;
	s9 =	simm.s32 $0x6400;
	v39 =	vor.u32 $0x60, v0;
	v40 =	vor.u32 $0x70, v0;
	v3 =	vor.u32 $0x40, v1  }
0x5: {  	s10 =	simm.s32 $0x6600;
	s11 =	simm.s32 $0x6500;
	s12 =	simm.s32 $0xE600;
	v6 =	vor.u32 $0x1000, v1;
	v7 =	vor.u32 $0x1040, v1;
	v8 =	vor.u32 $0x1800, v1  }
0x6: {  	s13 =	simm.s32 $0x1;
	s14 =	simm.s32 $0x16600;
	s15 =	simm.s32 $0x800;
	v9 =	vor.u32 $0x1840, v1;
	v10 =	vor.u32 $0x2000, v1;
	v11 =	vor.u32 $0x2040, v1  }
0x7: {  	s16 =	simm.s32 $0x640000;
	s17 =	simm.s32 $0x4;
	s18 =	simm.s32 $0x2;
	v12 =	vor.u32 $0x2800, v1;
	v13 =	vor.u32 $0x2840, v1;
	v14 =	vor.u32 $0x3000, v1  }
0x8: {  	s19 =	simm.s32 $0x1A600;
	s20 =	simm.s32 $0x3;
	s21 =	simm.s32 $0x0;
	v15 =	vor.u32 $0x3040, v1;
	v16 =	vor.u32 $0x3800, v1;
	v17 =	vor.u32 $0x3840, v1  }
0x9: {  	s6 =	sand.u32 $0x1, s1;
	s7 =	sshll.u32 s0, $0x1;
	s1 =	rddreg [dreg:$0x3];
	v18 =	vor.u32 $0x4000, v1;
	v19 =	vor.u32 $0x4040, v1;
	v20 =	vor.u32 $0x4800, v1  }
.Ltmp0:
0xa: {  	s7 =	sor.u32 s6, s7;
	s6 =	ssub.s32 $0x2, s6;
	v21 =	vor.u32 $0x4840, v1;
	v22 =	vor.u32 $0x5000, v1;
	v23 =	vor.u32 $0x5040, v1;
	(pc) =	sbr.rel .LBB2_1-.Ltmp0, $4  }
0xb: {  	[smem:$0x7FF] =	sst s2;
	s7 =	smul.u32 $0x6400, s7;
	s8 =	sshrl.u32 s6, $0x1;
	v24 =	vor.u32 $0x5800, v1;
	v25 =	vor.u32 $0x5840, v1;
	[tilespmem:$0x1FFD0] =	vst v3;
	v3 =	vor.u32 $0x800, v1  }
0xc: {  	s3 =	sadd.s32 $0x400, s3;
	v26 =	vor.u32 $0x6000, v1;
	v27 =	vor.u32 $0x6040, v1;
	s6 =	ssub.s32 s6, s8;
	s8 =	simm.s32 $0x100;
	[tilespmem:$0x1FFE0] =	vst v3;
	v3 =	vor.u32 $0x840, v1  }
0xd: {  	v28 =	vor.u32 $0x6800, v1;
	v29 =	vor.u32 $0x6840, v1;
	v30 =	vor.u32 $0x7000, v1;
	s31 =	sshrl.u32 s7, $0x3;
	s5 =	sadd.s32 s5, s7;
	s6 =	smax.u32 s6, $0x1;
	[tilespmem:$0x1FFF0] =	vst v3  }
0xe: {  	v31 =	vor.u32 $0x7040, v1;
	v32 =	vor.u32 $0x7800, v1;
	v33 =	vor.u32 $0x7840, v1;
	s7 =	simm.s32 $0x5;
	s4 =	sadd.s32 s4, s31;
	_ =	strace $0x80000047  }
.LBB2_17:
0xf: {  	s21 =	sadd.s32 $0x1, s21  }
0x10: {  	_ =	swait.ge [sflag:s20], $0x4000;
	p0 =	sne.s32 s21, s6  }
.Ltmp1:
0x11: {  	[sflag:s20] =	ssyncset.done $0x0;
	(pc) =	sbr.rel @!p0 .LBB2_18-.Ltmp1, $4  }
0x12: {  	[sflag:s20] =	ssyncadd.s32 $0xFFFFC000  }
0x13: {  	_ =	swait.ge [sflag:s17], $0x4000  }
0x14: {  	[sflag:s17] =	ssyncset.done $0x0  }
0x15: {  	[sflag:s17] =	ssyncadd.s32 $0xFFFFC000  }
.LBB2_1:
0x16: {  	[tilespmem:s2], [sflag:$0x5] =	stream.linear.gather [hbm4b:s4+s2], $0x6400, $0x38;
	[tilespmem:$0x1E600] =	vst v63  }
0x17: {  	_ =	swait.ge [sflag:s7], $0x6400  }
0x18: {  	[sflag:s7] =	ssyncset.done $0x0  }
0x19: {  	[sflag:s7] =	ssyncadd.s32 $0xFFFF9C00  }
0x1a: {  	v41 =	vld [tilespmem:$0x0]  }
0x1b: {  	v42 =	vld [tilespmem:$0x10]  }
0x1c: {  	v43 =	vld [tilespmem:$0x20]  }
0x1d: {  	v44 =	vld [tilespmem:$0x30]  }
0x1e: {  	v45 =	vld [tilespmem:$0x40]  }
0x1f: {  	v46 =	vld [tilespmem:$0x50];
	vm0 =	vlt.s32 v41, $0x64000  }
0x20: {  	v48 =	vld [tilespmem:$0x60];
	vm12 =	vlt.s32 v42, $0x64000;
	v47 =	vsel vm0, $0x0, v2  }
0x21: {  	v49 =	vld [tilespmem:$0x70];
	vm13 =	vlt.s32 v43, $0x64000;
	v58 =	vsel vm12, $0x0, v2;
	v41 =	vadd.s32 v41, v47  }
0x22: {  	v61 =	vld [tilespmem:$0x80];
	vm14 =	vlt.s32 v44, $0x64000;
	v60 =	vsel vm13, $0x0, v2;
	v59 =	vadd.s32 v42, v58;
	[tilespmem:$0x6400] =	vst v41  }
0x23: {  	vm15 =	vlt.s32 v45, $0x64000;
	v63 =	vsel vm14, $0x0, v2;
	v62 =	vadd.s32 v43, v60;
	v43 =	vld [tilespmem:$0x90];
	[tilespmem:$0x6410] =	vst v59  }
0x24: {  	vm4 =	vlt.s32 v46, $0x64000;
	v51 =	vsel vm15, $0x0, v2;
	v50 =	vadd.s32 v44, v63;
	v44 =	vld [tilespmem:$0xA0];
	[tilespmem:$0x6420] =	vst v62  }
0x25: {  	vm5 =	vlt.s32 v48, $0x64000;
	v53 =	vsel vm4, $0x0, v2;
	v52 =	vadd.s32 v45, v51;
	v45 =	vld [tilespmem:$0xB0];
	[tilespmem:$0x6430] =	vst v50  }
0x26: {  	vm6 =	vlt.s32 v49, $0x64000;
	v55 =	vsel vm5, $0x0, v2;
	v54 =	vadd.s32 v46, v53;
	v46 =	vld [tilespmem:$0xC0];
	[tilespmem:$0x6440] =	vst v52  }
0x27: {  	vm7 =	vlt.s32 v61, $0x64000;
	v57 =	vsel vm6, $0x0, v2;
	v56 =	vadd.s32 v48, v55;
	v48 =	vld [tilespmem:$0xD0];
	[tilespmem:$0x6450] =	vst v54  }
0x28: {  	v58 =	vadd.s32 v49, v57;
	v60 =	vld [tilespmem:$0xE0];
	[tilespmem:$0x6460] =	vst v56;
	v59 =	vsel vm7, $0x0, v2;
	vm8 =	vlt.s32 v43, $0x64000  }
0x29: {  	v63 =	vld [tilespmem:$0xF0];
	[tilespmem:$0x6470] =	vst v58;
	v61 =	vadd.s32 v61, v59;
	vm9 =	vlt.s32 v44, $0x64000;
	v62 =	vsel vm8, $0x0, v2  }
0x2a: {  	[tilespmem:$0x6480] =	vst v61;
	vm10 =	vlt.s32 v45, $0x64000;
	v51 =	vsel vm9, $0x0, v2;
	v50 =	vadd.s32 v43, v62  }
0x2b: {  	vm11 =	vlt.s32 v46, $0x64000;
	v53 =	vsel vm10, $0x0, v2;
	v52 =	vadd.s32 v44, v51;
	[tilespmem:$0x6490] =	vst v50  }
0x2c: {  	vm12 =	vlt.s32 v48, $0x64000;
	v55 =	vsel vm11, $0x0, v2;
	v54 =	vadd.s32 v45, v53;
	[tilespmem:$0x64A0] =	vst v52  }
0x2d: {  	vm13 =	vlt.s32 v60, $0x64000;
	v57 =	vsel vm12, $0x0, v2;
	v56 =	vadd.s32 v46, v55;
	[tilespmem:$0x64B0] =	vst v54  }
0x2e: {  	vm14 =	vlt.s32 v63, $0x64000;
	v59 =	vsel vm13, $0x0, v2;
	v58 =	vadd.s32 v48, v57;
	[tilespmem:$0x64C0] =	vst v56  }
0x2f: {  	v61 =	vsel vm14, $0x0, v2;
	v60 =	vadd.s32 v60, v59;
	[tilespmem:$0x64D0] =	vst v58  }
0x30: {  	v62 =	vadd.s32 v63, v61;
	[tilespmem:$0x64E0] =	vst v60  }
0x31: {  	s22 =	sand.u32 $0xF0, s2;
	[tilespmem:$0x64F0] =	vst v62  }
0x32: {  	[tilespmem:s10], [sflag:$0x1] =	stream.indirect.gather [hbm4b:s3+s8], $0x80, s9, s8, $0xb8;
	[tilespmem:$0x1E600] =	vst v63  }
0x33: {  	v41 =	vld [tilespmem:s22+$0x100];
	_ =	sdelay $0x4  }
0x34: {  	vm15 =	vlt.s32 v41, $0x64000  }
0x35: {  	v63 =	vsel vm15, $0x0, v2  }
0x36: {  	s31 =	simm.s32 $0x10;
	v41 =	vadd.s32 v41, v63  }
0x37: {  	s23 =	simm.s32 $0x20;
	s24 =	sand.u32 $0xF0, s31;
	s22 =	simm.s32 $0x6500;
	[tilespmem:s11+$0x0] =	vst v41  }
.LBB2_2:
0x38: {  	p0 =	sne.s32 s23, $0xF0;
	v41 =	vld [tilespmem:s24+$0x100];
	_ =	sdelay $0x3  }
.Ltmp2:
0x39: {  	(pc) =	sbr.rel @p0 .LBB2_2-.Ltmp2, $4  }
0x3a: {  	vm0 =	vlt.s32 v41, $0x64000  }
0x3b: {  	v42 =	vsel vm0, $0x0, v2  }
0x3c: {  	s22 =	sadd.s32 $0x10, s22;
	v41 =	vadd.s32 v41, v42  }
0x3d: {  	s24 =	sand.u32 $0xF0, s23;
	s23 =	sadd.s32 $0x10, s23;
	[tilespmem:s22+$0x0] =	vst v41  }
0x3e: {  	v41 =	vld [tilespmem:s24+$0x100];
	_ =	sdelay $0x4  }
0x3f: {  	vm0 =	vlt.s32 v41, $0x64000  }
0x40: {  	v42 =	vsel vm0, $0x0, v2  }
0x41: {  	s22 =	sadd.s32 $0x10, s22;
	v41 =	vadd.s32 v41, v42  }
0x42: {  	s23 =	simm.s32 $0x0;
	[tilespmem:s22+$0x0] =	vst v41;
	s22 =	simm.s32 $0x0  }
0x43: {  	[tilespmem:s12], [sflag:$0x2] =	stream.indirect.gather [hbm4b:s3+s8], $0x80, s11, s8, $0xb8;
	[tilespmem:$0x1E600] =	vst v63  }
.LBB2_4:
0x44: {  	p1 =	seq.s32 s23, $0x0  }
0x45: {  	s24 =	simm.s32 @!p1 $0x3  }
0x46: {  	_ =	swait.ge @!p1 [sflag:s24], $0x4000  }
0x47: {  	[sflag:s24] =	ssyncset.done @!p1 $0x0  }
0x48: {  	[sflag:s24] =	ssyncadd.s32 @!p1 $0xFFFFC000  }
0x49: {  	_ =	swait.ge [sflag:s13], $0x8000  }
0x4a: {  	[sflag:s13] =	ssyncset.done $0x0;
	v3 =	vld [tilespmem:$0x1FFD0]  }
0x4b: {  	s24 =	sshll.u32 s23, $0x9;
	v4 =	vld [tilespmem:$0x1FFF0];
	[sflag:s13] =	ssyncadd.s32 $0xFFFF8000  }
0x4c: {  	v41 =	vld [tilespmem:s24+$0x0]  }
0x4d: {  	v42 =	vld [tilespmem:s24+$0x10]  }
0x4e: {  	v43 =	vld [tilespmem:s24+$0x20]  }
0x4f: {  	v44 =	vld [tilespmem:s24+$0x30]  }
0x50: {  	v45 =	vld [tilespmem:s24+$0x40]  }
0x51: {  	v57 =	vadd.s32 s22, v0;
	v46 =	vld [tilespmem:s24+$0x50];
	vm0 =	vgt.s32 v41, $0x63FFF  }
0x52: {  	v60 =	vand.u32 $0xF, v57;
	v47 =	vld [tilespmem:s24+$0x60];
	v41 =	vsel vm0, v3, v1  }
0x53: {  	v3 =	vld [tilespmem:$0x1FFE0];
	v49 =	vor.u32 v60, v41  }
0x54: {  	v48 =	vld [tilespmem:s24+$0x70]  }
0x55: {  	v52 =	vshll.u32 v57, $0x8;
	v53 =	vshll.u32 v57, $0x7;
	v50 =	vld [tilespmem:s24+$0x80]  }
0x56: {  	v52 =	vand.u32 $0x800, v52;
	v58 =	vand.u32 $0x380, v53;
	v51 =	vld [tilespmem:s24+$0x90]  }
0x57: {  	v55 =	vor.u32 v58, v52;
	v54 =	vld [tilespmem:s24+$0xA0];
	vm13 =	vgt.s32 v42, $0x63FFF  }
0x58: {  	v56 =	vor.u32 v0, v55;
	v42 =	vsel vm13, v4, v3;
	v49 =	vld.idx.msk [tilespmem:v49+s10+$0x0], $0xffff  }
0x59: {  	v53 =	vld [tilespmem:s24+$0xB0];
	v59 =	vor.u32 v60, v42  }
0x5a: {  	v61 =	vld [tilespmem:s24+$0xC0]  }
0x5b: {  	v62 =	vld [tilespmem:s24+$0xD0]  }
0x5c: {  	v63 =	vld [tilespmem:s24+$0xE0]  }
0x5d: {  	vm14 =	vgt.s32 v43, $0x63FFF;
	v3 =	vld [tilespmem:s24+$0xF0];
	[tilespmem:v56+s14+$0x0] =	vst.idx.msk $0xffff, v49  }
0x5e: {  	v43 =	vsel vm14, v7, v6;
	v56 =	vor.u32 v34, v55;
	v49 =	vld.idx.msk [tilespmem:v59+s10+$0x0], $0xffff  }
0x5f: {  	v59 =	vor.u32 v60, v43;
	_ =	sdelay $0x3  }
0x60: {  	vm15 =	vgt.s32 v44, $0x63FFF;
	[tilespmem:v56+s14+$0x0] =	vst.idx.msk $0xffff, v49  }
0x61: {  	v44 =	vsel vm15, v9, v8;
	v56 =	vor.u32 v35, v55;
	v49 =	vld.idx.msk [tilespmem:v59+s10+$0x0], $0xffff  }
0x62: {  	v59 =	vor.u32 v60, v44;
	_ =	sdelay $0x3  }
0x63: {  	vm4 =	vgt.s32 v45, $0x63FFF;
	[tilespmem:v56+s14+$0x0] =	vst.idx.msk $0xffff, v49  }
0x64: {  	v45 =	vsel vm4, v11, v10;
	v56 =	vor.u32 v36, v55;
	v49 =	vld.idx.msk [tilespmem:v59+s10+$0x0], $0xffff  }
0x65: {  	v59 =	vor.u32 v60, v45;
	_ =	sdelay $0x3  }
0x66: {  	vm5 =	vgt.s32 v46, $0x63FFF;
	[tilespmem:v56+s14+$0x0] =	vst.idx.msk $0xffff, v49  }
0x67: {  	v46 =	vsel vm5, v13, v12;
	v56 =	vor.u32 v37, v55;
	v49 =	vld.idx.msk [tilespmem:v59+s10+$0x0], $0xffff  }
0x68: {  	v59 =	vor.u32 v60, v46;
	_ =	sdelay $0x3  }
0x69: {  	vm6 =	vgt.s32 v47, $0x63FFF;
	[tilespmem:v56+s14+$0x0] =	vst.idx.msk $0xffff, v49  }
0x6a: {  	v47 =	vsel vm6, v15, v14;
	v56 =	vor.u32 v38, v55;
	v49 =	vld.idx.msk [tilespmem:v59+s10+$0x0], $0xffff  }
0x6b: {  	v59 =	vor.u32 v60, v47;
	_ =	sdelay $0x3  }
0x6c: {  	vm7 =	vgt.s32 v48, $0x63FFF;
	[tilespmem:v56+s14+$0x0] =	vst.idx.msk $0xffff, v49  }
0x6d: {  	v48 =	vsel vm7, v17, v16;
	v56 =	vor.u32 v39, v55;
	v49 =	vld.idx.msk [tilespmem:v59+s10+$0x0], $0xffff  }
0x6e: {  	v59 =	vor.u32 v60, v48;
	_ =	sdelay $0x3  }
0x6f: {  	vm8 =	vgt.s32 v50, $0x63FFF;
	[tilespmem:v56+s14+$0x0] =	vst.idx.msk $0xffff, v49  }
0x70: {  	v55 =	vor.u32 v40, v55;
	v49 =	vsel vm8, v19, v18;
	v50 =	vld.idx.msk [tilespmem:v59+s10+$0x0], $0xffff  }
0x71: {  	v56 =	vor.u32 v60, v49;
	_ =	sdelay $0x2  }
0x72: {  	v59 =	vor.u32 $0x400, v58  }
0x73: {  	vm9 =	vgt.s32 v51, $0x63FFF;
	v4 =	vor.u32 v52, v59;
	[tilespmem:v55+s14+$0x0] =	vst.idx.msk $0xffff, v50  }
0x74: {  	v52 =	vor.u32 v0, v4;
	v50 =	vsel vm9, v21, v20;
	v51 =	vld.idx.msk [tilespmem:v56+s10+$0x0], $0xffff  }
0x75: {  	v55 =	vor.u32 v60, v50;
	_ =	sdelay $0x3  }
0x76: {  	vm10 =	vgt.s32 v54, $0x63FFF;
	[tilespmem:v52+s14+$0x0] =	vst.idx.msk $0xffff, v51  }
0x77: {  	v54 =	vor.u32 v34, v4;
	v51 =	vsel vm10, v23, v22;
	v52 =	vld.idx.msk [tilespmem:v55+s10+$0x0], $0xffff  }
0x78: {  	v55 =	vor.u32 v60, v51;
	_ =	sdelay $0x3  }
0x79: {  	vm11 =	vgt.s32 v53, $0x63FFF;
	[tilespmem:v54+s14+$0x0] =	vst.idx.msk $0xffff, v52  }
0x7a: {  	v52 =	vsel vm11, v25, v24;
	v54 =	vor.u32 v35, v4;
	v53 =	vld.idx.msk [tilespmem:v55+s10+$0x0], $0xffff  }
0x7b: {  	v55 =	vor.u32 v60, v52;
	_ =	sdelay $0x3  }
0x7c: {  	vm12 =	vgt.s32 v61, $0x63FFF;
	[tilespmem:v54+s14+$0x0] =	vst.idx.msk $0xffff, v53  }
0x7d: {  	v53 =	vsel vm12, v27, v26;
	v54 =	vld.idx.msk [tilespmem:v55+s10+$0x0], $0xffff;
	v55 =	vor.u32 v36, v4  }
0x7e: {  	v61 =	vor.u32 v60, v53;
	_ =	sdelay $0x3  }
0x7f: {  	vm13 =	vgt.s32 v62, $0x63FFF;
	[tilespmem:v55+s14+$0x0] =	vst.idx.msk $0xffff, v54  }
0x80: {  	v56 =	vor.u32 v37, v4;
	v54 =	vsel vm13, v29, v28;
	v55 =	vld.idx.msk [tilespmem:v61+s10+$0x0], $0xffff  }
0x81: {  	v61 =	vor.u32 v60, v54;
	_ =	sdelay $0x3  }
0x82: {  	vm14 =	vgt.s32 v63, $0x63FFF;
	[tilespmem:v56+s14+$0x0] =	vst.idx.msk $0xffff, v55  }
0x83: {  	v55 =	vsel vm14, v31, v30;
	v56 =	vld.idx.msk [tilespmem:v61+s10+$0x0], $0xffff;
	v61 =	vor.u32 v38, v4  }
0x84: {  	v62 =	vor.u32 v60, v55;
	_ =	sdelay $0x3  }
0x85: {  	vm15 =	vgt.s32 v3, $0x63FFF;
	[tilespmem:v61+s14+$0x0] =	vst.idx.msk $0xffff, v56  }
0x86: {  	v56 =	vsel vm15, v33, v32;
	v61 =	vor.u32 v39, v4;
	v3 =	vld.idx.msk [tilespmem:v62+s10+$0x0], $0xffff  }
0x87: {  	v62 =	vor.u32 v60, v56;
	_ =	sdelay $0x3  }
0x88: {  	[tilespmem:v61+s14+$0x0] =	vst.idx.msk $0xffff, v3  }
0x89: {  	v4 =	vor.u32 v40, v4;
	v61 =	vor.u32 $0x10, v57;
	v3 =	vld.idx.msk [tilespmem:v62+s10+$0x0], $0xffff  }
0x8a: {  	v62 =	vor.u32 v61, v41;
	_ =	sdelay $0x1  }
0x8b: {  	v63 =	vshll.u32 v61, $0x8  }
0x8c: {  	v63 =	vand.u32 $0x1800, v63  }
0x8d: {  	[tilespmem:v4+s14+$0x0] =	vst.idx.msk $0xffff, v3;
	v3 =	vor.u32 v58, v63  }
0x8e: {  	v4 =	vld.idx.msk [tilespmem:v62+s10+$0x0], $0xffff;
	v62 =	vor.u32 v0, v3  }
0x8f: {  	v5 =	vor.u32 v61, v42;
	_ =	sdelay $0x3  }
0x90: {  	[tilespmem:v62+s14+$0x0] =	vst.idx.msk $0xffff, v4  }
0x91: {  	v4 =	vld.idx.msk [tilespmem:v5+s10+$0x0], $0xffff;
	v5 =	vor.u32 v34, v3  }
0x92: {  	v62 =	vor.u32 v61, v43;
	_ =	sdelay $0x3  }
0x93: {  	[tilespmem:v5+s14+$0x0] =	vst.idx.msk $0xffff, v4  }
0x94: {  	v5 =	vor.u32 v35, v3;
	v4 =	vld.idx.msk [tilespmem:v62+s10+$0x0], $0xffff  }
0x95: {  	v62 =	vor.u32 v61, v44;
	_ =	sdelay $0x3  }
0x96: {  	[tilespmem:v5+s14+$0x0] =	vst.idx.msk $0xffff, v4  }
0x97: {  	v5 =	vor.u32 v36, v3;
	v4 =	vld.idx.msk [tilespmem:v62+s10+$0x0], $0xffff  }
0x98: {  	v62 =	vor.u32 v61, v45;
	_ =	sdelay $0x3  }
0x99: {  	[tilespmem:v5+s14+$0x0] =	vst.idx.msk $0xffff, v4  }
0x9a: {  	v5 =	vor.u32 v37, v3;
	v4 =	vld.idx.msk [tilespmem:v62+s10+$0x0], $0xffff  }
0x9b: {  	v62 =	vor.u32 v61, v46;
	_ =	sdelay $0x3  }
0x9c: {  	[tilespmem:v5+s14+$0x0] =	vst.idx.msk $0xffff, v4  }
0x9d: {  	v5 =	vor.u32 v38, v3;
	v4 =	vld.idx.msk [tilespmem:v62+s10+$0x0], $0xffff  }
0x9e: {  	v62 =	vor.u32 v61, v47;
	_ =	sdelay $0x3  }
0x9f: {  	[tilespmem:v5+s14+$0x0] =	vst.idx.msk $0xffff, v4  }
0xa0: {  	v5 =	vor.u32 v39, v3;
	v4 =	vld.idx.msk [tilespmem:v62+s10+$0x0], $0xffff  }
0xa1: {  	v62 =	vor.u32 v61, v48;
	_ =	sdelay $0x3  }
0xa2: {  	[tilespmem:v5+s14+$0x0] =	vst.idx.msk $0xffff, v4  }
0xa3: {  	v3 =	vor.u32 v40, v3;
	v4 =	vld.idx.msk [tilespmem:v62+s10+$0x0], $0xffff  }
0xa4: {  	v5 =	vor.u32 v61, v49;
	_ =	sdelay $0x3  }
0xa5: {  	[tilespmem:v3+s14+$0x0] =	vst.idx.msk $0xffff, v4;
	v3 =	vor.u32 v63, v59  }
0xa6: {  	v4 =	vld.idx.msk [tilespmem:v5+s10+$0x0], $0xffff;
	v5 =	vor.u32 v0, v3  }
0xa7: {  	v62 =	vor.u32 v61, v50;
	_ =	sdelay $0x3  }
0xa8: {  	[tilespmem:v5+s14+$0x0] =	vst.idx.msk $0xffff, v4  }
0xa9: {  	v5 =	vor.u32 v34, v3;
	v4 =	vld.idx.msk [tilespmem:v62+s10+$0x0], $0xffff  }
0xaa: {  	v62 =	vor.u32 v61, v51;
	_ =	sdelay $0x3  }
0xab: {  	[tilespmem:v5+s14+$0x0] =	vst.idx.msk $0xffff, v4  }
0xac: {  	v5 =	vor.u32 v35, v3;
	v4 =	vld.idx.msk [tilespmem:v62+s10+$0x0], $0xffff  }
0xad: {  	v62 =	vor.u32 v61, v52;
	_ =	sdelay $0x3  }
0xae: {  	[tilespmem:v5+s14+$0x0] =	vst.idx.msk $0xffff, v4  }
0xaf: {  	v5 =	vor.u32 v36, v3;
	v4 =	vld.idx.msk [tilespmem:v62+s10+$0x0], $0xffff  }
0xb0: {  	v62 =	vor.u32 v61, v53;
	_ =	sdelay $0x3  }
0xb1: {  	[tilespmem:v5+s14+$0x0] =	vst.idx.msk $0xffff, v4  }
0xb2: {  	v5 =	vor.u32 v37, v3;
	v4 =	vld.idx.msk [tilespmem:v62+s10+$0x0], $0xffff  }
0xb3: {  	v62 =	vor.u32 v61, v54;
	_ =	sdelay $0x3  }
0xb4: {  	[tilespmem:v5+s14+$0x0] =	vst.idx.msk $0xffff, v4  }
0xb5: {  	v5 =	vor.u32 v38, v3;
	v4 =	vld.idx.msk [tilespmem:v62+s10+$0x0], $0xffff  }
0xb6: {  	v62 =	vor.u32 v61, v55;
	_ =	sdelay $0x3  }
0xb7: {  	[tilespmem:v5+s14+$0x0] =	vst.idx.msk $0xffff, v4  }
0xb8: {  	v5 =	vor.u32 v39, v3;
	v4 =	vld.idx.msk [tilespmem:v62+s10+$0x0], $0xffff  }
0xb9: {  	v61 =	vor.u32 v61, v56;
	_ =	sdelay $0x3  }
0xba: {  	[tilespmem:v5+s14+$0x0] =	vst.idx.msk $0xffff, v4  }
0xbb: {  	v3 =	vor.u32 v40, v3;
	v5 =	vor.u32 $0x20, v60;
	v4 =	vld.idx.msk [tilespmem:v61+s10+$0x0], $0xffff  }
0xbc: {  	v60 =	vor.u32 v5, v41;
	_ =	sdelay $0x1  }
0xbd: {  	v61 =	vshll.u32 v5, $0x8  }
0xbe: {  	v61 =	vand.u32 $0x2800, v61  }
0xbf: {  	[tilespmem:v3+s14+$0x0] =	vst.idx.msk $0xffff, v4;
	v3 =	vor.u32 v58, v61  }
0xc0: {  	v4 =	vld.idx.msk [tilespmem:v60+s10+$0x0], $0xffff;
	v60 =	vor.u32 v0, v3  }
0xc1: {  	v62 =	vor.u32 v5, v42;
	_ =	sdelay $0x3  }
0xc2: {  	[tilespmem:v60+s14+$0x0] =	vst.idx.msk $0xffff, v4  }
0xc3: {  	v60 =	vor.u32 v34, v3;
	v4 =	vld.idx.msk [tilespmem:v62+s10+$0x0], $0xffff  }
0xc4: {  	v62 =	vor.u32 v5, v43;
	_ =	sdelay $0x3  }
0xc5: {  	[tilespmem:v60+s14+$0x0] =	vst.idx.msk $0xffff, v4  }
0xc6: {  	v60 =	vor.u32 v35, v3;
	v4 =	vld.idx.msk [tilespmem:v62+s10+$0x0], $0xffff  }
0xc7: {  	v62 =	vor.u32 v5, v44;
	_ =	sdelay $0x3  }
0xc8: {  	[tilespmem:v60+s14+$0x0] =	vst.idx.msk $0xffff, v4  }
0xc9: {  	v60 =	vor.u32 v36, v3;
	v4 =	vld.idx.msk [tilespmem:v62+s10+$0x0], $0xffff  }
0xca: {  	v62 =	vor.u32 v5, v45;
	_ =	sdelay $0x3  }
0xcb: {  	[tilespmem:v60+s14+$0x0] =	vst.idx.msk $0xffff, v4  }
0xcc: {  	v60 =	vor.u32 v37, v3;
	v4 =	vld.idx.msk [tilespmem:v62+s10+$0x0], $0xffff  }
0xcd: {  	v62 =	vor.u32 v5, v46;
	_ =	sdelay $0x3  }
0xce: {  	[tilespmem:v60+s14+$0x0] =	vst.idx.msk $0xffff, v4  }
0xcf: {  	v60 =	vor.u32 v38, v3;
	v4 =	vld.idx.msk [tilespmem:v62+s10+$0x0], $0xffff  }
0xd0: {  	v62 =	vor.u32 v5, v47;
	_ =	sdelay $0x3  }
0xd1: {  	[tilespmem:v60+s14+$0x0] =	vst.idx.msk $0xffff, v4  }
0xd2: {  	v60 =	vor.u32 v39, v3;
	v4 =	vld.idx.msk [tilespmem:v62+s10+$0x0], $0xffff  }
0xd3: {  	v62 =	vor.u32 v5, v48;
	_ =	sdelay $0x3  }
0xd4: {  	[tilespmem:v60+s14+$0x0] =	vst.idx.msk $0xffff, v4  }
0xd5: {  	v3 =	vor.u32 v40, v3;
	v4 =	vld.idx.msk [tilespmem:v62+s10+$0x0], $0xffff  }
0xd6: {  	v60 =	vor.u32 v5, v49;
	_ =	sdelay $0x3  }
0xd7: {  	[tilespmem:v3+s14+$0x0] =	vst.idx.msk $0xffff, v4;
	v3 =	vor.u32 v61, v59  }
0xd8: {  	v4 =	vld.idx.msk [tilespmem:v60+s10+$0x0], $0xffff;
	v60 =	vor.u32 v0, v3  }
0xd9: {  	v61 =	vor.u32 v5, v50;
	_ =	sdelay $0x3  }
0xda: {  	[tilespmem:v60+s14+$0x0] =	vst.idx.msk $0xffff, v4  }
0xdb: {  	v60 =	vor.u32 v34, v3;
	v4 =	vld.idx.msk [tilespmem:v61+s10+$0x0], $0xffff  }
0xdc: {  	v61 =	vor.u32 v5, v51;
	_ =	sdelay $0x3  }
0xdd: {  	[tilespmem:v60+s14+$0x0] =	vst.idx.msk $0xffff, v4  }
0xde: {  	v60 =	vor.u32 v35, v3;
	v4 =	vld.idx.msk [tilespmem:v61+s10+$0x0], $0xffff  }
0xdf: {  	v61 =	vor.u32 v5, v52;
	_ =	sdelay $0x3  }
0xe0: {  	[tilespmem:v60+s14+$0x0] =	vst.idx.msk $0xffff, v4  }
0xe1: {  	v60 =	vor.u32 v36, v3;
	v4 =	vld.idx.msk [tilespmem:v61+s10+$0x0], $0xffff  }
0xe2: {  	v61 =	vor.u32 v5, v53;
	_ =	sdelay $0x3  }
0xe3: {  	[tilespmem:v60+s14+$0x0] =	vst.idx.msk $0xffff, v4  }
0xe4: {  	v60 =	vor.u32 v37, v3;
	v4 =	vld.idx.msk [tilespmem:v61+s10+$0x0], $0xffff  }
0xe5: {  	v61 =	vor.u32 v5, v54;
	_ =	sdelay $0x3  }
0xe6: {  	[tilespmem:v60+s14+$0x0] =	vst.idx.msk $0xffff, v4  }
0xe7: {  	v60 =	vor.u32 v38, v3;
	v4 =	vld.idx.msk [tilespmem:v61+s10+$0x0], $0xffff  }
0xe8: {  	v61 =	vor.u32 v5, v55;
	_ =	sdelay $0x3  }
0xe9: {  	[tilespmem:v60+s14+$0x0] =	vst.idx.msk $0xffff, v4  }
0xea: {  	v60 =	vor.u32 v39, v3;
	v4 =	vld.idx.msk [tilespmem:v61+s10+$0x0], $0xffff  }
0xeb: {  	v5 =	vor.u32 v5, v56;
	_ =	sdelay $0x3  }
0xec: {  	[tilespmem:v60+s14+$0x0] =	vst.idx.msk $0xffff, v4  }
0xed: {  	v3 =	vor.u32 v40, v3;
	v4 =	vld.idx.msk [tilespmem:v5+s10+$0x0], $0xffff;
	v5 =	vor.u32 $0x30, v57  }
0xee: {  	v57 =	vor.u32 v5, v41;
	_ =	sdelay $0x1  }
0xef: {  	v60 =	vshll.u32 v5, $0x8  }
0xf0: {  	v60 =	vand.u32 $0x3800, v60  }
0xf1: {  	[tilespmem:v3+s14+$0x0] =	vst.idx.msk $0xffff, v4;
	v3 =	vor.u32 v58, v60  }
0xf2: {  	v4 =	vld.idx.msk [tilespmem:v57+s10+$0x0], $0xffff;
	v62 =	vor.u32 v0, v3  }
0xf3: {  	v63 =	vor.u32 v5, v42;
	_ =	sdelay $0x3  }
0xf4: {  	[tilespmem:v62+s14+$0x0] =	vst.idx.msk $0xffff, v4  }
0xf5: {  	v61 =	vor.u32 v34, v3;
	v4 =	vld.idx.msk [tilespmem:v63+s10+$0x0], $0xffff  }
0xf6: {  	v62 =	vor.u32 v5, v43;
	_ =	sdelay $0x3  }
0xf7: {  	[tilespmem:v61+s14+$0x0] =	vst.idx.msk $0xffff, v4  }
0xf8: {  	v63 =	vor.u32 v35, v3;
	v4 =	vld.idx.msk [tilespmem:v62+s10+$0x0], $0xffff  }
0xf9: {  	v61 =	vor.u32 v5, v44;
	_ =	sdelay $0x3  }
0xfa: {  	[tilespmem:v63+s14+$0x0] =	vst.idx.msk $0xffff, v4  }
0xfb: {  	v62 =	vor.u32 v36, v3;
	v4 =	vld.idx.msk [tilespmem:v61+s10+$0x0], $0xffff  }
0xfc: {  	v63 =	vor.u32 v5, v45;
	_ =	sdelay $0x3  }
0xfd: {  	[tilespmem:v62+s14+$0x0] =	vst.idx.msk $0xffff, v4  }
0xfe: {  	v61 =	vor.u32 v37, v3;
	v4 =	vld.idx.msk [tilespmem:v63+s10+$0x0], $0xffff  }
0xff: {  	v62 =	vor.u32 v5, v46;
	_ =	sdelay $0x3  }
0x100: {  	[tilespmem:v61+s14+$0x0] =	vst.idx.msk $0xffff, v4  }
0x101: {  	v63 =	vor.u32 v38, v3;
	v4 =	vld.idx.msk [tilespmem:v62+s10+$0x0], $0xffff  }
0x102: {  	v61 =	vor.u32 v5, v47;
	_ =	sdelay $0x3  }
0x103: {  	[tilespmem:v63+s14+$0x0] =	vst.idx.msk $0xffff, v4  }
0x104: {  	v62 =	vor.u32 v39, v3;
	v4 =	vld.idx.msk [tilespmem:v61+s10+$0x0], $0xffff  }
0x105: {  	v63 =	vor.u32 v5, v48;
	_ =	sdelay $0x3  }
0x106: {  	[tilespmem:v62+s14+$0x0] =	vst.idx.msk $0xffff, v4  }
0x107: {  	v3 =	vor.u32 v40, v3;
	v4 =	vld.idx.msk [tilespmem:v63+s10+$0x0], $0xffff  }
0x108: {  	v61 =	vor.u32 v5, v49;
	_ =	sdelay $0x3  }
0x109: {  	v58 =	vor.u32 v60, v59;
	[tilespmem:v3+s14+$0x0] =	vst.idx.msk $0xffff, v4  }
0x10a: {  	v4 =	vor.u32 v0, v58;
	v3 =	vld.idx.msk [tilespmem:v61+s10+$0x0], $0xffff  }
0x10b: {  	v62 =	vor.u32 v5, v50;
	_ =	sdelay $0x3  }
0x10c: {  	[tilespmem:v4+s14+$0x0] =	vst.idx.msk $0xffff, v3  }
0x10d: {  	v4 =	vor.u32 v34, v58;
	v3 =	vld.idx.msk [tilespmem:v62+s10+$0x0], $0xffff  }
0x10e: {  	v63 =	vor.u32 v5, v51;
	_ =	sdelay $0x3  }
0x10f: {  	[tilespmem:v4+s14+$0x0] =	vst.idx.msk $0xffff, v3  }
0x110: {  	v4 =	vor.u32 v35, v58;
	v3 =	vld.idx.msk [tilespmem:v63+s10+$0x0], $0xffff  }
0x111: {  	v60 =	vor.u32 v5, v52;
	_ =	sdelay $0x3  }
0x112: {  	[tilespmem:v4+s14+$0x0] =	vst.idx.msk $0xffff, v3  }
0x113: {  	v4 =	vor.u32 v36, v58;
	v3 =	vld.idx.msk [tilespmem:v60+s10+$0x0], $0xffff  }
0x114: {  	v61 =	vor.u32 v5, v53;
	_ =	sdelay $0x3  }
0x115: {  	[tilespmem:v4+s14+$0x0] =	vst.idx.msk $0xffff, v3  }
0x116: {  	v4 =	vor.u32 v37, v58;
	v3 =	vld.idx.msk [tilespmem:v61+s10+$0x0], $0xffff  }
0x117: {  	v62 =	vor.u32 v5, v54;
	_ =	sdelay $0x3  }
0x118: {  	[tilespmem:v4+s14+$0x0] =	vst.idx.msk $0xffff, v3  }
0x119: {  	v4 =	vor.u32 v38, v58;
	v3 =	vld.idx.msk [tilespmem:v62+s10+$0x0], $0xffff  }
0x11a: {  	v63 =	vor.u32 v5, v55;
	_ =	sdelay $0x3  }
0x11b: {  	[tilespmem:v4+s14+$0x0] =	vst.idx.msk $0xffff, v3  }
0x11c: {  	v4 =	vor.u32 v39, v58;
	v3 =	vld.idx.msk [tilespmem:v63+s10+$0x0], $0xffff  }
0x11d: {  	v5 =	vor.u32 v5, v56;
	_ =	sdelay $0x3  }
0x11e: {  	s25 =	simm.s32 $0x1;
	[tilespmem:v4+s14+$0x0] =	vst.idx.msk $0xffff, v3  }
0x11f: {  	v57 =	vadd.s32 s25, v0;
	s25 =	simm.s32 $0x2;
	v59 =	vld.idx.msk [tilespmem:v5+s10+$0x0], $0xffff  }
.LBB2_5:
0x120: {  	p0 =	sne.s32 s25, $0xF;
	v60 =	vand.u32 $0xF, v57;
	v3 =	vor.u32 v40, v58  }
0x121: {  	v4 =	vor.u32 v60, v41;
	_ =	sdelay $0x2  }
0x122: {  	v5 =	vshll.u32 v57, $0x8;
	v58 =	vshll.u32 v57, $0x7  }
0x123: {  	v5 =	vand.u32 $0x800, v5;
	v58 =	vand.u32 $0x380, v58;
	[tilespmem:v3+s14+$0x0] =	vst.idx.msk $0xffff, v59  }
0x124: {  	v3 =	vld.idx.msk [tilespmem:v4+s10+$0x0], $0xffff;
	v4 =	vor.u32 v58, v5  }
0x125: {  	v59 =	vor.u32 v0, v4  }
0x126: {  	v61 =	vor.u32 v60, v42;
	_ =	sdelay $0x3  }
0x127: {  	[tilespmem:v59+s14+$0x0] =	vst.idx.msk $0xffff, v3  }
0x128: {  	v3 =	vld.idx.msk [tilespmem:v61+s10+$0x0], $0xffff  }
0x129: {  	v59 =	vor.u32 v34, v4  }
0x12a: {  	v61 =	vor.u32 v60, v43;
	_ =	sdelay $0x3  }
0x12b: {  	[tilespmem:v59+s14+$0x0] =	vst.idx.msk $0xffff, v3  }
0x12c: {  	v3 =	vld.idx.msk [tilespmem:v61+s10+$0x0], $0xffff  }
0x12d: {  	v59 =	vor.u32 v35, v4  }
0x12e: {  	v61 =	vor.u32 v60, v44;
	_ =	sdelay $0x3  }
0x12f: {  	[tilespmem:v59+s14+$0x0] =	vst.idx.msk $0xffff, v3  }
0x130: {  	v3 =	vld.idx.msk [tilespmem:v61+s10+$0x0], $0xffff  }
0x131: {  	v59 =	vor.u32 v36, v4  }
0x132: {  	v61 =	vor.u32 v60, v45;
	_ =	sdelay $0x3  }
0x133: {  	[tilespmem:v59+s14+$0x0] =	vst.idx.msk $0xffff, v3  }
0x134: {  	v3 =	vld.idx.msk [tilespmem:v61+s10+$0x0], $0xffff  }
0x135: {  	v59 =	vor.u32 v37, v4  }
0x136: {  	v61 =	vor.u32 v60, v46;
	_ =	sdelay $0x3  }
0x137: {  	[tilespmem:v59+s14+$0x0] =	vst.idx.msk $0xffff, v3  }
0x138: {  	v3 =	vld.idx.msk [tilespmem:v61+s10+$0x0], $0xffff  }
0x139: {  	v59 =	vor.u32 v38, v4  }
0x13a: {  	v61 =	vor.u32 v60, v47;
	_ =	sdelay $0x3  }
0x13b: {  	[tilespmem:v59+s14+$0x0] =	vst.idx.msk $0xffff, v3  }
0x13c: {  	v3 =	vld.idx.msk [tilespmem:v61+s10+$0x0], $0xffff  }
0x13d: {  	v59 =	vor.u32 v39, v4  }
0x13e: {  	v61 =	vor.u32 v60, v48;
	_ =	sdelay $0x3  }
0x13f: {  	[tilespmem:v59+s14+$0x0] =	vst.idx.msk $0xffff, v3  }
0x140: {  	v3 =	vld.idx.msk [tilespmem:v61+s10+$0x0], $0xffff  }
0x141: {  	v4 =	vor.u32 v40, v4  }
0x142: {  	v61 =	vor.u32 v60, v49;
	_ =	sdelay $0x3  }
0x143: {  	v59 =	vor.u32 $0x400, v58;
	[tilespmem:v4+s14+$0x0] =	vst.idx.msk $0xffff, v3  }
0x144: {  	v4 =	vor.u32 v5, v59;
	v3 =	vld.idx.msk [tilespmem:v61+s10+$0x0], $0xffff  }
0x145: {  	v5 =	vor.u32 v0, v4  }
0x146: {  	v61 =	vor.u32 v60, v50;
	_ =	sdelay $0x3  }
0x147: {  	[tilespmem:v5+s14+$0x0] =	vst.idx.msk $0xffff, v3  }
0x148: {  	v3 =	vld.idx.msk [tilespmem:v61+s10+$0x0], $0xffff  }
0x149: {  	v5 =	vor.u32 v34, v4  }
0x14a: {  	v61 =	vor.u32 v60, v51;
	_ =	sdelay $0x3  }
0x14b: {  	[tilespmem:v5+s14+$0x0] =	vst.idx.msk $0xffff, v3  }
0x14c: {  	v3 =	vld.idx.msk [tilespmem:v61+s10+$0x0], $0xffff  }
0x14d: {  	v5 =	vor.u32 v35, v4  }
0x14e: {  	v61 =	vor.u32 v60, v52;
	_ =	sdelay $0x3  }
0x14f: {  	[tilespmem:v5+s14+$0x0] =	vst.idx.msk $0xffff, v3  }
0x150: {  	v3 =	vld.idx.msk [tilespmem:v61+s10+$0x0], $0xffff  }
0x151: {  	v5 =	vor.u32 v36, v4  }
0x152: {  	v61 =	vor.u32 v60, v53;
	_ =	sdelay $0x3  }
0x153: {  	[tilespmem:v5+s14+$0x0] =	vst.idx.msk $0xffff, v3  }
0x154: {  	v3 =	vld.idx.msk [tilespmem:v61+s10+$0x0], $0xffff  }
0x155: {  	v5 =	vor.u32 v37, v4  }
0x156: {  	v61 =	vor.u32 v60, v54;
	_ =	sdelay $0x3  }
0x157: {  	[tilespmem:v5+s14+$0x0] =	vst.idx.msk $0xffff, v3  }
0x158: {  	v3 =	vld.idx.msk [tilespmem:v61+s10+$0x0], $0xffff  }
0x159: {  	v5 =	vor.u32 v38, v4  }
0x15a: {  	v61 =	vor.u32 v60, v55;
	_ =	sdelay $0x3  }
0x15b: {  	[tilespmem:v5+s14+$0x0] =	vst.idx.msk $0xffff, v3  }
0x15c: {  	v3 =	vld.idx.msk [tilespmem:v61+s10+$0x0], $0xffff  }
0x15d: {  	v5 =	vor.u32 v39, v4  }
0x15e: {  	v61 =	vor.u32 v60, v56;
	_ =	sdelay $0x3  }
0x15f: {  	[tilespmem:v5+s14+$0x0] =	vst.idx.msk $0xffff, v3  }
0x160: {  	v3 =	vld.idx.msk [tilespmem:v61+s10+$0x0], $0xffff  }
0x161: {  	v4 =	vor.u32 v40, v4;
	v61 =	vor.u32 $0x10, v57  }
0x162: {  	v5 =	vor.u32 v61, v41;
	_ =	sdelay $0x2  }
0x163: {  	v62 =	vshll.u32 v61, $0x8  }
0x164: {  	[tilespmem:v4+s14+$0x0] =	vst.idx.msk $0xffff, v3;
	v3 =	vand.u32 $0x1800, v62  }
0x165: {  	v4 =	vld.idx.msk [tilespmem:v5+s10+$0x0], $0xffff;
	v5 =	vor.u32 v58, v3  }
0x166: {  	v62 =	vor.u32 v0, v5  }
0x167: {  	v63 =	vor.u32 v61, v42;
	_ =	sdelay $0x3  }
0x168: {  	[tilespmem:v62+s14+$0x0] =	vst.idx.msk $0xffff, v4  }
0x169: {  	v4 =	vld.idx.msk [tilespmem:v63+s10+$0x0], $0xffff  }
0x16a: {  	v62 =	vor.u32 v34, v5  }
0x16b: {  	v63 =	vor.u32 v61, v43;
	_ =	sdelay $0x3  }
0x16c: {  	[tilespmem:v62+s14+$0x0] =	vst.idx.msk $0xffff, v4  }
0x16d: {  	v4 =	vld.idx.msk [tilespmem:v63+s10+$0x0], $0xffff  }
0x16e: {  	v62 =	vor.u32 v35, v5  }
0x16f: {  	v63 =	vor.u32 v61, v44;
	_ =	sdelay $0x3  }
0x170: {  	[tilespmem:v62+s14+$0x0] =	vst.idx.msk $0xffff, v4  }
0x171: {  	v4 =	vld.idx.msk [tilespmem:v63+s10+$0x0], $0xffff  }
0x172: {  	v62 =	vor.u32 v36, v5  }
0x173: {  	v63 =	vor.u32 v61, v45;
	_ =	sdelay $0x3  }
0x174: {  	[tilespmem:v62+s14+$0x0] =	vst.idx.msk $0xffff, v4  }
0x175: {  	v4 =	vld.idx.msk [tilespmem:v63+s10+$0x0], $0xffff  }
0x176: {  	v62 =	vor.u32 v37, v5  }
0x177: {  	v63 =	vor.u32 v61, v46;
	_ =	sdelay $0x3  }
0x178: {  	[tilespmem:v62+s14+$0x0] =	vst.idx.msk $0xffff, v4  }
0x179: {  	v4 =	vld.idx.msk [tilespmem:v63+s10+$0x0], $0xffff  }
0x17a: {  	v62 =	vor.u32 v38, v5  }
0x17b: {  	v63 =	vor.u32 v61, v47;
	_ =	sdelay $0x3  }
0x17c: {  	[tilespmem:v62+s14+$0x0] =	vst.idx.msk $0xffff, v4  }
0x17d: {  	v4 =	vld.idx.msk [tilespmem:v63+s10+$0x0], $0xffff  }
0x17e: {  	v62 =	vor.u32 v39, v5  }
0x17f: {  	v63 =	vor.u32 v61, v48;
	_ =	sdelay $0x3  }
0x180: {  	[tilespmem:v62+s14+$0x0] =	vst.idx.msk $0xffff, v4  }
0x181: {  	v4 =	vld.idx.msk [tilespmem:v63+s10+$0x0], $0xffff  }
0x182: {  	v5 =	vor.u32 v40, v5  }
0x183: {  	v62 =	vor.u32 v61, v49;
	_ =	sdelay $0x3  }
0x184: {  	[tilespmem:v5+s14+$0x0] =	vst.idx.msk $0xffff, v4  }
0x185: {  	v3 =	vor.u32 v3, v59;
	v4 =	vld.idx.msk [tilespmem:v62+s10+$0x0], $0xffff  }
0x186: {  	v5 =	vor.u32 v0, v3  }
0x187: {  	v62 =	vor.u32 v61, v50;
	_ =	sdelay $0x3  }
0x188: {  	[tilespmem:v5+s14+$0x0] =	vst.idx.msk $0xffff, v4  }
0x189: {  	v4 =	vld.idx.msk [tilespmem:v62+s10+$0x0], $0xffff  }
0x18a: {  	v5 =	vor.u32 v34, v3  }
0x18b: {  	v62 =	vor.u32 v61, v51;
	_ =	sdelay $0x3  }
0x18c: {  	[tilespmem:v5+s14+$0x0] =	vst.idx.msk $0xffff, v4  }
0x18d: {  	v4 =	vld.idx.msk [tilespmem:v62+s10+$0x0], $0xffff  }
0x18e: {  	v5 =	vor.u32 v35, v3  }
0x18f: {  	v62 =	vor.u32 v61, v52;
	_ =	sdelay $0x3  }
0x190: {  	[tilespmem:v5+s14+$0x0] =	vst.idx.msk $0xffff, v4  }
0x191: {  	v4 =	vld.idx.msk [tilespmem:v62+s10+$0x0], $0xffff  }
0x192: {  	v5 =	vor.u32 v36, v3  }
0x193: {  	v62 =	vor.u32 v61, v53;
	_ =	sdelay $0x3  }
0x194: {  	[tilespmem:v5+s14+$0x0] =	vst.idx.msk $0xffff, v4  }
0x195: {  	v4 =	vld.idx.msk [tilespmem:v62+s10+$0x0], $0xffff  }
0x196: {  	v5 =	vor.u32 v37, v3  }
0x197: {  	v62 =	vor.u32 v61, v54;
	_ =	sdelay $0x3  }
0x198: {  	[tilespmem:v5+s14+$0x0] =	vst.idx.msk $0xffff, v4  }
0x199: {  	v4 =	vld.idx.msk [tilespmem:v62+s10+$0x0], $0xffff  }
0x19a: {  	v5 =	vor.u32 v38, v3  }
0x19b: {  	v62 =	vor.u32 v61, v55;
	_ =	sdelay $0x3  }
0x19c: {  	[tilespmem:v5+s14+$0x0] =	vst.idx.msk $0xffff, v4  }
0x19d: {  	v4 =	vld.idx.msk [tilespmem:v62+s10+$0x0], $0xffff  }
0x19e: {  	v5 =	vor.u32 v39, v3  }
0x19f: {  	v61 =	vor.u32 v61, v56;
	_ =	sdelay $0x3  }
0x1a0: {  	[tilespmem:v5+s14+$0x0] =	vst.idx.msk $0xffff, v4  }
0x1a1: {  	v4 =	vld.idx.msk [tilespmem:v61+s10+$0x0], $0xffff  }
0x1a2: {  	v60 =	vor.u32 $0x20, v60;
	v3 =	vor.u32 v40, v3  }
0x1a3: {  	v5 =	vor.u32 v60, v41;
	_ =	sdelay $0x2  }
0x1a4: {  	v61 =	vshll.u32 v60, $0x8  }
0x1a5: {  	[tilespmem:v3+s14+$0x0] =	vst.idx.msk $0xffff, v4;
	v3 =	vand.u32 $0x2800, v61  }
0x1a6: {  	v4 =	vld.idx.msk [tilespmem:v5+s10+$0x0], $0xffff;
	v5 =	vor.u32 v58, v3  }
0x1a7: {  	v61 =	vor.u32 v0, v5  }
0x1a8: {  	v62 =	vor.u32 v60, v42;
	_ =	sdelay $0x3  }
0x1a9: {  	[tilespmem:v61+s14+$0x0] =	vst.idx.msk $0xffff, v4  }
0x1aa: {  	v4 =	vld.idx.msk [tilespmem:v62+s10+$0x0], $0xffff  }
0x1ab: {  	v61 =	vor.u32 v34, v5  }
0x1ac: {  	v62 =	vor.u32 v60, v43;
	_ =	sdelay $0x3  }
0x1ad: {  	[tilespmem:v61+s14+$0x0] =	vst.idx.msk $0xffff, v4  }
0x1ae: {  	v4 =	vld.idx.msk [tilespmem:v62+s10+$0x0], $0xffff  }
0x1af: {  	v61 =	vor.u32 v35, v5  }
0x1b0: {  	v62 =	vor.u32 v60, v44;
	_ =	sdelay $0x3  }
0x1b1: {  	[tilespmem:v61+s14+$0x0] =	vst.idx.msk $0xffff, v4  }
0x1b2: {  	v4 =	vld.idx.msk [tilespmem:v62+s10+$0x0], $0xffff  }
0x1b3: {  	v61 =	vor.u32 v36, v5  }
0x1b4: {  	v62 =	vor.u32 v60, v45;
	_ =	sdelay $0x3  }
0x1b5: {  	[tilespmem:v61+s14+$0x0] =	vst.idx.msk $0xffff, v4  }
0x1b6: {  	v4 =	vld.idx.msk [tilespmem:v62+s10+$0x0], $0xffff  }
0x1b7: {  	v61 =	vor.u32 v37, v5  }
0x1b8: {  	v62 =	vor.u32 v60, v46;
	_ =	sdelay $0x3  }
0x1b9: {  	[tilespmem:v61+s14+$0x0] =	vst.idx.msk $0xffff, v4  }
0x1ba: {  	v4 =	vld.idx.msk [tilespmem:v62+s10+$0x0], $0xffff  }
0x1bb: {  	v61 =	vor.u32 v38, v5  }
0x1bc: {  	v62 =	vor.u32 v60, v47;
	_ =	sdelay $0x3  }
0x1bd: {  	[tilespmem:v61+s14+$0x0] =	vst.idx.msk $0xffff, v4  }
0x1be: {  	v4 =	vld.idx.msk [tilespmem:v62+s10+$0x0], $0xffff  }
0x1bf: {  	v61 =	vor.u32 v39, v5  }
0x1c0: {  	v62 =	vor.u32 v60, v48;
	_ =	sdelay $0x3  }
0x1c1: {  	[tilespmem:v61+s14+$0x0] =	vst.idx.msk $0xffff, v4  }
0x1c2: {  	v4 =	vld.idx.msk [tilespmem:v62+s10+$0x0], $0xffff  }
0x1c3: {  	v5 =	vor.u32 v40, v5  }
0x1c4: {  	v61 =	vor.u32 v60, v49;
	_ =	sdelay $0x3  }
0x1c5: {  	[tilespmem:v5+s14+$0x0] =	vst.idx.msk $0xffff, v4  }
0x1c6: {  	v3 =	vor.u32 v3, v59;
	v4 =	vld.idx.msk [tilespmem:v61+s10+$0x0], $0xffff  }
0x1c7: {  	v5 =	vor.u32 v0, v3  }
0x1c8: {  	v61 =	vor.u32 v60, v50;
	_ =	sdelay $0x3  }
0x1c9: {  	[tilespmem:v5+s14+$0x0] =	vst.idx.msk $0xffff, v4  }
0x1ca: {  	v4 =	vld.idx.msk [tilespmem:v61+s10+$0x0], $0xffff  }
0x1cb: {  	v5 =	vor.u32 v34, v3  }
0x1cc: {  	v61 =	vor.u32 v60, v51;
	_ =	sdelay $0x3  }
0x1cd: {  	[tilespmem:v5+s14+$0x0] =	vst.idx.msk $0xffff, v4  }
0x1ce: {  	v4 =	vld.idx.msk [tilespmem:v61+s10+$0x0], $0xffff  }
0x1cf: {  	v5 =	vor.u32 v35, v3  }
0x1d0: {  	v61 =	vor.u32 v60, v52;
	_ =	sdelay $0x3  }
0x1d1: {  	[tilespmem:v5+s14+$0x0] =	vst.idx.msk $0xffff, v4  }
0x1d2: {  	v4 =	vld.idx.msk [tilespmem:v61+s10+$0x0], $0xffff  }
0x1d3: {  	v5 =	vor.u32 v36, v3  }
0x1d4: {  	v61 =	vor.u32 v60, v53;
	_ =	sdelay $0x3  }
0x1d5: {  	[tilespmem:v5+s14+$0x0] =	vst.idx.msk $0xffff, v4  }
0x1d6: {  	v4 =	vld.idx.msk [tilespmem:v61+s10+$0x0], $0xffff  }
0x1d7: {  	v5 =	vor.u32 v37, v3  }
0x1d8: {  	v61 =	vor.u32 v60, v54;
	_ =	sdelay $0x3  }
0x1d9: {  	[tilespmem:v5+s14+$0x0] =	vst.idx.msk $0xffff, v4  }
0x1da: {  	v4 =	vld.idx.msk [tilespmem:v61+s10+$0x0], $0xffff  }
0x1db: {  	v5 =	vor.u32 v38, v3  }
0x1dc: {  	v61 =	vor.u32 v60, v55;
	_ =	sdelay $0x3  }
0x1dd: {  	[tilespmem:v5+s14+$0x0] =	vst.idx.msk $0xffff, v4  }
0x1de: {  	v4 =	vld.idx.msk [tilespmem:v61+s10+$0x0], $0xffff  }
0x1df: {  	v5 =	vor.u32 v39, v3  }
0x1e0: {  	v60 =	vor.u32 v60, v56;
	_ =	sdelay $0x3  }
0x1e1: {  	[tilespmem:v5+s14+$0x0] =	vst.idx.msk $0xffff, v4  }
0x1e2: {  	v4 =	vld.idx.msk [tilespmem:v60+s10+$0x0], $0xffff  }
0x1e3: {  	v57 =	vor.u32 $0x30, v57;
	v3 =	vor.u32 v40, v3  }
0x1e4: {  	v5 =	vor.u32 v57, v41;
	_ =	sdelay $0x2  }
0x1e5: {  	v60 =	vshll.u32 v57, $0x8  }
0x1e6: {  	[tilespmem:v3+s14+$0x0] =	vst.idx.msk $0xffff, v4;
	v3 =	vand.u32 $0x3800, v60  }
0x1e7: {  	v4 =	vld.idx.msk [tilespmem:v5+s10+$0x0], $0xffff;
	v5 =	vor.u32 v58, v3  }
0x1e8: {  	v58 =	vor.u32 v0, v5  }
0x1e9: {  	v60 =	vor.u32 v57, v42;
	_ =	sdelay $0x3  }
0x1ea: {  	[tilespmem:v58+s14+$0x0] =	vst.idx.msk $0xffff, v4  }
0x1eb: {  	v4 =	vld.idx.msk [tilespmem:v60+s10+$0x0], $0xffff  }
0x1ec: {  	v58 =	vor.u32 v34, v5  }
0x1ed: {  	v60 =	vor.u32 v57, v43;
	_ =	sdelay $0x3  }
0x1ee: {  	[tilespmem:v58+s14+$0x0] =	vst.idx.msk $0xffff, v4  }
0x1ef: {  	v4 =	vld.idx.msk [tilespmem:v60+s10+$0x0], $0xffff  }
0x1f0: {  	v58 =	vor.u32 v35, v5  }
0x1f1: {  	v60 =	vor.u32 v57, v44;
	_ =	sdelay $0x3  }
0x1f2: {  	[tilespmem:v58+s14+$0x0] =	vst.idx.msk $0xffff, v4  }
0x1f3: {  	v4 =	vld.idx.msk [tilespmem:v60+s10+$0x0], $0xffff  }
0x1f4: {  	v58 =	vor.u32 v36, v5  }
0x1f5: {  	v60 =	vor.u32 v57, v45;
	_ =	sdelay $0x3  }
0x1f6: {  	[tilespmem:v58+s14+$0x0] =	vst.idx.msk $0xffff, v4  }
0x1f7: {  	v4 =	vld.idx.msk [tilespmem:v60+s10+$0x0], $0xffff  }
0x1f8: {  	v58 =	vor.u32 v37, v5  }
0x1f9: {  	v60 =	vor.u32 v57, v46;
	_ =	sdelay $0x3  }
0x1fa: {  	[tilespmem:v58+s14+$0x0] =	vst.idx.msk $0xffff, v4  }
0x1fb: {  	v4 =	vld.idx.msk [tilespmem:v60+s10+$0x0], $0xffff  }
0x1fc: {  	v58 =	vor.u32 v38, v5  }
0x1fd: {  	v60 =	vor.u32 v57, v47;
	_ =	sdelay $0x3  }
0x1fe: {  	[tilespmem:v58+s14+$0x0] =	vst.idx.msk $0xffff, v4  }
0x1ff: {  	v4 =	vld.idx.msk [tilespmem:v60+s10+$0x0], $0xffff  }
0x200: {  	v58 =	vor.u32 v39, v5  }
0x201: {  	v60 =	vor.u32 v57, v48;
	_ =	sdelay $0x3  }
0x202: {  	[tilespmem:v58+s14+$0x0] =	vst.idx.msk $0xffff, v4  }
0x203: {  	v4 =	vld.idx.msk [tilespmem:v60+s10+$0x0], $0xffff  }
0x204: {  	v5 =	vor.u32 v40, v5  }
0x205: {  	v58 =	vor.u32 v57, v49;
	_ =	sdelay $0x3  }
0x206: {  	[tilespmem:v5+s14+$0x0] =	vst.idx.msk $0xffff, v4  }
0x207: {  	v4 =	vld.idx.msk [tilespmem:v58+s10+$0x0], $0xffff;
	v58 =	vor.u32 v3, v59  }
0x208: {  	v3 =	vor.u32 v0, v58  }
0x209: {  	v5 =	vor.u32 v57, v50;
	_ =	sdelay $0x3  }
0x20a: {  	[tilespmem:v3+s14+$0x0] =	vst.idx.msk $0xffff, v4  }
0x20b: {  	v3 =	vld.idx.msk [tilespmem:v5+s10+$0x0], $0xffff  }
0x20c: {  	v4 =	vor.u32 v34, v58  }
0x20d: {  	v5 =	vor.u32 v57, v51;
	_ =	sdelay $0x3  }
0x20e: {  	[tilespmem:v4+s14+$0x0] =	vst.idx.msk $0xffff, v3  }
0x20f: {  	v3 =	vld.idx.msk [tilespmem:v5+s10+$0x0], $0xffff  }
0x210: {  	v4 =	vor.u32 v35, v58  }
0x211: {  	v5 =	vor.u32 v57, v52;
	_ =	sdelay $0x3  }
0x212: {  	[tilespmem:v4+s14+$0x0] =	vst.idx.msk $0xffff, v3  }
0x213: {  	v3 =	vld.idx.msk [tilespmem:v5+s10+$0x0], $0xffff  }
0x214: {  	v4 =	vor.u32 v36, v58  }
0x215: {  	v5 =	vor.u32 v57, v53;
	_ =	sdelay $0x3  }
0x216: {  	[tilespmem:v4+s14+$0x0] =	vst.idx.msk $0xffff, v3  }
0x217: {  	v3 =	vld.idx.msk [tilespmem:v5+s10+$0x0], $0xffff  }
0x218: {  	v4 =	vor.u32 v37, v58  }
0x219: {  	v5 =	vor.u32 v57, v54;
	_ =	sdelay $0x3  }
0x21a: {  	[tilespmem:v4+s14+$0x0] =	vst.idx.msk $0xffff, v3  }
0x21b: {  	v3 =	vld.idx.msk [tilespmem:v5+s10+$0x0], $0xffff  }
0x21c: {  	v4 =	vor.u32 v38, v58  }
0x21d: {  	v5 =	vor.u32 v57, v55;
	_ =	sdelay $0x3  }
0x21e: {  	[tilespmem:v4+s14+$0x0] =	vst.idx.msk $0xffff, v3  }
0x21f: {  	v3 =	vld.idx.msk [tilespmem:v5+s10+$0x0], $0xffff  }
0x220: {  	v4 =	vor.u32 v39, v58  }
0x221: {  	v5 =	vor.u32 v57, v56  }
.Ltmp3:
0x222: {  	(pc) =	sbr.rel @p0 .LBB2_5-.Ltmp3, $3  }
0x223: {  	_ =	sdelay $0x1  }
0x224: {  	[tilespmem:v4+s14+$0x0] =	vst.idx.msk $0xffff, v3  }
0x225: {  	v57 =	vadd.s32 s25, v0;
	s25 =	sadd.s32 $0x1, s25;
	v59 =	vld.idx.msk [tilespmem:v5+s10+$0x0], $0xffff  }
0x226: {  	v60 =	vand.u32 $0xF, v57;
	v3 =	vor.u32 v40, v58  }
0x227: {  	v4 =	vor.u32 v60, v41;
	_ =	sdelay $0x1  }
0x228: {  	v5 =	vshll.u32 v57, $0x8;
	v63 =	vshll.u32 v57, $0x7  }
0x229: {  	v5 =	vand.u32 $0x800, v5;
	v58 =	vand.u32 $0x380, v63  }
0x22a: {  	[tilespmem:v3+s14+$0x0] =	vst.idx.msk $0xffff, v59;
	v3 =	vor.u32 v58, v5  }
0x22b: {  	v4 =	vld.idx.msk [tilespmem:v4+s10+$0x0], $0xffff;
	v59 =	vor.u32 v0, v3  }
0x22c: {  	v61 =	vor.u32 v60, v42;
	_ =	sdelay $0x3  }
0x22d: {  	[tilespmem:v59+s14+$0x0] =	vst.idx.msk $0xffff, v4  }
0x22e: {  	v59 =	vor.u32 v34, v3;
	v4 =	vld.idx.msk [tilespmem:v61+s10+$0x0], $0xffff  }
0x22f: {  	v61 =	vor.u32 v60, v43;
	_ =	sdelay $0x3  }
0x230: {  	[tilespmem:v59+s14+$0x0] =	vst.idx.msk $0xffff, v4  }
0x231: {  	v59 =	vor.u32 v35, v3;
	v4 =	vld.idx.msk [tilespmem:v61+s10+$0x0], $0xffff  }
0x232: {  	v61 =	vor.u32 v60, v44;
	_ =	sdelay $0x3  }
0x233: {  	[tilespmem:v59+s14+$0x0] =	vst.idx.msk $0xffff, v4  }
0x234: {  	v59 =	vor.u32 v36, v3;
	v4 =	vld.idx.msk [tilespmem:v61+s10+$0x0], $0xffff  }
0x235: {  	v61 =	vor.u32 v60, v45;
	_ =	sdelay $0x3  }
0x236: {  	[tilespmem:v59+s14+$0x0] =	vst.idx.msk $0xffff, v4  }
0x237: {  	v59 =	vor.u32 v37, v3;
	v4 =	vld.idx.msk [tilespmem:v61+s10+$0x0], $0xffff  }
0x238: {  	v61 =	vor.u32 v60, v46;
	_ =	sdelay $0x3  }
0x239: {  	[tilespmem:v59+s14+$0x0] =	vst.idx.msk $0xffff, v4  }
0x23a: {  	v59 =	vor.u32 v38, v3;
	v4 =	vld.idx.msk [tilespmem:v61+s10+$0x0], $0xffff  }
0x23b: {  	v61 =	vor.u32 v60, v47;
	_ =	sdelay $0x3  }
0x23c: {  	[tilespmem:v59+s14+$0x0] =	vst.idx.msk $0xffff, v4  }
0x23d: {  	v59 =	vor.u32 v39, v3;
	v4 =	vld.idx.msk [tilespmem:v61+s10+$0x0], $0xffff  }
0x23e: {  	v61 =	vor.u32 v60, v48;
	_ =	sdelay $0x3  }
0x23f: {  	[tilespmem:v59+s14+$0x0] =	vst.idx.msk $0xffff, v4  }
0x240: {  	v3 =	vor.u32 v40, v3;
	v4 =	vld.idx.msk [tilespmem:v61+s10+$0x0], $0xffff  }
0x241: {  	v61 =	vor.u32 v60, v49;
	_ =	sdelay $0x2  }
0x242: {  	v59 =	vor.u32 $0x400, v58  }
0x243: {  	[tilespmem:v3+s14+$0x0] =	vst.idx.msk $0xffff, v4;
	v3 =	vor.u32 v5, v59  }
0x244: {  	v4 =	vld.idx.msk [tilespmem:v61+s10+$0x0], $0xffff;
	v5 =	vor.u32 v0, v3  }
0x245: {  	v61 =	vor.u32 v60, v50;
	_ =	sdelay $0x3  }
0x246: {  	[tilespmem:v5+s14+$0x0] =	vst.idx.msk $0xffff, v4  }
0x247: {  	v5 =	vor.u32 v34, v3;
	v4 =	vld.idx.msk [tilespmem:v61+s10+$0x0], $0xffff  }
0x248: {  	v61 =	vor.u32 v60, v51;
	_ =	sdelay $0x3  }
0x249: {  	[tilespmem:v5+s14+$0x0] =	vst.idx.msk $0xffff, v4  }
0x24a: {  	v5 =	vor.u32 v35, v3;
	v4 =	vld.idx.msk [tilespmem:v61+s10+$0x0], $0xffff  }
0x24b: {  	v61 =	vor.u32 v60, v52;
	_ =	sdelay $0x3  }
0x24c: {  	[tilespmem:v5+s14+$0x0] =	vst.idx.msk $0xffff, v4  }
0x24d: {  	v5 =	vor.u32 v36, v3;
	v4 =	vld.idx.msk [tilespmem:v61+s10+$0x0], $0xffff  }
0x24e: {  	v61 =	vor.u32 v60, v53;
	_ =	sdelay $0x3  }
0x24f: {  	[tilespmem:v5+s14+$0x0] =	vst.idx.msk $0xffff, v4  }
0x250: {  	v5 =	vor.u32 v37, v3;
	v4 =	vld.idx.msk [tilespmem:v61+s10+$0x0], $0xffff  }
0x251: {  	v61 =	vor.u32 v60, v54;
	_ =	sdelay $0x3  }
0x252: {  	[tilespmem:v5+s14+$0x0] =	vst.idx.msk $0xffff, v4  }
0x253: {  	v5 =	vor.u32 v38, v3;
	v4 =	vld.idx.msk [tilespmem:v61+s10+$0x0], $0xffff  }
0x254: {  	v61 =	vor.u32 v60, v55;
	_ =	sdelay $0x3  }
0x255: {  	[tilespmem:v5+s14+$0x0] =	vst.idx.msk $0xffff, v4  }
0x256: {  	v5 =	vor.u32 v39, v3;
	v4 =	vld.idx.msk [tilespmem:v61+s10+$0x0], $0xffff  }
0x257: {  	v61 =	vor.u32 v60, v56;
	_ =	sdelay $0x3  }
0x258: {  	[tilespmem:v5+s14+$0x0] =	vst.idx.msk $0xffff, v4  }
0x259: {  	v3 =	vor.u32 v40, v3;
	v5 =	vor.u32 $0x10, v57;
	v4 =	vld.idx.msk [tilespmem:v61+s10+$0x0], $0xffff  }
0x25a: {  	v61 =	vor.u32 v5, v41;
	_ =	sdelay $0x1  }
0x25b: {  	v62 =	vshll.u32 v5, $0x8  }
0x25c: {  	v62 =	vand.u32 $0x1800, v62  }
0x25d: {  	[tilespmem:v3+s14+$0x0] =	vst.idx.msk $0xffff, v4;
	v3 =	vor.u32 v58, v62  }
0x25e: {  	v4 =	vld.idx.msk [tilespmem:v61+s10+$0x0], $0xffff;
	v61 =	vor.u32 v0, v3  }
0x25f: {  	v63 =	vor.u32 v5, v42;
	_ =	sdelay $0x3  }
0x260: {  	[tilespmem:v61+s14+$0x0] =	vst.idx.msk $0xffff, v4  }
0x261: {  	v61 =	vor.u32 v34, v3;
	v4 =	vld.idx.msk [tilespmem:v63+s10+$0x0], $0xffff  }
0x262: {  	v63 =	vor.u32 v5, v43;
	_ =	sdelay $0x3  }
0x263: {  	[tilespmem:v61+s14+$0x0] =	vst.idx.msk $0xffff, v4  }
0x264: {  	v61 =	vor.u32 v35, v3;
	v4 =	vld.idx.msk [tilespmem:v63+s10+$0x0], $0xffff  }
0x265: {  	v63 =	vor.u32 v5, v44;
	_ =	sdelay $0x3  }
0x266: {  	[tilespmem:v61+s14+$0x0] =	vst.idx.msk $0xffff, v4  }
0x267: {  	v61 =	vor.u32 v36, v3;
	v4 =	vld.idx.msk [tilespmem:v63+s10+$0x0], $0xffff  }
0x268: {  	v63 =	vor.u32 v5, v45;
	_ =	sdelay $0x3  }
0x269: {  	[tilespmem:v61+s14+$0x0] =	vst.idx.msk $0xffff, v4  }
0x26a: {  	v61 =	vor.u32 v37, v3;
	v4 =	vld.idx.msk [tilespmem:v63+s10+$0x0], $0xffff  }
0x26b: {  	v63 =	vor.u32 v5, v46;
	_ =	sdelay $0x3  }
0x26c: {  	[tilespmem:v61+s14+$0x0] =	vst.idx.msk $0xffff, v4  }
0x26d: {  	v61 =	vor.u32 v38, v3;
	v4 =	vld.idx.msk [tilespmem:v63+s10+$0x0], $0xffff  }
0x26e: {  	v63 =	vor.u32 v5, v47;
	_ =	sdelay $0x3  }
0x26f: {  	[tilespmem:v61+s14+$0x0] =	vst.idx.msk $0xffff, v4  }
0x270: {  	v61 =	vor.u32 v39, v3;
	v4 =	vld.idx.msk [tilespmem:v63+s10+$0x0], $0xffff  }
0x271: {  	v63 =	vor.u32 v5, v48;
	_ =	sdelay $0x3  }
0x272: {  	[tilespmem:v61+s14+$0x0] =	vst.idx.msk $0xffff, v4  }
0x273: {  	v3 =	vor.u32 v40, v3;
	v4 =	vld.idx.msk [tilespmem:v63+s10+$0x0], $0xffff  }
0x274: {  	v61 =	vor.u32 v5, v49;
	_ =	sdelay $0x3  }
0x275: {  	[tilespmem:v3+s14+$0x0] =	vst.idx.msk $0xffff, v4;
	v3 =	vor.u32 v62, v59  }
0x276: {  	v4 =	vld.idx.msk [tilespmem:v61+s10+$0x0], $0xffff;
	v61 =	vor.u32 v0, v3  }
0x277: {  	v62 =	vor.u32 v5, v50;
	_ =	sdelay $0x3  }
0x278: {  	[tilespmem:v61+s14+$0x0] =	vst.idx.msk $0xffff, v4  }
0x279: {  	v61 =	vor.u32 v34, v3;
	v4 =	vld.idx.msk [tilespmem:v62+s10+$0x0], $0xffff  }
0x27a: {  	v62 =	vor.u32 v5, v51;
	_ =	sdelay $0x3  }
0x27b: {  	[tilespmem:v61+s14+$0x0] =	vst.idx.msk $0xffff, v4  }
0x27c: {  	v61 =	vor.u32 v35, v3;
	v4 =	vld.idx.msk [tilespmem:v62+s10+$0x0], $0xffff  }
0x27d: {  	v62 =	vor.u32 v5, v52;
	_ =	sdelay $0x3  }
0x27e: {  	[tilespmem:v61+s14+$0x0] =	vst.idx.msk $0xffff, v4  }
0x27f: {  	v61 =	vor.u32 v36, v3;
	v4 =	vld.idx.msk [tilespmem:v62+s10+$0x0], $0xffff  }
0x280: {  	v62 =	vor.u32 v5, v53;
	_ =	sdelay $0x3  }
0x281: {  	[tilespmem:v61+s14+$0x0] =	vst.idx.msk $0xffff, v4  }
0x282: {  	v61 =	vor.u32 v37, v3;
	v4 =	vld.idx.msk [tilespmem:v62+s10+$0x0], $0xffff  }
0x283: {  	v62 =	vor.u32 v5, v54;
	_ =	sdelay $0x3  }
0x284: {  	[tilespmem:v61+s14+$0x0] =	vst.idx.msk $0xffff, v4  }
0x285: {  	v61 =	vor.u32 v38, v3;
	v4 =	vld.idx.msk [tilespmem:v62+s10+$0x0], $0xffff  }
0x286: {  	v62 =	vor.u32 v5, v55;
	_ =	sdelay $0x3  }
0x287: {  	[tilespmem:v61+s14+$0x0] =	vst.idx.msk $0xffff, v4  }
0x288: {  	v61 =	vor.u32 v39, v3;
	v4 =	vld.idx.msk [tilespmem:v62+s10+$0x0], $0xffff  }
0x289: {  	v5 =	vor.u32 v5, v56;
	_ =	sdelay $0x3  }
0x28a: {  	[tilespmem:v61+s14+$0x0] =	vst.idx.msk $0xffff, v4  }
0x28b: {  	v3 =	vor.u32 v40, v3;
	v4 =	vld.idx.msk [tilespmem:v5+s10+$0x0], $0xffff;
	v5 =	vor.u32 $0x20, v60  }
0x28c: {  	v60 =	vor.u32 v5, v41;
	_ =	sdelay $0x1  }
0x28d: {  	v61 =	vshll.u32 v5, $0x8  }
0x28e: {  	v61 =	vand.u32 $0x2800, v61  }
0x28f: {  	[tilespmem:v3+s14+$0x0] =	vst.idx.msk $0xffff, v4;
	v3 =	vor.u32 v58, v61  }
0x290: {  	v4 =	vld.idx.msk [tilespmem:v60+s10+$0x0], $0xffff;
	v60 =	vor.u32 v0, v3  }
0x291: {  	v62 =	vor.u32 v5, v42;
	_ =	sdelay $0x3  }
0x292: {  	[tilespmem:v60+s14+$0x0] =	vst.idx.msk $0xffff, v4  }
0x293: {  	v60 =	vor.u32 v34, v3;
	v4 =	vld.idx.msk [tilespmem:v62+s10+$0x0], $0xffff  }
0x294: {  	v62 =	vor.u32 v5, v43;
	_ =	sdelay $0x3  }
0x295: {  	[tilespmem:v60+s14+$0x0] =	vst.idx.msk $0xffff, v4  }
0x296: {  	v60 =	vor.u32 v35, v3;
	v4 =	vld.idx.msk [tilespmem:v62+s10+$0x0], $0xffff  }
0x297: {  	v62 =	vor.u32 v5, v44;
	_ =	sdelay $0x3  }
0x298: {  	[tilespmem:v60+s14+$0x0] =	vst.idx.msk $0xffff, v4  }
0x299: {  	v60 =	vor.u32 v36, v3;
	v4 =	vld.idx.msk [tilespmem:v62+s10+$0x0], $0xffff  }
0x29a: {  	v62 =	vor.u32 v5, v45;
	_ =	sdelay $0x3  }
0x29b: {  	[tilespmem:v60+s14+$0x0] =	vst.idx.msk $0xffff, v4  }
0x29c: {  	v60 =	vor.u32 v37, v3;
	v4 =	vld.idx.msk [tilespmem:v62+s10+$0x0], $0xffff  }
0x29d: {  	v62 =	vor.u32 v5, v46;
	_ =	sdelay $0x3  }
0x29e: {  	[tilespmem:v60+s14+$0x0] =	vst.idx.msk $0xffff, v4  }
0x29f: {  	v60 =	vor.u32 v38, v3;
	v4 =	vld.idx.msk [tilespmem:v62+s10+$0x0], $0xffff  }
0x2a0: {  	v62 =	vor.u32 v5, v47;
	_ =	sdelay $0x3  }
0x2a1: {  	[tilespmem:v60+s14+$0x0] =	vst.idx.msk $0xffff, v4  }
0x2a2: {  	v60 =	vor.u32 v39, v3;
	v4 =	vld.idx.msk [tilespmem:v62+s10+$0x0], $0xffff  }
0x2a3: {  	v62 =	vor.u32 v5, v48;
	_ =	sdelay $0x3  }
0x2a4: {  	[tilespmem:v60+s14+$0x0] =	vst.idx.msk $0xffff, v4  }
0x2a5: {  	v3 =	vor.u32 v40, v3;
	v4 =	vld.idx.msk [tilespmem:v62+s10+$0x0], $0xffff  }
0x2a6: {  	v60 =	vor.u32 v5, v49;
	_ =	sdelay $0x3  }
0x2a7: {  	[tilespmem:v3+s14+$0x0] =	vst.idx.msk $0xffff, v4;
	v3 =	vor.u32 v61, v59  }
0x2a8: {  	v4 =	vld.idx.msk [tilespmem:v60+s10+$0x0], $0xffff;
	v60 =	vor.u32 v0, v3  }
0x2a9: {  	v61 =	vor.u32 v5, v50;
	_ =	sdelay $0x3  }
0x2aa: {  	[tilespmem:v60+s14+$0x0] =	vst.idx.msk $0xffff, v4  }
0x2ab: {  	v60 =	vor.u32 v34, v3;
	v4 =	vld.idx.msk [tilespmem:v61+s10+$0x0], $0xffff  }
0x2ac: {  	v61 =	vor.u32 v5, v51;
	_ =	sdelay $0x3  }
0x2ad: {  	[tilespmem:v60+s14+$0x0] =	vst.idx.msk $0xffff, v4  }
0x2ae: {  	v60 =	vor.u32 v35, v3;
	v4 =	vld.idx.msk [tilespmem:v61+s10+$0x0], $0xffff  }
0x2af: {  	v61 =	vor.u32 v5, v52;
	_ =	sdelay $0x3  }
0x2b0: {  	[tilespmem:v60+s14+$0x0] =	vst.idx.msk $0xffff, v4  }
0x2b1: {  	v60 =	vor.u32 v36, v3;
	v4 =	vld.idx.msk [tilespmem:v61+s10+$0x0], $0xffff  }
0x2b2: {  	v61 =	vor.u32 v5, v53;
	_ =	sdelay $0x3  }
0x2b3: {  	[tilespmem:v60+s14+$0x0] =	vst.idx.msk $0xffff, v4  }
0x2b4: {  	v60 =	vor.u32 v37, v3;
	v4 =	vld.idx.msk [tilespmem:v61+s10+$0x0], $0xffff  }
0x2b5: {  	v61 =	vor.u32 v5, v54;
	_ =	sdelay $0x3  }
0x2b6: {  	[tilespmem:v60+s14+$0x0] =	vst.idx.msk $0xffff, v4  }
0x2b7: {  	v60 =	vor.u32 v38, v3;
	v4 =	vld.idx.msk [tilespmem:v61+s10+$0x0], $0xffff  }
0x2b8: {  	v61 =	vor.u32 v5, v55;
	_ =	sdelay $0x3  }
0x2b9: {  	[tilespmem:v60+s14+$0x0] =	vst.idx.msk $0xffff, v4  }
0x2ba: {  	v60 =	vor.u32 v39, v3;
	v4 =	vld.idx.msk [tilespmem:v61+s10+$0x0], $0xffff  }
0x2bb: {  	v5 =	vor.u32 v5, v56;
	_ =	sdelay $0x3  }
0x2bc: {  	[tilespmem:v60+s14+$0x0] =	vst.idx.msk $0xffff, v4  }
0x2bd: {  	v3 =	vor.u32 v40, v3;
	v4 =	vld.idx.msk [tilespmem:v5+s10+$0x0], $0xffff;
	v5 =	vor.u32 $0x30, v57  }
0x2be: {  	v61 =	vor.u32 v5, v41;
	_ =	sdelay $0x1  }
0x2bf: {  	v57 =	vshll.u32 v5, $0x8  }
0x2c0: {  	v57 =	vand.u32 $0x3800, v57  }
0x2c1: {  	[tilespmem:v3+s14+$0x0] =	vst.idx.msk $0xffff, v4;
	v3 =	vor.u32 v58, v57  }
0x2c2: {  	v4 =	vld.idx.msk [tilespmem:v61+s10+$0x0], $0xffff;
	v62 =	vor.u32 v0, v3  }
0x2c3: {  	v63 =	vor.u32 v5, v42;
	_ =	sdelay $0x3  }
0x2c4: {  	[tilespmem:v62+s14+$0x0] =	vst.idx.msk $0xffff, v4  }
0x2c5: {  	v58 =	vor.u32 v34, v3;
	v4 =	vld.idx.msk [tilespmem:v63+s10+$0x0], $0xffff  }
0x2c6: {  	v60 =	vor.u32 v5, v43;
	_ =	sdelay $0x3  }
0x2c7: {  	[tilespmem:v58+s14+$0x0] =	vst.idx.msk $0xffff, v4  }
0x2c8: {  	v61 =	vor.u32 v35, v3;
	v4 =	vld.idx.msk [tilespmem:v60+s10+$0x0], $0xffff  }
0x2c9: {  	v62 =	vor.u32 v5, v44;
	_ =	sdelay $0x3  }
0x2ca: {  	[tilespmem:v61+s14+$0x0] =	vst.idx.msk $0xffff, v4  }
0x2cb: {  	v63 =	vor.u32 v36, v3;
	v4 =	vld.idx.msk [tilespmem:v62+s10+$0x0], $0xffff  }
0x2cc: {  	v45 =	vor.u32 v5, v45;
	_ =	sdelay $0x3  }
0x2cd: {  	[tilespmem:v63+s14+$0x0] =	vst.idx.msk $0xffff, v4  }
0x2ce: {  	v58 =	vor.u32 v37, v3;
	v4 =	vld.idx.msk [tilespmem:v45+s10+$0x0], $0xffff  }
0x2cf: {  	v60 =	vor.u32 v5, v46;
	_ =	sdelay $0x3  }
0x2d0: {  	[tilespmem:v58+s14+$0x0] =	vst.idx.msk $0xffff, v4  }
0x2d1: {  	v61 =	vor.u32 v38, v3;
	v4 =	vld.idx.msk [tilespmem:v60+s10+$0x0], $0xffff  }
0x2d2: {  	v62 =	vor.u32 v5, v47;
	_ =	sdelay $0x3  }
0x2d3: {  	[tilespmem:v61+s14+$0x0] =	vst.idx.msk $0xffff, v4  }
0x2d4: {  	v63 =	vor.u32 v39, v3;
	v4 =	vld.idx.msk [tilespmem:v62+s10+$0x0], $0xffff  }
0x2d5: {  	v45 =	vor.u32 v5, v48;
	_ =	sdelay $0x3  }
0x2d6: {  	[tilespmem:v63+s14+$0x0] =	vst.idx.msk $0xffff, v4  }
0x2d7: {  	v3 =	vor.u32 v40, v3;
	v4 =	vld.idx.msk [tilespmem:v45+s10+$0x0], $0xffff  }
0x2d8: {  	v46 =	vor.u32 v5, v49;
	_ =	sdelay $0x3  }
0x2d9: {  	[tilespmem:v3+s14+$0x0] =	vst.idx.msk $0xffff, v4;
	v3 =	vor.u32 v57, v59  }
0x2da: {  	v4 =	vld.idx.msk [tilespmem:v46+s10+$0x0], $0xffff;
	v47 =	vor.u32 v0, v3  }
0x2db: {  	v48 =	vor.u32 v5, v50;
	_ =	sdelay $0x3  }
0x2dc: {  	[tilespmem:v47+s14+$0x0] =	vst.idx.msk $0xffff, v4  }
0x2dd: {  	v49 =	vor.u32 v34, v3;
	v4 =	vld.idx.msk [tilespmem:v48+s10+$0x0], $0xffff  }
0x2de: {  	v50 =	vor.u32 v5, v51;
	_ =	sdelay $0x3  }
0x2df: {  	[tilespmem:v49+s14+$0x0] =	vst.idx.msk $0xffff, v4  }
0x2e0: {  	v51 =	vor.u32 v35, v3;
	v4 =	vld.idx.msk [tilespmem:v50+s10+$0x0], $0xffff  }
0x2e1: {  	v52 =	vor.u32 v5, v52;
	_ =	sdelay $0x3  }
0x2e2: {  	[tilespmem:v51+s14+$0x0] =	vst.idx.msk $0xffff, v4  }
0x2e3: {  	v57 =	vor.u32 v36, v3;
	v4 =	vld.idx.msk [tilespmem:v52+s10+$0x0], $0xffff  }
0x2e4: {  	v58 =	vor.u32 v5, v53;
	_ =	sdelay $0x3  }
0x2e5: {  	[tilespmem:v57+s14+$0x0] =	vst.idx.msk $0xffff, v4  }
0x2e6: {  	v59 =	vor.u32 v37, v3;
	v4 =	vld.idx.msk [tilespmem:v58+s10+$0x0], $0xffff  }
0x2e7: {  	v60 =	vor.u32 v5, v54;
	_ =	sdelay $0x3  }
0x2e8: {  	[tilespmem:v59+s14+$0x0] =	vst.idx.msk $0xffff, v4  }
0x2e9: {  	v61 =	vor.u32 v38, v3;
	v4 =	vld.idx.msk [tilespmem:v60+s10+$0x0], $0xffff  }
0x2ea: {  	v62 =	vor.u32 v5, v55;
	_ =	sdelay $0x3  }
0x2eb: {  	[tilespmem:v61+s14+$0x0] =	vst.idx.msk $0xffff, v4  }
0x2ec: {  	v63 =	vor.u32 v39, v3;
	v4 =	vld.idx.msk [tilespmem:v62+s10+$0x0], $0xffff  }
0x2ed: {  	v5 =	vor.u32 v5, v56;
	_ =	sdelay $0x3  }
0x2ee: {  	[tilespmem:v63+s14+$0x0] =	vst.idx.msk $0xffff, v4  }
0x2ef: {  	v3 =	vor.u32 v40, v3;
	v4 =	vld.idx.msk [tilespmem:v5+s10+$0x0], $0xffff  }
0x2f0: {  	p0 =	seq.s32 s23, $0x31  }
.Ltmp4:
0x2f1: {  	_ = 	snop;
	(pc) =	sbr.rel @p0 .LBB2_10-.Ltmp4, $3  }
0x2f2: {  	_ =	sdelay $0x1  }
0x2f3: {  	s25 =	sadd.s32 s24, s5;
	[tilespmem:v3+s14+$0x0] =	vst.idx.msk $0xffff, v4  }
0x2f4: {  	[hbm4b:s25+s15] =	stream.strided.scatter [tilespmem:s14], [sflag:$0x3], $0x4000, s16, s15, $0x38;
	[tilespmem:$0x1E600] =	vst v63  }
0x2f5: {  	s25 =	sand.u32 $0x3FFFFE00, s24;
	s26 =	simm.s32 $0x0  }
0x2f6: {  	s25 =	sadd.s32 $0x200, s25;
	s28 =	sand.u32 $0x80, s26  }
0x2f7: {  	s26 =	sand.u32 $0x70, s26;
	s28 =	sadd.s32 s28, s25  }
0x2f8: {  	s26 =	sadd.s32 s26, s28  }
0x2f9: {  	v41 =	vld [tilespmem:s26+$0x0];
	_ =	sdelay $0x4  }
0x2fa: {  	s29 =	simm.s32 $0x10;
	vm0 =	vlt.s32 v41, $0x64000  }
0x2fb: {  	s30 =	sand.u32 $0x80, s29;
	s28 =	simm.s32 $0x20;
	s26 =	simm.s32 $0x6400;
	v42 =	vsel vm0, $0x0, v2  }
.LBB2_8:
0x2fc: {  	p2 =	sne.s32 s28, $0xF0;
	s29 =	sand.u32 $0x70, s29;
	s30 =	sadd.s32 s30, s25;
	v3 =	vadd.s32 v41, v42  }
0x2fd: {  	s30 =	sadd.s32 s29, s30;
	[tilespmem:s26+$0x0] =	vst v3;
	s29 =	smov.u32 s28  }
0x2fe: {  	v41 =	vld [tilespmem:s30+$0x0];
	_ =	sdelay $0x1  }
.Ltmp5:
0x2ff: {  	(pc) =	sbr.rel @p2 .LBB2_8-.Ltmp5, $3  }
0x300: {  	_ =	sdelay $0x1  }
0x301: {  	vm0 =	vlt.s32 v41, $0x64000  }
0x302: {  	s28 =	sadd.s32 $0x10, s28;
	s26 =	sadd.s32 $0x10, s26;
	s30 =	sand.u32 $0x80, s29;
	v42 =	vsel vm0, $0x0, v2  }
0x303: {  	s28 =	sand.u32 $0x70, s29;
	s25 =	sadd.s32 s30, s25;
	v3 =	vadd.s32 v41, v42  }
0x304: {  	s25 =	sadd.s32 s28, s25;
	[tilespmem:s26+$0x0] =	vst v3  }
0x305: {  	v3 =	vld [tilespmem:s25+$0x0];
	_ =	sdelay $0x4  }
.Ltmp6:
0x306: {  	vm0 =	vlt.s32 v3, $0x64000;
	(pc) =	sbr.rel @p1 .LBB2_11-.Ltmp6, $4  }
0x307: {  	v4 =	vsel vm0, $0x0, v2  }
0x308: {  	s31 =	sadd.s32 $0x10, s26;
	v3 =	vadd.s32 v3, v4  }
0x309: {  	[tilespmem:s31+$0x0] =	vst v3  }
0x30a: {  	[tilespmem:s10], [sflag:$0x1] =	stream.indirect.gather [hbm4b:s3+s8], $0x80, s9, s8, $0xb8;
	[tilespmem:$0x1E600] =	vst v63  }
.LBB2_10:
0x30b: {  	_ =	swait.ge [sflag:s17], $0x4000  }
0x30c: {  	[sflag:s17] =	ssyncset.done $0x0  }
0x30d: {  	[sflag:s17] =	ssyncadd.s32 $0xFFFFC000  }
.LBB2_11:
0x30e: {  	_ =	swait.ge [sflag:s18], $0x8000  }
0x30f: {  	[sflag:s18] =	ssyncset.done $0x0;
	v41 =	vld [tilespmem:$0x1FFD0]  }
0x310: {  	s25 =	sor.u32 $0x100, s24;
	v55 =	vld [tilespmem:$0x1FFE0];
	[sflag:s18] =	ssyncadd.s32 $0xFFFF8000  }
0x311: {  	v3 =	vld [tilespmem:s25+$0x0]  }
0x312: {  	v56 =	vld [tilespmem:$0x1FFF0]  }
0x313: {  	v4 =	vld [tilespmem:s24+$0x110]  }
0x314: {  	v5 =	vld [tilespmem:s24+$0x120]  }
0x315: {  	s26 =	simm.s32 $0x0;
	v44 =	vld [tilespmem:s24+$0x130]  }
0x316: {  	v57 =	vadd.s32 s26, v0;
	v45 =	vld [tilespmem:s24+$0x140];
	vm0 =	vgt.s32 v3, $0x63FFF  }
0x317: {  	v60 =	vand.u32 $0xF, v57;
	v47 =	vld [tilespmem:s24+$0x160];
	v41 =	vsel vm0, v41, v1  }
0x318: {  	v48 =	vld [tilespmem:s24+$0x170];
	v43 =	vor.u32 v60, v41  }
0x319: {  	v49 =	vld [tilespmem:s24+$0x180]  }
0x31a: {  	v42 =	vshll.u32 v57, $0x8;
	v46 =	vshll.u32 v57, $0x7;
	v50 =	vld [tilespmem:s24+$0x190]  }
0x31b: {  	v51 =	vld [tilespmem:s24+$0x1A0];
	v52 =	vand.u32 $0x800, v42;
	v58 =	vand.u32 $0x380, v46  }
0x31c: {  	v54 =	vld [tilespmem:s24+$0x1C0];
	v53 =	vor.u32 v58, v52;
	vm13 =	vgt.s32 v4, $0x63FFF  }
0x31d: {  	v46 =	vor.u32 v0, v53;
	v42 =	vsel vm13, v56, v55;
	v43 =	vld.idx.msk [tilespmem:v43+s12+$0x0], $0xffff  }
0x31e: {  	v61 =	vld [tilespmem:s24+$0x1E0];
	v55 =	vor.u32 v60, v42  }
0x31f: {  	v62 =	vld [tilespmem:s24+$0x1F0]  }
0x320: {  	v3 =	vld [tilespmem:s24+$0x150]  }
0x321: {  	v4 =	vld [tilespmem:s24+$0x1B0]  }
0x322: {  	vm14 =	vgt.s32 v5, $0x63FFF;
	v56 =	vld [tilespmem:s24+$0x1D0];
	[tilespmem:v46+s19+$0x0] =	vst.idx.msk $0xffff, v43  }
0x323: {  	v59 =	vor.u32 v34, v53;
	v43 =	vsel vm14, v7, v6;
	v5 =	vld.idx.msk [tilespmem:v55+s12+$0x0], $0xffff  }
0x324: {  	v63 =	vor.u32 v60, v43;
	_ =	sdelay $0x3  }
0x325: {  	vm15 =	vgt.s32 v44, $0x63FFF;
	[tilespmem:v59+s19+$0x0] =	vst.idx.msk $0xffff, v5  }
0x326: {  	v44 =	vsel vm15, v9, v8;
	v59 =	vor.u32 v35, v53;
	v5 =	vld.idx.msk [tilespmem:v63+s12+$0x0], $0xffff  }
0x327: {  	v63 =	vor.u32 v60, v44;
	_ =	sdelay $0x3  }
0x328: {  	vm4 =	vgt.s32 v45, $0x63FFF;
	[tilespmem:v59+s19+$0x0] =	vst.idx.msk $0xffff, v5  }
0x329: {  	v45 =	vsel vm4, v11, v10;
	v59 =	vor.u32 v36, v53;
	v5 =	vld.idx.msk [tilespmem:v63+s12+$0x0], $0xffff  }
0x32a: {  	v63 =	vor.u32 v60, v45;
	_ =	sdelay $0x3  }
0x32b: {  	vm5 =	vgt.s32 v3, $0x63FFF;
	[tilespmem:v59+s19+$0x0] =	vst.idx.msk $0xffff, v5  }
0x32c: {  	v46 =	vsel vm5, v13, v12;
	v5 =	vor.u32 v37, v53;
	v3 =	vld.idx.msk [tilespmem:v63+s12+$0x0], $0xffff  }
0x32d: {  	v59 =	vor.u32 v60, v46;
	_ =	sdelay $0x3  }
0x32e: {  	vm6 =	vgt.s32 v47, $0x63FFF;
	[tilespmem:v5+s19+$0x0] =	vst.idx.msk $0xffff, v3  }
0x32f: {  	v47 =	vsel vm6, v15, v14;
	v5 =	vor.u32 v38, v53;
	v3 =	vld.idx.msk [tilespmem:v59+s12+$0x0], $0xffff  }
0x330: {  	v63 =	vor.u32 v60, v47;
	_ =	sdelay $0x3  }
0x331: {  	vm7 =	vgt.s32 v48, $0x63FFF;
	[tilespmem:v5+s19+$0x0] =	vst.idx.msk $0xffff, v3  }
0x332: {  	v48 =	vsel vm7, v17, v16;
	v5 =	vor.u32 v39, v53;
	v3 =	vld.idx.msk [tilespmem:v63+s12+$0x0], $0xffff  }
0x333: {  	v59 =	vor.u32 v60, v48;
	_ =	sdelay $0x3  }
0x334: {  	vm8 =	vgt.s32 v49, $0x63FFF;
	[tilespmem:v5+s19+$0x0] =	vst.idx.msk $0xffff, v3  }
0x335: {  	v49 =	vsel vm8, v19, v18;
	v5 =	vor.u32 v40, v53;
	v3 =	vld.idx.msk [tilespmem:v59+s12+$0x0], $0xffff  }
0x336: {  	v63 =	vor.u32 v60, v49;
	_ =	sdelay $0x2  }
0x337: {  	v59 =	vor.u32 $0x400, v58  }
0x338: {  	vm9 =	vgt.s32 v50, $0x63FFF;
	[tilespmem:v5+s19+$0x0] =	vst.idx.msk $0xffff, v3;
	v3 =	vor.u32 v52, v59  }
0x339: {  	v50 =	vsel vm9, v21, v20;
	v5 =	vld.idx.msk [tilespmem:v63+s12+$0x0], $0xffff;
	v52 =	vor.u32 v0, v3  }
0x33a: {  	v63 =	vor.u32 v60, v50;
	_ =	sdelay $0x3  }
0x33b: {  	vm10 =	vgt.s32 v51, $0x63FFF;
	[tilespmem:v52+s19+$0x0] =	vst.idx.msk $0xffff, v5  }
0x33c: {  	v51 =	vsel vm10, v23, v22;
	v52 =	vor.u32 v34, v3;
	v5 =	vld.idx.msk [tilespmem:v63+s12+$0x0], $0xffff  }
0x33d: {  	v63 =	vor.u32 v60, v51;
	_ =	sdelay $0x3  }
0x33e: {  	vm11 =	vgt.s32 v4, $0x63FFF;
	[tilespmem:v52+s19+$0x0] =	vst.idx.msk $0xffff, v5  }
0x33f: {  	v52 =	vsel vm11, v25, v24;
	v5 =	vor.u32 v35, v3;
	v4 =	vld.idx.msk [tilespmem:v63+s12+$0x0], $0xffff  }
0x340: {  	v63 =	vor.u32 v60, v52;
	_ =	sdelay $0x3  }
0x341: {  	vm12 =	vgt.s32 v54, $0x63FFF;
	[tilespmem:v5+s19+$0x0] =	vst.idx.msk $0xffff, v4  }
0x342: {  	v53 =	vsel vm12, v27, v26;
	v5 =	vor.u32 v36, v3;
	v4 =	vld.idx.msk [tilespmem:v63+s12+$0x0], $0xffff  }
0x343: {  	v63 =	vor.u32 v60, v53;
	_ =	sdelay $0x3  }
0x344: {  	vm13 =	vgt.s32 v56, $0x63FFF;
	[tilespmem:v5+s19+$0x0] =	vst.idx.msk $0xffff, v4  }
0x345: {  	v54 =	vsel vm13, v29, v28;
	v5 =	vor.u32 v37, v3;
	v4 =	vld.idx.msk [tilespmem:v63+s12+$0x0], $0xffff  }
0x346: {  	v63 =	vor.u32 v60, v54;
	_ =	sdelay $0x3  }
0x347: {  	vm14 =	vgt.s32 v61, $0x63FFF;
	[tilespmem:v5+s19+$0x0] =	vst.idx.msk $0xffff, v4  }
0x348: {  	v55 =	vsel vm14, v31, v30;
	v5 =	vor.u32 v38, v3;
	v4 =	vld.idx.msk [tilespmem:v63+s12+$0x0], $0xffff  }
0x349: {  	v61 =	vor.u32 v60, v55;
	_ =	sdelay $0x3  }
0x34a: {  	vm15 =	vgt.s32 v62, $0x63FFF;
	[tilespmem:v5+s19+$0x0] =	vst.idx.msk $0xffff, v4  }
0x34b: {  	v56 =	vsel vm15, v33, v32;
	v5 =	vor.u32 v39, v3;
	v4 =	vld.idx.msk [tilespmem:v61+s12+$0x0], $0xffff  }
0x34c: {  	v61 =	vor.u32 v60, v56;
	_ =	sdelay $0x3  }
0x34d: {  	[tilespmem:v5+s19+$0x0] =	vst.idx.msk $0xffff, v4  }
0x34e: {  	v3 =	vor.u32 v40, v3;
	v5 =	vor.u32 $0x10, v57;
	v4 =	vld.idx.msk [tilespmem:v61+s12+$0x0], $0xffff  }
0x34f: {  	v61 =	vor.u32 v5, v41;
	_ =	sdelay $0x1  }
0x350: {  	v62 =	vshll.u32 v5, $0x8  }
0x351: {  	v62 =	vand.u32 $0x1800, v62  }
0x352: {  	[tilespmem:v3+s19+$0x0] =	vst.idx.msk $0xffff, v4;
	v3 =	vor.u32 v58, v62  }
0x353: {  	v4 =	vld.idx.msk [tilespmem:v61+s12+$0x0], $0xffff;
	v61 =	vor.u32 v0, v3  }
0x354: {  	v63 =	vor.u32 v5, v42;
	_ =	sdelay $0x3  }
0x355: {  	[tilespmem:v61+s19+$0x0] =	vst.idx.msk $0xffff, v4  }
0x356: {  	v61 =	vor.u32 v34, v3;
	v4 =	vld.idx.msk [tilespmem:v63+s12+$0x0], $0xffff  }
0x357: {  	v63 =	vor.u32 v5, v43;
	_ =	sdelay $0x3  }
0x358: {  	[tilespmem:v61+s19+$0x0] =	vst.idx.msk $0xffff, v4  }
0x359: {  	v61 =	vor.u32 v35, v3;
	v4 =	vld.idx.msk [tilespmem:v63+s12+$0x0], $0xffff  }
0x35a: {  	v63 =	vor.u32 v5, v44;
	_ =	sdelay $0x3  }
0x35b: {  	[tilespmem:v61+s19+$0x0] =	vst.idx.msk $0xffff, v4  }
0x35c: {  	v61 =	vor.u32 v36, v3;
	v4 =	vld.idx.msk [tilespmem:v63+s12+$0x0], $0xffff  }
0x35d: {  	v63 =	vor.u32 v5, v45;
	_ =	sdelay $0x3  }
0x35e: {  	[tilespmem:v61+s19+$0x0] =	vst.idx.msk $0xffff, v4  }
0x35f: {  	v61 =	vor.u32 v37, v3;
	v4 =	vld.idx.msk [tilespmem:v63+s12+$0x0], $0xffff  }
0x360: {  	v63 =	vor.u32 v5, v46;
	_ =	sdelay $0x3  }
0x361: {  	[tilespmem:v61+s19+$0x0] =	vst.idx.msk $0xffff, v4  }
0x362: {  	v61 =	vor.u32 v38, v3;
	v4 =	vld.idx.msk [tilespmem:v63+s12+$0x0], $0xffff  }
0x363: {  	v63 =	vor.u32 v5, v47;
	_ =	sdelay $0x3  }
0x364: {  	[tilespmem:v61+s19+$0x0] =	vst.idx.msk $0xffff, v4  }
0x365: {  	v61 =	vor.u32 v39, v3;
	v4 =	vld.idx.msk [tilespmem:v63+s12+$0x0], $0xffff  }
0x366: {  	v63 =	vor.u32 v5, v48;
	_ =	sdelay $0x3  }
0x367: {  	[tilespmem:v61+s19+$0x0] =	vst.idx.msk $0xffff, v4  }
0x368: {  	v3 =	vor.u32 v40, v3;
	v4 =	vld.idx.msk [tilespmem:v63+s12+$0x0], $0xffff  }
0x369: {  	v61 =	vor.u32 v5, v49;
	_ =	sdelay $0x3  }
0x36a: {  	[tilespmem:v3+s19+$0x0] =	vst.idx.msk $0xffff, v4;
	v3 =	vor.u32 v62, v59  }
0x36b: {  	v4 =	vld.idx.msk [tilespmem:v61+s12+$0x0], $0xffff;
	v61 =	vor.u32 v0, v3  }
0x36c: {  	v62 =	vor.u32 v5, v50;
	_ =	sdelay $0x3  }
0x36d: {  	[tilespmem:v61+s19+$0x0] =	vst.idx.msk $0xffff, v4  }
0x36e: {  	v61 =	vor.u32 v34, v3;
	v4 =	vld.idx.msk [tilespmem:v62+s12+$0x0], $0xffff  }
0x36f: {  	v62 =	vor.u32 v5, v51;
	_ =	sdelay $0x3  }
0x370: {  	[tilespmem:v61+s19+$0x0] =	vst.idx.msk $0xffff, v4  }
0x371: {  	v61 =	vor.u32 v35, v3;
	v4 =	vld.idx.msk [tilespmem:v62+s12+$0x0], $0xffff  }
0x372: {  	v62 =	vor.u32 v5, v52;
	_ =	sdelay $0x3  }
0x373: {  	[tilespmem:v61+s19+$0x0] =	vst.idx.msk $0xffff, v4  }
0x374: {  	v61 =	vor.u32 v36, v3;
	v4 =	vld.idx.msk [tilespmem:v62+s12+$0x0], $0xffff  }
0x375: {  	v62 =	vor.u32 v5, v53;
	_ =	sdelay $0x3  }
0x376: {  	[tilespmem:v61+s19+$0x0] =	vst.idx.msk $0xffff, v4  }
0x377: {  	v61 =	vor.u32 v37, v3;
	v4 =	vld.idx.msk [tilespmem:v62+s12+$0x0], $0xffff  }
0x378: {  	v62 =	vor.u32 v5, v54;
	_ =	sdelay $0x3  }
0x379: {  	[tilespmem:v61+s19+$0x0] =	vst.idx.msk $0xffff, v4  }
0x37a: {  	v61 =	vor.u32 v38, v3;
	v4 =	vld.idx.msk [tilespmem:v62+s12+$0x0], $0xffff  }
0x37b: {  	v62 =	vor.u32 v5, v55;
	_ =	sdelay $0x3  }
0x37c: {  	[tilespmem:v61+s19+$0x0] =	vst.idx.msk $0xffff, v4  }
0x37d: {  	v61 =	vor.u32 v39, v3;
	v4 =	vld.idx.msk [tilespmem:v62+s12+$0x0], $0xffff  }
0x37e: {  	v5 =	vor.u32 v5, v56;
	_ =	sdelay $0x3  }
0x37f: {  	[tilespmem:v61+s19+$0x0] =	vst.idx.msk $0xffff, v4  }
0x380: {  	v3 =	vor.u32 v40, v3;
	v4 =	vld.idx.msk [tilespmem:v5+s12+$0x0], $0xffff;
	v5 =	vor.u32 $0x20, v60  }
0x381: {  	v60 =	vor.u32 v5, v41;
	_ =	sdelay $0x1  }
0x382: {  	v61 =	vshll.u32 v5, $0x8  }
0x383: {  	v61 =	vand.u32 $0x2800, v61  }
0x384: {  	[tilespmem:v3+s19+$0x0] =	vst.idx.msk $0xffff, v4;
	v3 =	vor.u32 v58, v61  }
0x385: {  	v4 =	vld.idx.msk [tilespmem:v60+s12+$0x0], $0xffff;
	v60 =	vor.u32 v0, v3  }
0x386: {  	v62 =	vor.u32 v5, v42;
	_ =	sdelay $0x3  }
0x387: {  	[tilespmem:v60+s19+$0x0] =	vst.idx.msk $0xffff, v4  }
0x388: {  	v60 =	vor.u32 v34, v3;
	v4 =	vld.idx.msk [tilespmem:v62+s12+$0x0], $0xffff  }
0x389: {  	v62 =	vor.u32 v5, v43;
	_ =	sdelay $0x3  }
0x38a: {  	[tilespmem:v60+s19+$0x0] =	vst.idx.msk $0xffff, v4  }
0x38b: {  	v60 =	vor.u32 v35, v3;
	v4 =	vld.idx.msk [tilespmem:v62+s12+$0x0], $0xffff  }
0x38c: {  	v62 =	vor.u32 v5, v44;
	_ =	sdelay $0x3  }
0x38d: {  	[tilespmem:v60+s19+$0x0] =	vst.idx.msk $0xffff, v4  }
0x38e: {  	v60 =	vor.u32 v36, v3;
	v4 =	vld.idx.msk [tilespmem:v62+s12+$0x0], $0xffff  }
0x38f: {  	v62 =	vor.u32 v5, v45;
	_ =	sdelay $0x3  }
0x390: {  	[tilespmem:v60+s19+$0x0] =	vst.idx.msk $0xffff, v4  }
0x391: {  	v60 =	vor.u32 v37, v3;
	v4 =	vld.idx.msk [tilespmem:v62+s12+$0x0], $0xffff  }
0x392: {  	v62 =	vor.u32 v5, v46;
	_ =	sdelay $0x3  }
0x393: {  	[tilespmem:v60+s19+$0x0] =	vst.idx.msk $0xffff, v4  }
0x394: {  	v60 =	vor.u32 v38, v3;
	v4 =	vld.idx.msk [tilespmem:v62+s12+$0x0], $0xffff  }
0x395: {  	v62 =	vor.u32 v5, v47;
	_ =	sdelay $0x3  }
0x396: {  	[tilespmem:v60+s19+$0x0] =	vst.idx.msk $0xffff, v4  }
0x397: {  	v60 =	vor.u32 v39, v3;
	v4 =	vld.idx.msk [tilespmem:v62+s12+$0x0], $0xffff  }
0x398: {  	v62 =	vor.u32 v5, v48;
	_ =	sdelay $0x3  }
0x399: {  	[tilespmem:v60+s19+$0x0] =	vst.idx.msk $0xffff, v4  }
0x39a: {  	v3 =	vor.u32 v40, v3;
	v4 =	vld.idx.msk [tilespmem:v62+s12+$0x0], $0xffff  }
0x39b: {  	v60 =	vor.u32 v5, v49;
	_ =	sdelay $0x3  }
0x39c: {  	[tilespmem:v3+s19+$0x0] =	vst.idx.msk $0xffff, v4;
	v3 =	vor.u32 v61, v59  }
0x39d: {  	v4 =	vld.idx.msk [tilespmem:v60+s12+$0x0], $0xffff;
	v60 =	vor.u32 v0, v3  }
0x39e: {  	v61 =	vor.u32 v5, v50;
	_ =	sdelay $0x3  }
0x39f: {  	[tilespmem:v60+s19+$0x0] =	vst.idx.msk $0xffff, v4  }
0x3a0: {  	v60 =	vor.u32 v34, v3;
	v4 =	vld.idx.msk [tilespmem:v61+s12+$0x0], $0xffff  }
0x3a1: {  	v61 =	vor.u32 v5, v51;
	_ =	sdelay $0x3  }
0x3a2: {  	[tilespmem:v60+s19+$0x0] =	vst.idx.msk $0xffff, v4  }
0x3a3: {  	v60 =	vor.u32 v35, v3;
	v4 =	vld.idx.msk [tilespmem:v61+s12+$0x0], $0xffff  }
0x3a4: {  	v61 =	vor.u32 v5, v52;
	_ =	sdelay $0x3  }
0x3a5: {  	[tilespmem:v60+s19+$0x0] =	vst.idx.msk $0xffff, v4  }
0x3a6: {  	v60 =	vor.u32 v36, v3;
	v4 =	vld.idx.msk [tilespmem:v61+s12+$0x0], $0xffff  }
0x3a7: {  	v61 =	vor.u32 v5, v53;
	_ =	sdelay $0x3  }
0x3a8: {  	[tilespmem:v60+s19+$0x0] =	vst.idx.msk $0xffff, v4  }
0x3a9: {  	v60 =	vor.u32 v37, v3;
	v4 =	vld.idx.msk [tilespmem:v61+s12+$0x0], $0xffff  }
0x3aa: {  	v61 =	vor.u32 v5, v54;
	_ =	sdelay $0x3  }
0x3ab: {  	[tilespmem:v60+s19+$0x0] =	vst.idx.msk $0xffff, v4  }
0x3ac: {  	v60 =	vor.u32 v38, v3;
	v4 =	vld.idx.msk [tilespmem:v61+s12+$0x0], $0xffff  }
0x3ad: {  	v61 =	vor.u32 v5, v55;
	_ =	sdelay $0x3  }
0x3ae: {  	[tilespmem:v60+s19+$0x0] =	vst.idx.msk $0xffff, v4  }
0x3af: {  	v60 =	vor.u32 v39, v3;
	v4 =	vld.idx.msk [tilespmem:v61+s12+$0x0], $0xffff  }
0x3b0: {  	v5 =	vor.u32 v5, v56;
	_ =	sdelay $0x3  }
0x3b1: {  	[tilespmem:v60+s19+$0x0] =	vst.idx.msk $0xffff, v4  }
0x3b2: {  	v3 =	vor.u32 v40, v3;
	v4 =	vld.idx.msk [tilespmem:v5+s12+$0x0], $0xffff;
	v5 =	vor.u32 $0x30, v57  }
0x3b3: {  	v57 =	vor.u32 v5, v41;
	_ =	sdelay $0x1  }
0x3b4: {  	v60 =	vshll.u32 v5, $0x8  }
0x3b5: {  	v60 =	vand.u32 $0x3800, v60  }
0x3b6: {  	[tilespmem:v3+s19+$0x0] =	vst.idx.msk $0xffff, v4;
	v3 =	vor.u32 v58, v60  }
0x3b7: {  	v4 =	vld.idx.msk [tilespmem:v57+s12+$0x0], $0xffff;
	v62 =	vor.u32 v0, v3  }
0x3b8: {  	v63 =	vor.u32 v5, v42;
	_ =	sdelay $0x3  }
0x3b9: {  	[tilespmem:v62+s19+$0x0] =	vst.idx.msk $0xffff, v4  }
0x3ba: {  	v61 =	vor.u32 v34, v3;
	v4 =	vld.idx.msk [tilespmem:v63+s12+$0x0], $0xffff  }
0x3bb: {  	v62 =	vor.u32 v5, v43;
	_ =	sdelay $0x3  }
0x3bc: {  	[tilespmem:v61+s19+$0x0] =	vst.idx.msk $0xffff, v4  }
0x3bd: {  	v63 =	vor.u32 v35, v3;
	v4 =	vld.idx.msk [tilespmem:v62+s12+$0x0], $0xffff  }
0x3be: {  	v61 =	vor.u32 v5, v44;
	_ =	sdelay $0x3  }
0x3bf: {  	[tilespmem:v63+s19+$0x0] =	vst.idx.msk $0xffff, v4  }
0x3c0: {  	v62 =	vor.u32 v36, v3;
	v4 =	vld.idx.msk [tilespmem:v61+s12+$0x0], $0xffff  }
0x3c1: {  	v63 =	vor.u32 v5, v45;
	_ =	sdelay $0x3  }
0x3c2: {  	[tilespmem:v62+s19+$0x0] =	vst.idx.msk $0xffff, v4  }
0x3c3: {  	v61 =	vor.u32 v37, v3;
	v4 =	vld.idx.msk [tilespmem:v63+s12+$0x0], $0xffff  }
0x3c4: {  	v62 =	vor.u32 v5, v46;
	_ =	sdelay $0x3  }
0x3c5: {  	[tilespmem:v61+s19+$0x0] =	vst.idx.msk $0xffff, v4  }
0x3c6: {  	v63 =	vor.u32 v38, v3;
	v4 =	vld.idx.msk [tilespmem:v62+s12+$0x0], $0xffff  }
0x3c7: {  	v61 =	vor.u32 v5, v47;
	_ =	sdelay $0x3  }
0x3c8: {  	[tilespmem:v63+s19+$0x0] =	vst.idx.msk $0xffff, v4  }
0x3c9: {  	v62 =	vor.u32 v39, v3;
	v4 =	vld.idx.msk [tilespmem:v61+s12+$0x0], $0xffff  }
0x3ca: {  	v63 =	vor.u32 v5, v48;
	_ =	sdelay $0x3  }
0x3cb: {  	[tilespmem:v62+s19+$0x0] =	vst.idx.msk $0xffff, v4  }
0x3cc: {  	v3 =	vor.u32 v40, v3;
	v4 =	vld.idx.msk [tilespmem:v63+s12+$0x0], $0xffff  }
0x3cd: {  	v61 =	vor.u32 v5, v49;
	_ =	sdelay $0x3  }
0x3ce: {  	v58 =	vor.u32 v60, v59;
	[tilespmem:v3+s19+$0x0] =	vst.idx.msk $0xffff, v4  }
0x3cf: {  	v4 =	vor.u32 v0, v58;
	v3 =	vld.idx.msk [tilespmem:v61+s12+$0x0], $0xffff  }
0x3d0: {  	v62 =	vor.u32 v5, v50;
	_ =	sdelay $0x3  }
0x3d1: {  	[tilespmem:v4+s19+$0x0] =	vst.idx.msk $0xffff, v3  }
0x3d2: {  	v4 =	vor.u32 v34, v58;
	v3 =	vld.idx.msk [tilespmem:v62+s12+$0x0], $0xffff  }
0x3d3: {  	v63 =	vor.u32 v5, v51;
	_ =	sdelay $0x3  }
0x3d4: {  	[tilespmem:v4+s19+$0x0] =	vst.idx.msk $0xffff, v3  }
0x3d5: {  	v4 =	vor.u32 v35, v58;
	v3 =	vld.idx.msk [tilespmem:v63+s12+$0x0], $0xffff  }
0x3d6: {  	v60 =	vor.u32 v5, v52;
	_ =	sdelay $0x3  }
0x3d7: {  	[tilespmem:v4+s19+$0x0] =	vst.idx.msk $0xffff, v3  }
0x3d8: {  	v4 =	vor.u32 v36, v58;
	v3 =	vld.idx.msk [tilespmem:v60+s12+$0x0], $0xffff  }
0x3d9: {  	v61 =	vor.u32 v5, v53;
	_ =	sdelay $0x3  }
0x3da: {  	[tilespmem:v4+s19+$0x0] =	vst.idx.msk $0xffff, v3  }
0x3db: {  	v4 =	vor.u32 v37, v58;
	v3 =	vld.idx.msk [tilespmem:v61+s12+$0x0], $0xffff  }
0x3dc: {  	v62 =	vor.u32 v5, v54;
	_ =	sdelay $0x3  }
0x3dd: {  	[tilespmem:v4+s19+$0x0] =	vst.idx.msk $0xffff, v3  }
0x3de: {  	v4 =	vor.u32 v38, v58;
	v3 =	vld.idx.msk [tilespmem:v62+s12+$0x0], $0xffff  }
0x3df: {  	v63 =	vor.u32 v5, v55;
	_ =	sdelay $0x3  }
0x3e0: {  	[tilespmem:v4+s19+$0x0] =	vst.idx.msk $0xffff, v3  }
0x3e1: {  	v4 =	vor.u32 v39, v58;
	v3 =	vld.idx.msk [tilespmem:v63+s12+$0x0], $0xffff  }
0x3e2: {  	v5 =	vor.u32 v5, v56;
	_ =	sdelay $0x3  }
0x3e3: {  	s31 =	simm.s32 $0x1;
	[tilespmem:v4+s19+$0x0] =	vst.idx.msk $0xffff, v3  }
0x3e4: {  	s23 =	sadd.s32 $0x1, s23;
	s26 =	simm.s32 $0x2;
	v57 =	vadd.s32 s31, v0;
	v59 =	vld.idx.msk [tilespmem:v5+s12+$0x0], $0xffff  }
.LBB2_12:
0x3e5: {  	p1 =	sne.s32 s26, $0xF;
	v60 =	vand.u32 $0xF, v57;
	v3 =	vor.u32 v40, v58  }
0x3e6: {  	v4 =	vor.u32 v60, v41;
	_ =	sdelay $0x2  }
0x3e7: {  	v5 =	vshll.u32 v57, $0x8;
	v58 =	vshll.u32 v57, $0x7  }
0x3e8: {  	v5 =	vand.u32 $0x800, v5;
	v58 =	vand.u32 $0x380, v58;
	[tilespmem:v3+s19+$0x0] =	vst.idx.msk $0xffff, v59  }
0x3e9: {  	v3 =	vld.idx.msk [tilespmem:v4+s12+$0x0], $0xffff;
	v4 =	vor.u32 v58, v5  }
0x3ea: {  	v59 =	vor.u32 v0, v4  }
0x3eb: {  	v61 =	vor.u32 v60, v42;
	_ =	sdelay $0x3  }
0x3ec: {  	[tilespmem:v59+s19+$0x0] =	vst.idx.msk $0xffff, v3  }
0x3ed: {  	v3 =	vld.idx.msk [tilespmem:v61+s12+$0x0], $0xffff  }
0x3ee: {  	v59 =	vor.u32 v34, v4  }
0x3ef: {  	v61 =	vor.u32 v60, v43;
	_ =	sdelay $0x3  }
0x3f0: {  	[tilespmem:v59+s19+$0x0] =	vst.idx.msk $0xffff, v3  }
0x3f1: {  	v3 =	vld.idx.msk [tilespmem:v61+s12+$0x0], $0xffff  }
0x3f2: {  	v59 =	vor.u32 v35, v4  }
0x3f3: {  	v61 =	vor.u32 v60, v44;
	_ =	sdelay $0x3  }
0x3f4: {  	[tilespmem:v59+s19+$0x0] =	vst.idx.msk $0xffff, v3  }
0x3f5: {  	v3 =	vld.idx.msk [tilespmem:v61+s12+$0x0], $0xffff  }
0x3f6: {  	v59 =	vor.u32 v36, v4  }
0x3f7: {  	v61 =	vor.u32 v60, v45;
	_ =	sdelay $0x3  }
0x3f8: {  	[tilespmem:v59+s19+$0x0] =	vst.idx.msk $0xffff, v3  }
0x3f9: {  	v3 =	vld.idx.msk [tilespmem:v61+s12+$0x0], $0xffff  }
0x3fa: {  	v59 =	vor.u32 v37, v4  }
0x3fb: {  	v61 =	vor.u32 v60, v46;
	_ =	sdelay $0x3  }
0x3fc: {  	[tilespmem:v59+s19+$0x0] =	vst.idx.msk $0xffff, v3  }
0x3fd: {  	v3 =	vld.idx.msk [tilespmem:v61+s12+$0x0], $0xffff  }
0x3fe: {  	v59 =	vor.u32 v38, v4  }
0x3ff: {  	v61 =	vor.u32 v60, v47;
	_ =	sdelay $0x3  }
0x400: {  	[tilespmem:v59+s19+$0x0] =	vst.idx.msk $0xffff, v3  }
0x401: {  	v3 =	vld.idx.msk [tilespmem:v61+s12+$0x0], $0xffff  }
0x402: {  	v59 =	vor.u32 v39, v4  }
0x403: {  	v61 =	vor.u32 v60, v48;
	_ =	sdelay $0x3  }
0x404: {  	[tilespmem:v59+s19+$0x0] =	vst.idx.msk $0xffff, v3  }
0x405: {  	v3 =	vld.idx.msk [tilespmem:v61+s12+$0x0], $0xffff  }
0x406: {  	v4 =	vor.u32 v40, v4  }
0x407: {  	v61 =	vor.u32 v60, v49;
	_ =	sdelay $0x3  }
0x408: {  	v59 =	vor.u32 $0x400, v58;
	[tilespmem:v4+s19+$0x0] =	vst.idx.msk $0xffff, v3  }
0x409: {  	v4 =	vor.u32 v5, v59;
	v3 =	vld.idx.msk [tilespmem:v61+s12+$0x0], $0xffff  }
0x40a: {  	v5 =	vor.u32 v0, v4  }
0x40b: {  	v61 =	vor.u32 v60, v50;
	_ =	sdelay $0x3  }
0x40c: {  	[tilespmem:v5+s19+$0x0] =	vst.idx.msk $0xffff, v3  }
0x40d: {  	v3 =	vld.idx.msk [tilespmem:v61+s12+$0x0], $0xffff  }
0x40e: {  	v5 =	vor.u32 v34, v4  }
0x40f: {  	v61 =	vor.u32 v60, v51;
	_ =	sdelay $0x3  }
0x410: {  	[tilespmem:v5+s19+$0x0] =	vst.idx.msk $0xffff, v3  }
0x411: {  	v3 =	vld.idx.msk [tilespmem:v61+s12+$0x0], $0xffff  }
0x412: {  	v5 =	vor.u32 v35, v4  }
0x413: {  	v61 =	vor.u32 v60, v52;
	_ =	sdelay $0x3  }
0x414: {  	[tilespmem:v5+s19+$0x0] =	vst.idx.msk $0xffff, v3  }
0x415: {  	v3 =	vld.idx.msk [tilespmem:v61+s12+$0x0], $0xffff  }
0x416: {  	v5 =	vor.u32 v36, v4  }
0x417: {  	v61 =	vor.u32 v60, v53;
	_ =	sdelay $0x3  }
0x418: {  	[tilespmem:v5+s19+$0x0] =	vst.idx.msk $0xffff, v3  }
0x419: {  	v3 =	vld.idx.msk [tilespmem:v61+s12+$0x0], $0xffff  }
0x41a: {  	v5 =	vor.u32 v37, v4  }
0x41b: {  	v61 =	vor.u32 v60, v54;
	_ =	sdelay $0x3  }
0x41c: {  	[tilespmem:v5+s19+$0x0] =	vst.idx.msk $0xffff, v3  }
0x41d: {  	v3 =	vld.idx.msk [tilespmem:v61+s12+$0x0], $0xffff  }
0x41e: {  	v5 =	vor.u32 v38, v4  }
0x41f: {  	v61 =	vor.u32 v60, v55;
	_ =	sdelay $0x3  }
0x420: {  	[tilespmem:v5+s19+$0x0] =	vst.idx.msk $0xffff, v3  }
0x421: {  	v3 =	vld.idx.msk [tilespmem:v61+s12+$0x0], $0xffff  }
0x422: {  	v5 =	vor.u32 v39, v4  }
0x423: {  	v61 =	vor.u32 v60, v56;
	_ =	sdelay $0x3  }
0x424: {  	[tilespmem:v5+s19+$0x0] =	vst.idx.msk $0xffff, v3  }
0x425: {  	v3 =	vld.idx.msk [tilespmem:v61+s12+$0x0], $0xffff  }
0x426: {  	v4 =	vor.u32 v40, v4;
	v61 =	vor.u32 $0x10, v57  }
0x427: {  	v5 =	vor.u32 v61, v41;
	_ =	sdelay $0x2  }
0x428: {  	v62 =	vshll.u32 v61, $0x8  }
0x429: {  	[tilespmem:v4+s19+$0x0] =	vst.idx.msk $0xffff, v3;
	v3 =	vand.u32 $0x1800, v62  }
0x42a: {  	v4 =	vld.idx.msk [tilespmem:v5+s12+$0x0], $0xffff;
	v5 =	vor.u32 v58, v3  }
0x42b: {  	v62 =	vor.u32 v0, v5  }
0x42c: {  	v63 =	vor.u32 v61, v42;
	_ =	sdelay $0x3  }
0x42d: {  	[tilespmem:v62+s19+$0x0] =	vst.idx.msk $0xffff, v4  }
0x42e: {  	v4 =	vld.idx.msk [tilespmem:v63+s12+$0x0], $0xffff  }
0x42f: {  	v62 =	vor.u32 v34, v5  }
0x430: {  	v63 =	vor.u32 v61, v43;
	_ =	sdelay $0x3  }
0x431: {  	[tilespmem:v62+s19+$0x0] =	vst.idx.msk $0xffff, v4  }
0x432: {  	v4 =	vld.idx.msk [tilespmem:v63+s12+$0x0], $0xffff  }
0x433: {  	v62 =	vor.u32 v35, v5  }
0x434: {  	v63 =	vor.u32 v61, v44;
	_ =	sdelay $0x3  }
0x435: {  	[tilespmem:v62+s19+$0x0] =	vst.idx.msk $0xffff, v4  }
0x436: {  	v4 =	vld.idx.msk [tilespmem:v63+s12+$0x0], $0xffff  }
0x437: {  	v62 =	vor.u32 v36, v5  }
0x438: {  	v63 =	vor.u32 v61, v45;
	_ =	sdelay $0x3  }
0x439: {  	[tilespmem:v62+s19+$0x0] =	vst.idx.msk $0xffff, v4  }
0x43a: {  	v4 =	vld.idx.msk [tilespmem:v63+s12+$0x0], $0xffff  }
0x43b: {  	v62 =	vor.u32 v37, v5  }
0x43c: {  	v63 =	vor.u32 v61, v46;
	_ =	sdelay $0x3  }
0x43d: {  	[tilespmem:v62+s19+$0x0] =	vst.idx.msk $0xffff, v4  }
0x43e: {  	v4 =	vld.idx.msk [tilespmem:v63+s12+$0x0], $0xffff  }
0x43f: {  	v62 =	vor.u32 v38, v5  }
0x440: {  	v63 =	vor.u32 v61, v47;
	_ =	sdelay $0x3  }
0x441: {  	[tilespmem:v62+s19+$0x0] =	vst.idx.msk $0xffff, v4  }
0x442: {  	v4 =	vld.idx.msk [tilespmem:v63+s12+$0x0], $0xffff  }
0x443: {  	v62 =	vor.u32 v39, v5  }
0x444: {  	v63 =	vor.u32 v61, v48;
	_ =	sdelay $0x3  }
0x445: {  	[tilespmem:v62+s19+$0x0] =	vst.idx.msk $0xffff, v4  }
0x446: {  	v4 =	vld.idx.msk [tilespmem:v63+s12+$0x0], $0xffff  }
0x447: {  	v5 =	vor.u32 v40, v5  }
0x448: {  	v62 =	vor.u32 v61, v49;
	_ =	sdelay $0x3  }
0x449: {  	[tilespmem:v5+s19+$0x0] =	vst.idx.msk $0xffff, v4  }
0x44a: {  	v3 =	vor.u32 v3, v59;
	v4 =	vld.idx.msk [tilespmem:v62+s12+$0x0], $0xffff  }
0x44b: {  	v5 =	vor.u32 v0, v3  }
0x44c: {  	v62 =	vor.u32 v61, v50;
	_ =	sdelay $0x3  }
0x44d: {  	[tilespmem:v5+s19+$0x0] =	vst.idx.msk $0xffff, v4  }
0x44e: {  	v4 =	vld.idx.msk [tilespmem:v62+s12+$0x0], $0xffff  }
0x44f: {  	v5 =	vor.u32 v34, v3  }
0x450: {  	v62 =	vor.u32 v61, v51;
	_ =	sdelay $0x3  }
0x451: {  	[tilespmem:v5+s19+$0x0] =	vst.idx.msk $0xffff, v4  }
0x452: {  	v4 =	vld.idx.msk [tilespmem:v62+s12+$0x0], $0xffff  }
0x453: {  	v5 =	vor.u32 v35, v3  }
0x454: {  	v62 =	vor.u32 v61, v52;
	_ =	sdelay $0x3  }
0x455: {  	[tilespmem:v5+s19+$0x0] =	vst.idx.msk $0xffff, v4  }
0x456: {  	v4 =	vld.idx.msk [tilespmem:v62+s12+$0x0], $0xffff  }
0x457: {  	v5 =	vor.u32 v36, v3  }
0x458: {  	v62 =	vor.u32 v61, v53;
	_ =	sdelay $0x3  }
0x459: {  	[tilespmem:v5+s19+$0x0] =	vst.idx.msk $0xffff, v4  }
0x45a: {  	v4 =	vld.idx.msk [tilespmem:v62+s12+$0x0], $0xffff  }
0x45b: {  	v5 =	vor.u32 v37, v3  }
0x45c: {  	v62 =	vor.u32 v61, v54;
	_ =	sdelay $0x3  }
0x45d: {  	[tilespmem:v5+s19+$0x0] =	vst.idx.msk $0xffff, v4  }
0x45e: {  	v4 =	vld.idx.msk [tilespmem:v62+s12+$0x0], $0xffff  }
0x45f: {  	v5 =	vor.u32 v38, v3  }
0x460: {  	v62 =	vor.u32 v61, v55;
	_ =	sdelay $0x3  }
0x461: {  	[tilespmem:v5+s19+$0x0] =	vst.idx.msk $0xffff, v4  }
0x462: {  	v4 =	vld.idx.msk [tilespmem:v62+s12+$0x0], $0xffff  }
0x463: {  	v5 =	vor.u32 v39, v3  }
0x464: {  	v61 =	vor.u32 v61, v56;
	_ =	sdelay $0x3  }
0x465: {  	[tilespmem:v5+s19+$0x0] =	vst.idx.msk $0xffff, v4  }
0x466: {  	v4 =	vld.idx.msk [tilespmem:v61+s12+$0x0], $0xffff  }
0x467: {  	v60 =	vor.u32 $0x20, v60;
	v3 =	vor.u32 v40, v3  }
0x468: {  	v5 =	vor.u32 v60, v41;
	_ =	sdelay $0x2  }
0x469: {  	v61 =	vshll.u32 v60, $0x8  }
0x46a: {  	[tilespmem:v3+s19+$0x0] =	vst.idx.msk $0xffff, v4;
	v3 =	vand.u32 $0x2800, v61  }
0x46b: {  	v4 =	vld.idx.msk [tilespmem:v5+s12+$0x0], $0xffff;
	v5 =	vor.u32 v58, v3  }
0x46c: {  	v61 =	vor.u32 v0, v5  }
0x46d: {  	v62 =	vor.u32 v60, v42;
	_ =	sdelay $0x3  }
0x46e: {  	[tilespmem:v61+s19+$0x0] =	vst.idx.msk $0xffff, v4  }
0x46f: {  	v4 =	vld.idx.msk [tilespmem:v62+s12+$0x0], $0xffff  }
0x470: {  	v61 =	vor.u32 v34, v5  }
0x471: {  	v62 =	vor.u32 v60, v43;
	_ =	sdelay $0x3  }
0x472: {  	[tilespmem:v61+s19+$0x0] =	vst.idx.msk $0xffff, v4  }
0x473: {  	v4 =	vld.idx.msk [tilespmem:v62+s12+$0x0], $0xffff  }
0x474: {  	v61 =	vor.u32 v35, v5  }
0x475: {  	v62 =	vor.u32 v60, v44;
	_ =	sdelay $0x3  }
0x476: {  	[tilespmem:v61+s19+$0x0] =	vst.idx.msk $0xffff, v4  }
0x477: {  	v4 =	vld.idx.msk [tilespmem:v62+s12+$0x0], $0xffff  }
0x478: {  	v61 =	vor.u32 v36, v5  }
0x479: {  	v62 =	vor.u32 v60, v45;
	_ =	sdelay $0x3  }
0x47a: {  	[tilespmem:v61+s19+$0x0] =	vst.idx.msk $0xffff, v4  }
0x47b: {  	v4 =	vld.idx.msk [tilespmem:v62+s12+$0x0], $0xffff  }
0x47c: {  	v61 =	vor.u32 v37, v5  }
0x47d: {  	v62 =	vor.u32 v60, v46;
	_ =	sdelay $0x3  }
0x47e: {  	[tilespmem:v61+s19+$0x0] =	vst.idx.msk $0xffff, v4  }
0x47f: {  	v4 =	vld.idx.msk [tilespmem:v62+s12+$0x0], $0xffff  }
0x480: {  	v61 =	vor.u32 v38, v5  }
0x481: {  	v62 =	vor.u32 v60, v47;
	_ =	sdelay $0x3  }
0x482: {  	[tilespmem:v61+s19+$0x0] =	vst.idx.msk $0xffff, v4  }
0x483: {  	v4 =	vld.idx.msk [tilespmem:v62+s12+$0x0], $0xffff  }
0x484: {  	v61 =	vor.u32 v39, v5  }
0x485: {  	v62 =	vor.u32 v60, v48;
	_ =	sdelay $0x3  }
0x486: {  	[tilespmem:v61+s19+$0x0] =	vst.idx.msk $0xffff, v4  }
0x487: {  	v4 =	vld.idx.msk [tilespmem:v62+s12+$0x0], $0xffff  }
0x488: {  	v5 =	vor.u32 v40, v5  }
0x489: {  	v61 =	vor.u32 v60, v49;
	_ =	sdelay $0x3  }
0x48a: {  	[tilespmem:v5+s19+$0x0] =	vst.idx.msk $0xffff, v4  }
0x48b: {  	v3 =	vor.u32 v3, v59;
	v4 =	vld.idx.msk [tilespmem:v61+s12+$0x0], $0xffff  }
0x48c: {  	v5 =	vor.u32 v0, v3  }
0x48d: {  	v61 =	vor.u32 v60, v50;
	_ =	sdelay $0x3  }
0x48e: {  	[tilespmem:v5+s19+$0x0] =	vst.idx.msk $0xffff, v4  }
0x48f: {  	v4 =	vld.idx.msk [tilespmem:v61+s12+$0x0], $0xffff  }
0x490: {  	v5 =	vor.u32 v34, v3  }
0x491: {  	v61 =	vor.u32 v60, v51;
	_ =	sdelay $0x3  }
0x492: {  	[tilespmem:v5+s19+$0x0] =	vst.idx.msk $0xffff, v4  }
0x493: {  	v4 =	vld.idx.msk [tilespmem:v61+s12+$0x0], $0xffff  }
0x494: {  	v5 =	vor.u32 v35, v3  }
0x495: {  	v61 =	vor.u32 v60, v52;
	_ =	sdelay $0x3  }
0x496: {  	[tilespmem:v5+s19+$0x0] =	vst.idx.msk $0xffff, v4  }
0x497: {  	v4 =	vld.idx.msk [tilespmem:v61+s12+$0x0], $0xffff  }
0x498: {  	v5 =	vor.u32 v36, v3  }
0x499: {  	v61 =	vor.u32 v60, v53;
	_ =	sdelay $0x3  }
0x49a: {  	[tilespmem:v5+s19+$0x0] =	vst.idx.msk $0xffff, v4  }
0x49b: {  	v4 =	vld.idx.msk [tilespmem:v61+s12+$0x0], $0xffff  }
0x49c: {  	v5 =	vor.u32 v37, v3  }
0x49d: {  	v61 =	vor.u32 v60, v54;
	_ =	sdelay $0x3  }
0x49e: {  	[tilespmem:v5+s19+$0x0] =	vst.idx.msk $0xffff, v4  }
0x49f: {  	v4 =	vld.idx.msk [tilespmem:v61+s12+$0x0], $0xffff  }
0x4a0: {  	v5 =	vor.u32 v38, v3  }
0x4a1: {  	v61 =	vor.u32 v60, v55;
	_ =	sdelay $0x3  }
0x4a2: {  	[tilespmem:v5+s19+$0x0] =	vst.idx.msk $0xffff, v4  }
0x4a3: {  	v4 =	vld.idx.msk [tilespmem:v61+s12+$0x0], $0xffff  }
0x4a4: {  	v5 =	vor.u32 v39, v3  }
0x4a5: {  	v60 =	vor.u32 v60, v56;
	_ =	sdelay $0x3  }
0x4a6: {  	[tilespmem:v5+s19+$0x0] =	vst.idx.msk $0xffff, v4  }
0x4a7: {  	v4 =	vld.idx.msk [tilespmem:v60+s12+$0x0], $0xffff  }
0x4a8: {  	v57 =	vor.u32 $0x30, v57;
	v3 =	vor.u32 v40, v3  }
0x4a9: {  	v5 =	vor.u32 v57, v41;
	_ =	sdelay $0x2  }
0x4aa: {  	v60 =	vshll.u32 v57, $0x8  }
0x4ab: {  	[tilespmem:v3+s19+$0x0] =	vst.idx.msk $0xffff, v4;
	v3 =	vand.u32 $0x3800, v60  }
0x4ac: {  	v4 =	vld.idx.msk [tilespmem:v5+s12+$0x0], $0xffff;
	v5 =	vor.u32 v58, v3  }
0x4ad: {  	v58 =	vor.u32 v0, v5  }
0x4ae: {  	v60 =	vor.u32 v57, v42;
	_ =	sdelay $0x3  }
0x4af: {  	[tilespmem:v58+s19+$0x0] =	vst.idx.msk $0xffff, v4  }
0x4b0: {  	v4 =	vld.idx.msk [tilespmem:v60+s12+$0x0], $0xffff  }
0x4b1: {  	v58 =	vor.u32 v34, v5  }
0x4b2: {  	v60 =	vor.u32 v57, v43;
	_ =	sdelay $0x3  }
0x4b3: {  	[tilespmem:v58+s19+$0x0] =	vst.idx.msk $0xffff, v4  }
0x4b4: {  	v4 =	vld.idx.msk [tilespmem:v60+s12+$0x0], $0xffff  }
0x4b5: {  	v58 =	vor.u32 v35, v5  }
0x4b6: {  	v60 =	vor.u32 v57, v44;
	_ =	sdelay $0x3  }
0x4b7: {  	[tilespmem:v58+s19+$0x0] =	vst.idx.msk $0xffff, v4  }
0x4b8: {  	v4 =	vld.idx.msk [tilespmem:v60+s12+$0x0], $0xffff  }
0x4b9: {  	v58 =	vor.u32 v36, v5  }
0x4ba: {  	v60 =	vor.u32 v57, v45;
	_ =	sdelay $0x3  }
0x4bb: {  	[tilespmem:v58+s19+$0x0] =	vst.idx.msk $0xffff, v4  }
0x4bc: {  	v4 =	vld.idx.msk [tilespmem:v60+s12+$0x0], $0xffff  }
0x4bd: {  	v58 =	vor.u32 v37, v5  }
0x4be: {  	v60 =	vor.u32 v57, v46;
	_ =	sdelay $0x3  }
0x4bf: {  	[tilespmem:v58+s19+$0x0] =	vst.idx.msk $0xffff, v4  }
0x4c0: {  	v4 =	vld.idx.msk [tilespmem:v60+s12+$0x0], $0xffff  }
0x4c1: {  	v58 =	vor.u32 v38, v5  }
0x4c2: {  	v60 =	vor.u32 v57, v47;
	_ =	sdelay $0x3  }
0x4c3: {  	[tilespmem:v58+s19+$0x0] =	vst.idx.msk $0xffff, v4  }
0x4c4: {  	v4 =	vld.idx.msk [tilespmem:v60+s12+$0x0], $0xffff  }
0x4c5: {  	v58 =	vor.u32 v39, v5  }
0x4c6: {  	v60 =	vor.u32 v57, v48;
	_ =	sdelay $0x3  }
0x4c7: {  	[tilespmem:v58+s19+$0x0] =	vst.idx.msk $0xffff, v4  }
0x4c8: {  	v4 =	vld.idx.msk [tilespmem:v60+s12+$0x0], $0xffff  }
0x4c9: {  	v5 =	vor.u32 v40, v5  }
0x4ca: {  	v58 =	vor.u32 v57, v49;
	_ =	sdelay $0x3  }
0x4cb: {  	[tilespmem:v5+s19+$0x0] =	vst.idx.msk $0xffff, v4  }
0x4cc: {  	v4 =	vld.idx.msk [tilespmem:v58+s12+$0x0], $0xffff;
	v58 =	vor.u32 v3, v59  }
0x4cd: {  	v3 =	vor.u32 v0, v58  }
0x4ce: {  	v5 =	vor.u32 v57, v50;
	_ =	sdelay $0x3  }
0x4cf: {  	[tilespmem:v3+s19+$0x0] =	vst.idx.msk $0xffff, v4  }
0x4d0: {  	v3 =	vld.idx.msk [tilespmem:v5+s12+$0x0], $0xffff  }
0x4d1: {  	v4 =	vor.u32 v34, v58  }
0x4d2: {  	v5 =	vor.u32 v57, v51;
	_ =	sdelay $0x3  }
0x4d3: {  	[tilespmem:v4+s19+$0x0] =	vst.idx.msk $0xffff, v3  }
0x4d4: {  	v3 =	vld.idx.msk [tilespmem:v5+s12+$0x0], $0xffff  }
0x4d5: {  	v4 =	vor.u32 v35, v58  }
0x4d6: {  	v5 =	vor.u32 v57, v52;
	_ =	sdelay $0x3  }
0x4d7: {  	[tilespmem:v4+s19+$0x0] =	vst.idx.msk $0xffff, v3  }
0x4d8: {  	v3 =	vld.idx.msk [tilespmem:v5+s12+$0x0], $0xffff  }
0x4d9: {  	v4 =	vor.u32 v36, v58  }
0x4da: {  	v5 =	vor.u32 v57, v53;
	_ =	sdelay $0x3  }
0x4db: {  	[tilespmem:v4+s19+$0x0] =	vst.idx.msk $0xffff, v3  }
0x4dc: {  	v3 =	vld.idx.msk [tilespmem:v5+s12+$0x0], $0xffff  }
0x4dd: {  	v4 =	vor.u32 v37, v58  }
0x4de: {  	v5 =	vor.u32 v57, v54;
	_ =	sdelay $0x3  }
0x4df: {  	[tilespmem:v4+s19+$0x0] =	vst.idx.msk $0xffff, v3  }
0x4e0: {  	v3 =	vld.idx.msk [tilespmem:v5+s12+$0x0], $0xffff  }
0x4e1: {  	v4 =	vor.u32 v38, v58  }
0x4e2: {  	v5 =	vor.u32 v57, v55;
	_ =	sdelay $0x3  }
0x4e3: {  	[tilespmem:v4+s19+$0x0] =	vst.idx.msk $0xffff, v3  }
0x4e4: {  	v3 =	vld.idx.msk [tilespmem:v5+s12+$0x0], $0xffff  }
0x4e5: {  	v4 =	vor.u32 v39, v58  }
0x4e6: {  	v5 =	vor.u32 v57, v56  }
.Ltmp7:
0x4e7: {  	(pc) =	sbr.rel @p1 .LBB2_12-.Ltmp7, $3  }
0x4e8: {  	_ =	sdelay $0x1  }
0x4e9: {  	[tilespmem:v4+s19+$0x0] =	vst.idx.msk $0xffff, v3  }
0x4ea: {  	v57 =	vadd.s32 s26, v0;
	s26 =	sadd.s32 $0x1, s26;
	v59 =	vld.idx.msk [tilespmem:v5+s12+$0x0], $0xffff  }
0x4eb: {  	v60 =	vand.u32 $0xF, v57;
	v3 =	vor.u32 v40, v58  }
0x4ec: {  	v4 =	vor.u32 v60, v41;
	_ =	sdelay $0x1  }
0x4ed: {  	v5 =	vshll.u32 v57, $0x8;
	v63 =	vshll.u32 v57, $0x7  }
0x4ee: {  	v5 =	vand.u32 $0x800, v5;
	v58 =	vand.u32 $0x380, v63  }
0x4ef: {  	[tilespmem:v3+s19+$0x0] =	vst.idx.msk $0xffff, v59;
	v3 =	vor.u32 v58, v5  }
0x4f0: {  	v4 =	vld.idx.msk [tilespmem:v4+s12+$0x0], $0xffff;
	v59 =	vor.u32 v0, v3  }
0x4f1: {  	v61 =	vor.u32 v60, v42;
	_ =	sdelay $0x3  }
0x4f2: {  	[tilespmem:v59+s19+$0x0] =	vst.idx.msk $0xffff, v4  }
0x4f3: {  	v59 =	vor.u32 v34, v3;
	v4 =	vld.idx.msk [tilespmem:v61+s12+$0x0], $0xffff  }
0x4f4: {  	v61 =	vor.u32 v60, v43;
	_ =	sdelay $0x3  }
0x4f5: {  	[tilespmem:v59+s19+$0x0] =	vst.idx.msk $0xffff, v4  }
0x4f6: {  	v59 =	vor.u32 v35, v3;
	v4 =	vld.idx.msk [tilespmem:v61+s12+$0x0], $0xffff  }
0x4f7: {  	v61 =	vor.u32 v60, v44;
	_ =	sdelay $0x3  }
0x4f8: {  	[tilespmem:v59+s19+$0x0] =	vst.idx.msk $0xffff, v4  }
0x4f9: {  	v59 =	vor.u32 v36, v3;
	v4 =	vld.idx.msk [tilespmem:v61+s12+$0x0], $0xffff  }
0x4fa: {  	v61 =	vor.u32 v60, v45;
	_ =	sdelay $0x3  }
0x4fb: {  	[tilespmem:v59+s19+$0x0] =	vst.idx.msk $0xffff, v4  }
0x4fc: {  	v59 =	vor.u32 v37, v3;
	v4 =	vld.idx.msk [tilespmem:v61+s12+$0x0], $0xffff  }
0x4fd: {  	v61 =	vor.u32 v60, v46;
	_ =	sdelay $0x3  }
0x4fe: {  	[tilespmem:v59+s19+$0x0] =	vst.idx.msk $0xffff, v4  }
0x4ff: {  	v59 =	vor.u32 v38, v3;
	v4 =	vld.idx.msk [tilespmem:v61+s12+$0x0], $0xffff  }
0x500: {  	v61 =	vor.u32 v60, v47;
	_ =	sdelay $0x3  }
0x501: {  	[tilespmem:v59+s19+$0x0] =	vst.idx.msk $0xffff, v4  }
0x502: {  	v59 =	vor.u32 v39, v3;
	v4 =	vld.idx.msk [tilespmem:v61+s12+$0x0], $0xffff  }
0x503: {  	v61 =	vor.u32 v60, v48;
	_ =	sdelay $0x3  }
0x504: {  	[tilespmem:v59+s19+$0x0] =	vst.idx.msk $0xffff, v4  }
0x505: {  	v3 =	vor.u32 v40, v3;
	v4 =	vld.idx.msk [tilespmem:v61+s12+$0x0], $0xffff  }
0x506: {  	v61 =	vor.u32 v60, v49;
	_ =	sdelay $0x2  }
0x507: {  	v59 =	vor.u32 $0x400, v58  }
0x508: {  	[tilespmem:v3+s19+$0x0] =	vst.idx.msk $0xffff, v4;
	v3 =	vor.u32 v5, v59  }
0x509: {  	v4 =	vld.idx.msk [tilespmem:v61+s12+$0x0], $0xffff;
	v5 =	vor.u32 v0, v3  }
0x50a: {  	v61 =	vor.u32 v60, v50;
	_ =	sdelay $0x3  }
0x50b: {  	[tilespmem:v5+s19+$0x0] =	vst.idx.msk $0xffff, v4  }
0x50c: {  	v5 =	vor.u32 v34, v3;
	v4 =	vld.idx.msk [tilespmem:v61+s12+$0x0], $0xffff  }
0x50d: {  	v61 =	vor.u32 v60, v51;
	_ =	sdelay $0x3  }
0x50e: {  	[tilespmem:v5+s19+$0x0] =	vst.idx.msk $0xffff, v4  }
0x50f: {  	v5 =	vor.u32 v35, v3;
	v4 =	vld.idx.msk [tilespmem:v61+s12+$0x0], $0xffff  }
0x510: {  	v61 =	vor.u32 v60, v52;
	_ =	sdelay $0x3  }
0x511: {  	[tilespmem:v5+s19+$0x0] =	vst.idx.msk $0xffff, v4  }
0x512: {  	v5 =	vor.u32 v36, v3;
	v4 =	vld.idx.msk [tilespmem:v61+s12+$0x0], $0xffff  }
0x513: {  	v61 =	vor.u32 v60, v53;
	_ =	sdelay $0x3  }
0x514: {  	[tilespmem:v5+s19+$0x0] =	vst.idx.msk $0xffff, v4  }
0x515: {  	v5 =	vor.u32 v37, v3;
	v4 =	vld.idx.msk [tilespmem:v61+s12+$0x0], $0xffff  }
0x516: {  	v61 =	vor.u32 v60, v54;
	_ =	sdelay $0x3  }
0x517: {  	[tilespmem:v5+s19+$0x0] =	vst.idx.msk $0xffff, v4  }
0x518: {  	v5 =	vor.u32 v38, v3;
	v4 =	vld.idx.msk [tilespmem:v61+s12+$0x0], $0xffff  }
0x519: {  	v61 =	vor.u32 v60, v55;
	_ =	sdelay $0x3  }
0x51a: {  	[tilespmem:v5+s19+$0x0] =	vst.idx.msk $0xffff, v4  }
0x51b: {  	v5 =	vor.u32 v39, v3;
	v4 =	vld.idx.msk [tilespmem:v61+s12+$0x0], $0xffff  }
0x51c: {  	v61 =	vor.u32 v60, v56;
	_ =	sdelay $0x3  }
0x51d: {  	[tilespmem:v5+s19+$0x0] =	vst.idx.msk $0xffff, v4  }
0x51e: {  	v3 =	vor.u32 v40, v3;
	v5 =	vor.u32 $0x10, v57;
	v4 =	vld.idx.msk [tilespmem:v61+s12+$0x0], $0xffff  }
0x51f: {  	v61 =	vor.u32 v5, v41;
	_ =	sdelay $0x1  }
0x520: {  	v62 =	vshll.u32 v5, $0x8  }
0x521: {  	v62 =	vand.u32 $0x1800, v62  }
0x522: {  	[tilespmem:v3+s19+$0x0] =	vst.idx.msk $0xffff, v4;
	v3 =	vor.u32 v58, v62  }
0x523: {  	v4 =	vld.idx.msk [tilespmem:v61+s12+$0x0], $0xffff;
	v61 =	vor.u32 v0, v3  }
0x524: {  	v63 =	vor.u32 v5, v42;
	_ =	sdelay $0x3  }
0x525: {  	[tilespmem:v61+s19+$0x0] =	vst.idx.msk $0xffff, v4  }
0x526: {  	v61 =	vor.u32 v34, v3;
	v4 =	vld.idx.msk [tilespmem:v63+s12+$0x0], $0xffff  }
0x527: {  	v63 =	vor.u32 v5, v43;
	_ =	sdelay $0x3  }
0x528: {  	[tilespmem:v61+s19+$0x0] =	vst.idx.msk $0xffff, v4  }
0x529: {  	v61 =	vor.u32 v35, v3;
	v4 =	vld.idx.msk [tilespmem:v63+s12+$0x0], $0xffff  }
0x52a: {  	v63 =	vor.u32 v5, v44;
	_ =	sdelay $0x3  }
0x52b: {  	[tilespmem:v61+s19+$0x0] =	vst.idx.msk $0xffff, v4  }
0x52c: {  	v61 =	vor.u32 v36, v3;
	v4 =	vld.idx.msk [tilespmem:v63+s12+$0x0], $0xffff  }
0x52d: {  	v63 =	vor.u32 v5, v45;
	_ =	sdelay $0x3  }
0x52e: {  	[tilespmem:v61+s19+$0x0] =	vst.idx.msk $0xffff, v4  }
0x52f: {  	v61 =	vor.u32 v37, v3;
	v4 =	vld.idx.msk [tilespmem:v63+s12+$0x0], $0xffff  }
0x530: {  	v63 =	vor.u32 v5, v46;
	_ =	sdelay $0x3  }
0x531: {  	[tilespmem:v61+s19+$0x0] =	vst.idx.msk $0xffff, v4  }
0x532: {  	v61 =	vor.u32 v38, v3;
	v4 =	vld.idx.msk [tilespmem:v63+s12+$0x0], $0xffff  }
0x533: {  	v63 =	vor.u32 v5, v47;
	_ =	sdelay $0x3  }
0x534: {  	[tilespmem:v61+s19+$0x0] =	vst.idx.msk $0xffff, v4  }
0x535: {  	v61 =	vor.u32 v39, v3;
	v4 =	vld.idx.msk [tilespmem:v63+s12+$0x0], $0xffff  }
0x536: {  	v63 =	vor.u32 v5, v48;
	_ =	sdelay $0x3  }
0x537: {  	[tilespmem:v61+s19+$0x0] =	vst.idx.msk $0xffff, v4  }
0x538: {  	v3 =	vor.u32 v40, v3;
	v4 =	vld.idx.msk [tilespmem:v63+s12+$0x0], $0xffff  }
0x539: {  	v61 =	vor.u32 v5, v49;
	_ =	sdelay $0x3  }
0x53a: {  	[tilespmem:v3+s19+$0x0] =	vst.idx.msk $0xffff, v4;
	v3 =	vor.u32 v62, v59  }
0x53b: {  	v4 =	vld.idx.msk [tilespmem:v61+s12+$0x0], $0xffff;
	v61 =	vor.u32 v0, v3  }
0x53c: {  	v62 =	vor.u32 v5, v50;
	_ =	sdelay $0x3  }
0x53d: {  	[tilespmem:v61+s19+$0x0] =	vst.idx.msk $0xffff, v4  }
0x53e: {  	v61 =	vor.u32 v34, v3;
	v4 =	vld.idx.msk [tilespmem:v62+s12+$0x0], $0xffff  }
0x53f: {  	v62 =	vor.u32 v5, v51;
	_ =	sdelay $0x3  }
0x540: {  	[tilespmem:v61+s19+$0x0] =	vst.idx.msk $0xffff, v4  }
0x541: {  	v61 =	vor.u32 v35, v3;
	v4 =	vld.idx.msk [tilespmem:v62+s12+$0x0], $0xffff  }
0x542: {  	v62 =	vor.u32 v5, v52;
	_ =	sdelay $0x3  }
0x543: {  	[tilespmem:v61+s19+$0x0] =	vst.idx.msk $0xffff, v4  }
0x544: {  	v61 =	vor.u32 v36, v3;
	v4 =	vld.idx.msk [tilespmem:v62+s12+$0x0], $0xffff  }
0x545: {  	v62 =	vor.u32 v5, v53;
	_ =	sdelay $0x3  }
0x546: {  	[tilespmem:v61+s19+$0x0] =	vst.idx.msk $0xffff, v4  }
0x547: {  	v61 =	vor.u32 v37, v3;
	v4 =	vld.idx.msk [tilespmem:v62+s12+$0x0], $0xffff  }
0x548: {  	v62 =	vor.u32 v5, v54;
	_ =	sdelay $0x3  }
0x549: {  	[tilespmem:v61+s19+$0x0] =	vst.idx.msk $0xffff, v4  }
0x54a: {  	v61 =	vor.u32 v38, v3;
	v4 =	vld.idx.msk [tilespmem:v62+s12+$0x0], $0xffff  }
0x54b: {  	v62 =	vor.u32 v5, v55;
	_ =	sdelay $0x3  }
0x54c: {  	[tilespmem:v61+s19+$0x0] =	vst.idx.msk $0xffff, v4  }
0x54d: {  	v61 =	vor.u32 v39, v3;
	v4 =	vld.idx.msk [tilespmem:v62+s12+$0x0], $0xffff  }
0x54e: {  	v5 =	vor.u32 v5, v56;
	_ =	sdelay $0x3  }
0x54f: {  	[tilespmem:v61+s19+$0x0] =	vst.idx.msk $0xffff, v4  }
0x550: {  	v3 =	vor.u32 v40, v3;
	v4 =	vld.idx.msk [tilespmem:v5+s12+$0x0], $0xffff;
	v5 =	vor.u32 $0x20, v60  }
0x551: {  	v60 =	vor.u32 v5, v41;
	_ =	sdelay $0x1  }
0x552: {  	v61 =	vshll.u32 v5, $0x8  }
0x553: {  	v61 =	vand.u32 $0x2800, v61  }
0x554: {  	[tilespmem:v3+s19+$0x0] =	vst.idx.msk $0xffff, v4;
	v3 =	vor.u32 v58, v61  }
0x555: {  	v4 =	vld.idx.msk [tilespmem:v60+s12+$0x0], $0xffff;
	v60 =	vor.u32 v0, v3  }
0x556: {  	v62 =	vor.u32 v5, v42;
	_ =	sdelay $0x3  }
0x557: {  	[tilespmem:v60+s19+$0x0] =	vst.idx.msk $0xffff, v4  }
0x558: {  	v60 =	vor.u32 v34, v3;
	v4 =	vld.idx.msk [tilespmem:v62+s12+$0x0], $0xffff  }
0x559: {  	v62 =	vor.u32 v5, v43;
	_ =	sdelay $0x3  }
0x55a: {  	[tilespmem:v60+s19+$0x0] =	vst.idx.msk $0xffff, v4  }
0x55b: {  	v60 =	vor.u32 v35, v3;
	v4 =	vld.idx.msk [tilespmem:v62+s12+$0x0], $0xffff  }
0x55c: {  	v62 =	vor.u32 v5, v44;
	_ =	sdelay $0x3  }
0x55d: {  	[tilespmem:v60+s19+$0x0] =	vst.idx.msk $0xffff, v4  }
0x55e: {  	v60 =	vor.u32 v36, v3;
	v4 =	vld.idx.msk [tilespmem:v62+s12+$0x0], $0xffff  }
0x55f: {  	v62 =	vor.u32 v5, v45;
	_ =	sdelay $0x3  }
0x560: {  	[tilespmem:v60+s19+$0x0] =	vst.idx.msk $0xffff, v4  }
0x561: {  	v60 =	vor.u32 v37, v3;
	v4 =	vld.idx.msk [tilespmem:v62+s12+$0x0], $0xffff  }
0x562: {  	v62 =	vor.u32 v5, v46;
	_ =	sdelay $0x3  }
0x563: {  	[tilespmem:v60+s19+$0x0] =	vst.idx.msk $0xffff, v4  }
0x564: {  	v60 =	vor.u32 v38, v3;
	v4 =	vld.idx.msk [tilespmem:v62+s12+$0x0], $0xffff  }
0x565: {  	v62 =	vor.u32 v5, v47;
	_ =	sdelay $0x3  }
0x566: {  	[tilespmem:v60+s19+$0x0] =	vst.idx.msk $0xffff, v4  }
0x567: {  	v60 =	vor.u32 v39, v3;
	v4 =	vld.idx.msk [tilespmem:v62+s12+$0x0], $0xffff  }
0x568: {  	v62 =	vor.u32 v5, v48;
	_ =	sdelay $0x3  }
0x569: {  	[tilespmem:v60+s19+$0x0] =	vst.idx.msk $0xffff, v4  }
0x56a: {  	v3 =	vor.u32 v40, v3;
	v4 =	vld.idx.msk [tilespmem:v62+s12+$0x0], $0xffff  }
0x56b: {  	v60 =	vor.u32 v5, v49;
	_ =	sdelay $0x3  }
0x56c: {  	[tilespmem:v3+s19+$0x0] =	vst.idx.msk $0xffff, v4;
	v3 =	vor.u32 v61, v59  }
0x56d: {  	v4 =	vld.idx.msk [tilespmem:v60+s12+$0x0], $0xffff;
	v60 =	vor.u32 v0, v3  }
0x56e: {  	v61 =	vor.u32 v5, v50;
	_ =	sdelay $0x3  }
0x56f: {  	[tilespmem:v60+s19+$0x0] =	vst.idx.msk $0xffff, v4  }
0x570: {  	v60 =	vor.u32 v34, v3;
	v4 =	vld.idx.msk [tilespmem:v61+s12+$0x0], $0xffff  }
0x571: {  	v61 =	vor.u32 v5, v51;
	_ =	sdelay $0x3  }
0x572: {  	[tilespmem:v60+s19+$0x0] =	vst.idx.msk $0xffff, v4  }
0x573: {  	v60 =	vor.u32 v35, v3;
	v4 =	vld.idx.msk [tilespmem:v61+s12+$0x0], $0xffff  }
0x574: {  	v61 =	vor.u32 v5, v52;
	_ =	sdelay $0x3  }
0x575: {  	[tilespmem:v60+s19+$0x0] =	vst.idx.msk $0xffff, v4  }
0x576: {  	v60 =	vor.u32 v36, v3;
	v4 =	vld.idx.msk [tilespmem:v61+s12+$0x0], $0xffff  }
0x577: {  	v61 =	vor.u32 v5, v53;
	_ =	sdelay $0x3  }
0x578: {  	[tilespmem:v60+s19+$0x0] =	vst.idx.msk $0xffff, v4  }
0x579: {  	v60 =	vor.u32 v37, v3;
	v4 =	vld.idx.msk [tilespmem:v61+s12+$0x0], $0xffff  }
0x57a: {  	v61 =	vor.u32 v5, v54;
	_ =	sdelay $0x3  }
0x57b: {  	[tilespmem:v60+s19+$0x0] =	vst.idx.msk $0xffff, v4  }
0x57c: {  	v60 =	vor.u32 v38, v3;
	v4 =	vld.idx.msk [tilespmem:v61+s12+$0x0], $0xffff  }
0x57d: {  	v61 =	vor.u32 v5, v55;
	_ =	sdelay $0x3  }
0x57e: {  	[tilespmem:v60+s19+$0x0] =	vst.idx.msk $0xffff, v4  }
0x57f: {  	v60 =	vor.u32 v39, v3;
	v4 =	vld.idx.msk [tilespmem:v61+s12+$0x0], $0xffff  }
0x580: {  	v5 =	vor.u32 v5, v56;
	_ =	sdelay $0x3  }
0x581: {  	[tilespmem:v60+s19+$0x0] =	vst.idx.msk $0xffff, v4  }
0x582: {  	v3 =	vor.u32 v40, v3;
	v4 =	vld.idx.msk [tilespmem:v5+s12+$0x0], $0xffff;
	v5 =	vor.u32 $0x30, v57  }
0x583: {  	v61 =	vor.u32 v5, v41;
	_ =	sdelay $0x1  }
0x584: {  	v57 =	vshll.u32 v5, $0x8  }
0x585: {  	v57 =	vand.u32 $0x3800, v57  }
0x586: {  	[tilespmem:v3+s19+$0x0] =	vst.idx.msk $0xffff, v4;
	v3 =	vor.u32 v58, v57  }
0x587: {  	v4 =	vld.idx.msk [tilespmem:v61+s12+$0x0], $0xffff;
	v62 =	vor.u32 v0, v3  }
0x588: {  	v63 =	vor.u32 v5, v42;
	_ =	sdelay $0x3  }
0x589: {  	[tilespmem:v62+s19+$0x0] =	vst.idx.msk $0xffff, v4  }
0x58a: {  	v58 =	vor.u32 v34, v3;
	v4 =	vld.idx.msk [tilespmem:v63+s12+$0x0], $0xffff  }
0x58b: {  	v60 =	vor.u32 v5, v43;
	_ =	sdelay $0x3  }
0x58c: {  	[tilespmem:v58+s19+$0x0] =	vst.idx.msk $0xffff, v4  }
0x58d: {  	v61 =	vor.u32 v35, v3;
	v4 =	vld.idx.msk [tilespmem:v60+s12+$0x0], $0xffff  }
0x58e: {  	v62 =	vor.u32 v5, v44;
	_ =	sdelay $0x3  }
0x58f: {  	[tilespmem:v61+s19+$0x0] =	vst.idx.msk $0xffff, v4  }
0x590: {  	v63 =	vor.u32 v36, v3;
	v4 =	vld.idx.msk [tilespmem:v62+s12+$0x0], $0xffff  }
0x591: {  	v45 =	vor.u32 v5, v45;
	_ =	sdelay $0x3  }
0x592: {  	[tilespmem:v63+s19+$0x0] =	vst.idx.msk $0xffff, v4  }
0x593: {  	v58 =	vor.u32 v37, v3;
	v4 =	vld.idx.msk [tilespmem:v45+s12+$0x0], $0xffff  }
0x594: {  	v60 =	vor.u32 v5, v46;
	_ =	sdelay $0x3  }
0x595: {  	[tilespmem:v58+s19+$0x0] =	vst.idx.msk $0xffff, v4  }
0x596: {  	v61 =	vor.u32 v38, v3;
	v4 =	vld.idx.msk [tilespmem:v60+s12+$0x0], $0xffff  }
0x597: {  	v62 =	vor.u32 v5, v47;
	_ =	sdelay $0x3  }
0x598: {  	[tilespmem:v61+s19+$0x0] =	vst.idx.msk $0xffff, v4  }
0x599: {  	v63 =	vor.u32 v39, v3;
	v4 =	vld.idx.msk [tilespmem:v62+s12+$0x0], $0xffff  }
0x59a: {  	v45 =	vor.u32 v5, v48;
	_ =	sdelay $0x3  }
0x59b: {  	[tilespmem:v63+s19+$0x0] =	vst.idx.msk $0xffff, v4  }
0x59c: {  	v3 =	vor.u32 v40, v3;
	v4 =	vld.idx.msk [tilespmem:v45+s12+$0x0], $0xffff  }
0x59d: {  	v46 =	vor.u32 v5, v49;
	_ =	sdelay $0x3  }
0x59e: {  	[tilespmem:v3+s19+$0x0] =	vst.idx.msk $0xffff, v4;
	v3 =	vor.u32 v57, v59  }
0x59f: {  	v4 =	vld.idx.msk [tilespmem:v46+s12+$0x0], $0xffff;
	v47 =	vor.u32 v0, v3  }
0x5a0: {  	v48 =	vor.u32 v5, v50;
	_ =	sdelay $0x3  }
0x5a1: {  	[tilespmem:v47+s19+$0x0] =	vst.idx.msk $0xffff, v4  }
0x5a2: {  	v49 =	vor.u32 v34, v3;
	v4 =	vld.idx.msk [tilespmem:v48+s12+$0x0], $0xffff  }
0x5a3: {  	v50 =	vor.u32 v5, v51;
	_ =	sdelay $0x3  }
0x5a4: {  	[tilespmem:v49+s19+$0x0] =	vst.idx.msk $0xffff, v4  }
0x5a5: {  	v51 =	vor.u32 v35, v3;
	v4 =	vld.idx.msk [tilespmem:v50+s12+$0x0], $0xffff  }
0x5a6: {  	v52 =	vor.u32 v5, v52;
	_ =	sdelay $0x3  }
0x5a7: {  	[tilespmem:v51+s19+$0x0] =	vst.idx.msk $0xffff, v4  }
0x5a8: {  	v57 =	vor.u32 v36, v3;
	v4 =	vld.idx.msk [tilespmem:v52+s12+$0x0], $0xffff  }
0x5a9: {  	v58 =	vor.u32 v5, v53;
	_ =	sdelay $0x3  }
0x5aa: {  	[tilespmem:v57+s19+$0x0] =	vst.idx.msk $0xffff, v4  }
0x5ab: {  	v59 =	vor.u32 v37, v3;
	v4 =	vld.idx.msk [tilespmem:v58+s12+$0x0], $0xffff  }
0x5ac: {  	v60 =	vor.u32 v5, v54;
	_ =	sdelay $0x3  }
0x5ad: {  	[tilespmem:v59+s19+$0x0] =	vst.idx.msk $0xffff, v4  }
0x5ae: {  	v61 =	vor.u32 v38, v3;
	v4 =	vld.idx.msk [tilespmem:v60+s12+$0x0], $0xffff  }
0x5af: {  	v62 =	vor.u32 v5, v55;
	_ =	sdelay $0x3  }
0x5b0: {  	[tilespmem:v61+s19+$0x0] =	vst.idx.msk $0xffff, v4  }
0x5b1: {  	v63 =	vor.u32 v39, v3;
	v4 =	vld.idx.msk [tilespmem:v62+s12+$0x0], $0xffff  }
0x5b2: {  	v5 =	vor.u32 v5, v56;
	_ =	sdelay $0x3  }
0x5b3: {  	[tilespmem:v63+s19+$0x0] =	vst.idx.msk $0xffff, v4  }
0x5b4: {  	v3 =	vor.u32 v40, v3;
	v4 =	vld.idx.msk [tilespmem:v5+s12+$0x0], $0xffff;
	_ =	sdelay $0x1  }
.Ltmp8:
0x5b5: {  	_ = 	snop;
	(pc) =	sbr.rel @p0 .LBB2_17-.Ltmp8, $3  }
0x5b6: {  	_ =	sdelay $0x1  }
0x5b7: {  	s25 =	sadd.s32 s25, s5;
	[tilespmem:v3+s19+$0x0] =	vst.idx.msk $0xffff, v4  }
0x5b8: {  	[hbm4b:s25+s15] =	stream.strided.scatter [tilespmem:s19], [sflag:$0x4], $0x4000, s16, s15, $0x38;
	[tilespmem:$0x1E600] =	vst v63  }
0x5b9: {  	s24 =	sand.u32 $0x3FFFFE00, s24;
	s25 =	simm.s32 $0x0  }
0x5ba: {  	s24 =	sadd.s32 $0x300, s24;
	s26 =	sand.u32 $0x80, s25  }
0x5bb: {  	s25 =	sand.u32 $0x70, s25;
	s26 =	sadd.s32 s26, s24  }
0x5bc: {  	s25 =	sadd.s32 s25, s26  }
0x5bd: {  	v41 =	vld [tilespmem:s25+$0x0];
	_ =	sdelay $0x4  }
0x5be: {  	s28 =	simm.s32 $0x10;
	vm0 =	vlt.s32 v41, $0x64000  }
0x5bf: {  	s29 =	sand.u32 $0x80, s28;
	s26 =	simm.s32 $0x20;
	s25 =	simm.s32 $0x6500;
	v42 =	vsel vm0, $0x0, v2  }
.LBB2_15:
0x5c0: {  	p0 =	sne.s32 s26, $0xF0;
	s28 =	sand.u32 $0x70, s28;
	s29 =	sadd.s32 s29, s24;
	v3 =	vadd.s32 v41, v42  }
0x5c1: {  	s29 =	sadd.s32 s28, s29;
	[tilespmem:s25+$0x0] =	vst v3;
	s28 =	smov.u32 s26  }
0x5c2: {  	v41 =	vld [tilespmem:s29+$0x0];
	_ =	sdelay $0x1  }
.Ltmp9:
0x5c3: {  	(pc) =	sbr.rel @p0 .LBB2_15-.Ltmp9, $3  }
0x5c4: {  	_ =	sdelay $0x1  }
0x5c5: {  	vm0 =	vlt.s32 v41, $0x64000  }
0x5c6: {  	s26 =	sadd.s32 $0x10, s26;
	s25 =	sadd.s32 $0x10, s25;
	s29 =	sand.u32 $0x80, s28;
	v42 =	vsel vm0, $0x0, v2  }
0x5c7: {  	s26 =	sand.u32 $0x70, s28;
	s24 =	sadd.s32 s29, s24;
	v3 =	vadd.s32 v41, v42  }
0x5c8: {  	s24 =	sadd.s32 s26, s24;
	[tilespmem:s25+$0x0] =	vst v3  }
0x5c9: {  	v3 =	vld [tilespmem:s24+$0x0];
	_ =	sdelay $0x3  }
0x5ca: {  	p0 =	sne.s32 s23, $0x32  }
.Ltmp10:
0x5cb: {  	vm0 =	vlt.s32 v3, $0x64000;
	(pc) =	sbr.rel @p0 .LBB2_4-.Ltmp10, $4  }
.Ltmp11:
0x5cc: {  	v4 =	vsel vm0, $0x0, v2;
	(pc) =	sbr.rel @!p0 .LBB2_17-.Ltmp11, $4  }
0x5cd: {  	s31 =	sadd.s32 $0x10, s25;
	v3 =	vadd.s32 v3, v4  }
0x5ce: {  	[tilespmem:s31+$0x0] =	vst v3  }
0x5cf: {  	[tilespmem:s12], [sflag:$0x2] =	stream.indirect.gather [hbm4b:s3+s8], $0x80, s11, s8, $0xb8;
	[tilespmem:$0x1E600] =	vst v63  }
0x5d0: {  	_ = 	snop  }
.LBB2_18:
0x5d1: {  	_ =	sfence.sel $0x180000  }
0x5d2: {  	[bflag:$0x0] =	sbarrier.arrive $0xFFFF  }
0x5d3: {  	p0 =	sne.s32 s0, $0x0;
	_ =	strace $0x90000047  }
0x5d4: {  	s0 =	sadd.s32 @!p0 $0x100000, s1;
	[bflag:$0x2] =	sbarrier.arrive $0xFFFF  }
0x5d5: {  	[sflag:s0] =	ssyncadd.tile.s32 @!p0 $0x1;
	_ =	shalt  }
.Lfunc_end2:
_tile_overlayer_lowered:
.L_overlay_start_2:
0x5d6: {  	(tag) =	ssettag $0x2  }
0x5d7: {  	s0 =	rddreg [dreg:$0x0];
	s2 =	stileid.u32  }
0x5d8: {  	s1 =	rddreg [dreg:$0x1];
	p0 =	sne.s32 s2, $0x0  }
0x5d9: {  	s3 =	rddreg [dreg:$0x2];
	[bflag:$0x3] =	sbarrier.arrive $0xFFFF;
	s2 =	simm.s32 @!p0 $0x1C05  }
0x5da: {  	[timem:s3], [sflag:s2] =	dma.local @!p0 [hbm:s0], s1  }
0x5db: {  	s0 =	simm.s32 @!p0 $0x5  }
0x5dc: {  	_ =	swait.ge @!p0 [sflag:s0], s1  }
0x5dd: {  	s1 =	ssub.s32 @!p0 $0x0, s1;
	[sflag:s0] =	ssyncset.done @!p0 $0x0  }
0x5de: {  	[sflag:s0] =	ssyncadd.s32 @!p0 s1  }
0x5df: {  	[bflag:$0x3] =	sbarrier.arrive $0xFFFF  }
0x5e0: {  	_ =	shalt  }

</sc_bundles>
